<compile_context>
chip_gen: v7x
topology: tpu7x:2x2x1
jax: 0.10.2.dev20260603
libtpu: 0.0.44.dev20260713+nightly
codegen_flags: <defaults>
</compile_context>

<pallas_src>
import functools

import jax
import jax.numpy as jnp
import numpy as np
from jax import lax
from jax.experimental import pallas as pl
from jax.experimental.pallas import tpu as pltpu
from jax.experimental.pallas import tpu_sc as plsc

DEPTH = 300
MAX_LENGTH = 200
SCALE = float(np.sqrt(float(DEPTH)))

NUM_CORES = 2
NUM_SUBCORES = 16
NUM_WORKERS = NUM_CORES * NUM_SUBCORES
D_LO = DEPTH // NUM_WORKERS
D_EXTRA = DEPTH - D_LO * NUM_WORKERS
D_HI = D_LO + 1
L_BLK = 8


def _positional_encoding_np(length, depth):
    half = depth / 2
    positions = np.arange(length)[:, np.newaxis]
    depths = np.arange(half)[np.newaxis, :] / half
    angle_rates = 1 / 10000 ** depths
    angle_rads = positions * angle_rates
    return np.concatenate(
        [np.sin(angle_rads), np.cos(angle_rads)], axis=-1
    ).astype(np.float32)


_POS_REP = np.ascontiguousarray(
    np.broadcast_to(
        _positional_encoding_np(MAX_LENGTH, DEPTH).T[:, :, None],
        (DEPTH, MAX_LENGTH, 16),
    )
)


@functools.partial(jax.jit, static_argnames=("n_vocab", "length", "batch"))
def _seq_embedding(seq_t, pos_rep, table_t, n_vocab, length, batch):
    n_blk = length // L_BLK
    n_slices = batch // 16
    blk_elems = L_BLK * batch
    mesh = plsc.VectorSubcoreMesh(core_axis_name="c", subcore_axis_name="s")

    @functools.partial(
        pl.kernel,
        mesh=mesh,
        compiler_params=pltpu.CompilerParams(
            use_tc_tiling_on_sc=False, needs_layout_passes=False),
        out_type=jax.ShapeDtypeStruct((DEPTH * length * batch,), jnp.float32),
        scratch_types=[
            pltpu.VMEM((n_vocab,), jnp.float32),
            pltpu.VMEM((L_BLK * batch,), jnp.int32),
            pltpu.VMEM((blk_elems,), jnp.float32),
            pltpu.VMEM((blk_elems,), jnp.float32),
            pltpu.VMEM((length * 16,), jnp.float32),
            pltpu.SemaphoreType.DMA,
            pltpu.SemaphoreType.DMA,
        ],
    )
    def body(seq_hbm, pos_hbm, table_hbm, out_hbm, row_v, seq_v, out_v0,
             out_v1, pos_v, sem0, sem1):
        cid = lax.axis_index("c")
        sid = lax.axis_index("s")
        wid = sid * NUM_CORES + cid

        n_d = jnp.where(wid < D_EXTRA, D_HI, D_LO)
        d0 = jnp.where(
            wid < D_EXTRA,
            wid * D_HI,
            D_EXTRA * D_HI + (wid - D_EXTRA) * D_LO,
        )
        out_bufs = (out_v0, out_v1)
        sems = (sem0, sem1)

        def run_block(bk, d, buf, sem, first_use):
            out_base = d * (length * batch)
            dst = out_hbm.at[pl.ds(out_base + bk * blk_elems, blk_elems)]
            if first_use is None:
                pltpu.make_async_copy(buf, dst, sem).wait()
            else:
                @pl.when(jnp.logical_not(first_use))
                def _drain():
                    pltpu.make_async_copy(buf, dst, sem).wait()
            pltpu.sync_copy(
                seq_hbm.at[pl.ds(bk * (L_BLK * batch), L_BLK * batch)], seq_v)
            for li in range(L_BLK):
                l = bk * L_BLK + li
                pos_vec = pos_v[pl.ds(l * 16, 16)]

                @plsc.parallel_loop(0, n_slices, unroll=4)
                def _slices(s):
                    idx16 = seq_v[pl.ds(li * batch + s * 16, 16)]
                    g = plsc.load_gather(row_v, [idx16])
                    off = ((s >> 3) * (L_BLK * 128) + li * 128
                           + (s & 7) * 16)
                    buf[pl.ds(off, 16)] = g * SCALE + pos_vec

            pltpu.async_copy(buf, dst, sem)

        def d_body(j, carry):
            d = d0 + j

            @pl.when(j < n_d)
            def _work():
                pltpu.sync_copy(table_hbm.at[pl.ds(d * n_vocab, n_vocab)],
                                row_v)
                pltpu.sync_copy(pos_hbm.at[pl.ds(d * (length * 16),
                                                 length * 16)], pos_v)

                def pair_body(t, carry2):
                    for half in range(2):
                        bk = t * 2 + half
                        run_block(bk, d, out_bufs[half], sems[half],
                                  first_use=jnp.logical_and(j == 0, t == 0))
                    return carry2

                lax.fori_loop(0, n_blk // 2, pair_body, 0)
                if n_blk % 2:
                    run_block(n_blk - 1, d, out_bufs[0], sems[0],
                              first_use=None)

            return carry

        lax.fori_loop(0, D_HI, d_body, 0)
        d_last = d0 + n_d - 1
        for p in range(2):
            bk_last = n_blk - 2 + p if n_blk % 2 == 0 else (
                n_blk - 1 - p)
            dst = out_hbm.at[pl.ds(d_last * (length * batch)
                                   + bk_last * blk_elems, blk_elems)]
            pltpu.make_async_copy(out_bufs[p if n_blk % 2 == 0 else p],
                                  dst, sems[p]).wait()

    return body(seq_t, pos_rep, table_t)


def kernel(seq, table):
    batch, length = seq.shape
    n_vocab, depth = table.shape
    seq_t = seq.T.reshape(-1).astype(jnp.int32)
    table_t = table.T.reshape(-1)
    pos_rep = jnp.asarray(_POS_REP[:, :length].reshape(-1))
    out_flat = _seq_embedding(seq_t, pos_rep, table_t, n_vocab, length, batch)
    out5 = out_flat.reshape(depth, length // L_BLK, batch // 128, L_BLK, 128)
    return out5.transpose(2, 4, 1, 3, 0).reshape(batch, length, depth)

# --- scband reference (transcript-rebuilt; emitter-appended) ---
"""Pipeline reference for scband-seq-embedding-41875931136650 (READ-ONLY COPY).

The authoritative reference and input builder live on the scoring server;
editing this copy changes nothing except your own understanding.
"""

import jax, jax.numpy as jnp
import numpy as np

VOCAB = 100000
DEPTH = 300
MAX_LENGTH = 200
BATCH = 1024
SEQ_LEN = 200

def positional_encoding(length, depth):
    half = depth / 2
    positions = np.arange(length)[:, np.newaxis]
    depths = np.arange(half)[np.newaxis, :] / half
    angle_rates = 1 / 10000 ** depths
    angle_rads = positions * angle_rates
    pos = np.concatenate([np.sin(angle_rads), np.cos(angle_rads)], axis=-1)
    return jnp.asarray(pos, dtype=jnp.float32)

def setup_inputs(seed: int = 0) -> dict:
    key = jax.random.key(seed)
    k_seq, k_tab = jax.random.split(key)
    seq = jax.random.randint(k_seq, (BATCH, SEQ_LEN), 0, VOCAB, dtype=jnp.int64 if jax.config.jax_enable_x64 else jnp.int32)
    table = jax.random.normal(k_tab, (VOCAB, 300), dtype=jnp.float32) * 0.02
    return {"seq": seq, "table": table}

def reference(seq, table):
    length = seq.shape[1]
    emb = jnp.take(table, seq, axis=0)  # [B, L, 300] embedding lookup
    pad_amt = DEPTH - emb.shape[-1]
    emb = jnp.pad(emb, ((0, 0), (0, 0), (0, pad_amt)))
    emb = emb * jnp.sqrt(jnp.asarray(DEPTH, dtype=jnp.float32))
    pos = positional_encoding(MAX_LENGTH, DEPTH)
    return emb + pos[jnp.newaxis, :length, :]

if __name__ == "__main__":
    import jax
    _d = setup_inputs()
    print(jax.jit(kernel)(*tuple(_d.values())))

</pallas_src>

<mosaic_0001>
#map = affine_map<(d0, d1) -> (0)>
module attributes {stable_mosaic.version = 14 : i64} {
  func.func @body(%arg0: i32, %arg1: i32, %arg2: memref<204800xi32, #tpu.memory_space<hbm>>, %arg3: memref<960000xf32, #tpu.memory_space<hbm>>, %arg4: memref<30000000xf32, #tpu.memory_space<hbm>>, %arg5: memref<61440000xf32, #tpu.memory_space<hbm>>, %arg6: memref<100000xf32, #tpu.memory_space<vmem>>, %arg7: memref<8192xi32, #tpu.memory_space<vmem>>, %arg8: memref<8192xf32, #tpu.memory_space<vmem>>, %arg9: memref<8192xf32, #tpu.memory_space<vmem>>, %arg10: memref<3200xf32, #tpu.memory_space<vmem>>, %arg11: memref<!tpu.dma_semaphore, #tpu.memory_space<semaphore_mem>>, %arg12: memref<!tpu.dma_semaphore, #tpu.memory_space<semaphore_mem>>) attributes {dimension_semantics = [#tpu.dimension_semantics<core_parallel>, #tpu.dimension_semantics<subcore_parallel>], iteration_bounds = array<i64: 2, 16>, scalar_prefetch = 0 : i64, scratch_operands = 7 : i64, tpu.core_type = #tpu.core_type<sc_vector_subcore>, window_params = [{transform_indices = #map}, {transform_indices = #map}, {transform_indices = #map}, {transform_indices = #map}]} {
    %mul3A = arith.constant 2 : i32
    %mul3A_0 = arith.muli %arg1, %mul3A : i32
    %add3A = arith.addi %mul3A_0, %arg0 : i32
    %lt3A = arith.constant 12 : i32
    %lt3A_1 = arith.cmpi slt, %add3A, %lt3A : i32
    %jit3A = arith.constant 10 : i32
    %jit3A_2 = arith.constant 9 : i32
    %select_n3A = arith.select %lt3A_1, %jit3A, %jit3A_2 : i32
    %lt3A_3 = arith.constant 12 : i32
    %lt3A_4 = arith.cmpi slt, %add3A, %lt3A_3 : i32
    %mul3A_5 = arith.constant 10 : i32
    %mul3A_6 = arith.muli %add3A, %mul3A_5 : i32
    %sub3A = arith.constant 12 : i32
    %sub3A_7 = arith.subi %add3A, %sub3A : i32
    %mul3A_8 = arith.constant 9 : i32
    %mul3A_9 = arith.muli %sub3A_7, %mul3A_8 : i32
    %add3A_10 = arith.constant 120 : i32
    %add3A_11 = arith.addi %add3A_10, %mul3A_9 : i32
    %select_n3A_12 = arith.select %lt3A_4, %mul3A_6, %add3A_11 : i32
    %scan3A = arith.constant 0 : i32
    %scan3A_13 = arith.constant 0 : i32
    %scan3A_14 = arith.constant 10 : i32
    %scan3A_15 = arith.addi %scan3A_13, %scan3A_14 : i32
    %scan3A_16 = arith.constant 1 : i32
    scf.for %scan3A_32 = %scan3A_13 to %scan3A_15 step %scan3A_16  : i32 {
      %add3A_33 = arith.addi %select_n3A_12, %scan3A_32 : i32
      %lt3A_34 = arith.cmpi slt, %scan3A_32, %select_n3A : i32
      %convert_element_type3A = arith.extui %lt3A_34 : i1 to i32
      %cond3A = arith.constant 0 : i32
      %cond3A_35 = arith.cmpi ne, %convert_element_type3A, %cond3A : i32
      scf.if %cond3A_35 {
        %mul3A_36 = arith.constant 100000 : i32
        %mul3A_37 = arith.muli %add3A_33, %mul3A_36 : i32
        "tpu.region"() ({
          %run_scoped3A = tpu.sem_alloc : memref<!tpu.dma_semaphore, #tpu.memory_space<semaphore_mem>>
          %dma_start3A_91 = tpu.memref_slice %arg4[%mul3A_37] : memref<30000000xf32, #tpu.memory_space<hbm>> -> memref<100000xf32, #tpu.memory_space<hbm>>
          %dma_start3A_92 = tpu.memref_slice %arg4[%mul3A_37] : memref<30000000xf32, #tpu.memory_space<hbm>> -> memref<100000xf32, #tpu.memory_space<hbm>>
          tpu.enqueue_dma source(%dma_start3A_92 : memref<100000xf32, #tpu.memory_space<hbm>>) target(%arg6 : memref<100000xf32, #tpu.memory_space<vmem>>) target_semaphore(%run_scoped3A : memref<!tpu.dma_semaphore, #tpu.memory_space<semaphore_mem>>)
          %dma_wait3A_93 = tpu.memref_slice %arg4[%mul3A_37] : memref<30000000xf32, #tpu.memory_space<hbm>> -> memref<100000xf32, #tpu.memory_space<hbm>>
          %dma_wait3A_94 = tpu.memref_slice %arg4[%mul3A_37] : memref<30000000xf32, #tpu.memory_space<hbm>> -> memref<100000xf32, #tpu.memory_space<hbm>>
          tpu.wait_dma2 semaphore(%run_scoped3A : memref<!tpu.dma_semaphore, #tpu.memory_space<semaphore_mem>>) src(%dma_wait3A_94 : memref<100000xf32, #tpu.memory_space<hbm>>) dst(%arg6 : memref<100000xf32, #tpu.memory_space<vmem>>)
          tpu.yield
        }) : () -> ()
        %mul3A_38 = arith.constant 3200 : i32
        %mul3A_39 = arith.muli %add3A_33, %mul3A_38 : i32
        "tpu.region"() ({
          %run_scoped3A = tpu.sem_alloc : memref<!tpu.dma_semaphore, #tpu.memory_space<semaphore_mem>>
          %dma_start3A_91 = tpu.memref_slice %arg3[%mul3A_39] : memref<960000xf32, #tpu.memory_space<hbm>> -> memref<3200xf32, #tpu.memory_space<hbm>>
          %dma_start3A_92 = tpu.memref_slice %arg3[%mul3A_39] : memref<960000xf32, #tpu.memory_space<hbm>> -> memref<3200xf32, #tpu.memory_space<hbm>>
          tpu.enqueue_dma source(%dma_start3A_92 : memref<3200xf32, #tpu.memory_space<hbm>>) target(%arg10 : memref<3200xf32, #tpu.memory_space<vmem>>) target_semaphore(%run_scoped3A : memref<!tpu.dma_semaphore, #tpu.memory_space<semaphore_mem>>)
          %dma_wait3A_93 = tpu.memref_slice %arg3[%mul3A_39] : memref<960000xf32, #tpu.memory_space<hbm>> -> memref<3200xf32, #tpu.memory_space<hbm>>
          %dma_wait3A_94 = tpu.memref_slice %arg3[%mul3A_39] : memref<960000xf32, #tpu.memory_space<hbm>> -> memref<3200xf32, #tpu.memory_space<hbm>>
          tpu.wait_dma2 semaphore(%run_scoped3A : memref<!tpu.dma_semaphore, #tpu.memory_space<semaphore_mem>>) src(%dma_wait3A_94 : memref<3200xf32, #tpu.memory_space<hbm>>) dst(%arg10 : memref<3200xf32, #tpu.memory_space<vmem>>)
          tpu.yield
        }) : () -> ()
        %scan3A_40 = arith.constant 0 : i32
        %scan3A_41 = arith.constant 0 : i32
        %scan3A_42 = arith.constant 12 : i32
        %scan3A_43 = arith.addi %scan3A_41, %scan3A_42 : i32
        %scan3A_44 = arith.constant 1 : i32
        scf.for %scan3A_91 = %scan3A_41 to %scan3A_43 step %scan3A_44  : i32 {
          %mul3A_92 = arith.constant 2 : i32
          %mul3A_93 = arith.muli %scan3A_91, %mul3A_92 : i32
          %add3A_94 = arith.constant 0 : i32
          %add3A_95 = arith.addi %mul3A_93, %add3A_94 : i32
          %eq3A = arith.constant 0 : i32
          %eq3A_96 = arith.cmpi eq, %scan3A_32, %eq3A : i32
          %eq3A_97 = arith.constant 0 : i32
          %eq3A_98 = arith.cmpi eq, %scan3A_91, %eq3A_97 : i32
          %and3A = arith.andi %eq3A_96, %eq3A_98 : i1
          %mul3A_99 = arith.constant 204800 : i32
          %mul3A_100 = arith.muli %add3A_33, %mul3A_99 : i32
          %mul3A_101 = arith.constant 8192 : i32
          %mul3A_102 = arith.muli %add3A_95, %mul3A_101 : i32
          %add3A_103 = arith.addi %mul3A_100, %mul3A_102 : i32
          %not3A = arith.constant true
          %not3A_104 = arith.xori %and3A, %not3A : i1
          %convert_element_type3A_105 = arith.extui %not3A_104 : i1 to i32
          %cond3A_106 = arith.constant 0 : i32
          %cond3A_107 = arith.cmpi ne, %convert_element_type3A_105, %cond3A_106 : i32
          scf.if %cond3A_107 {
            %dma_wait3A_311 = tpu.memref_slice %arg5[%add3A_103] : memref<61440000xf32, #tpu.memory_space<hbm>> -> memref<8192xf32, #tpu.memory_space<hbm>>
            %dma_wait3A_312 = tpu.memref_slice %arg5[%add3A_103] : memref<61440000xf32, #tpu.memory_space<hbm>> -> memref<8192xf32, #tpu.memory_space<hbm>>
            tpu.wait_dma2 semaphore(%arg11 : memref<!tpu.dma_semaphore, #tpu.memory_space<semaphore_mem>>) src(%arg8 : memref<8192xf32, #tpu.memory_space<vmem>>) dst(%dma_wait3A_312 : memref<8192xf32, #tpu.memory_space<hbm>>)
          } else {
          }
          %mul3A_108 = arith.constant 8192 : i32
          %mul3A_109 = arith.muli %add3A_95, %mul3A_108 : i32
          "tpu.region"() ({
            %run_scoped3A = tpu.sem_alloc : memref<!tpu.dma_semaphore, #tpu.memory_space<semaphore_mem>>
            %dma_start3A_311 = tpu.memref_slice %arg2[%mul3A_109] : memref<204800xi32, #tpu.memory_space<hbm>> -> memref<8192xi32, #tpu.memory_space<hbm>>
            %dma_start3A_312 = tpu.memref_slice %arg2[%mul3A_109] : memref<204800xi32, #tpu.memory_space<hbm>> -> memref<8192xi32, #tpu.memory_space<hbm>>
            tpu.enqueue_dma source(%dma_start3A_312 : memref<8192xi32, #tpu.memory_space<hbm>>) target(%arg7 : memref<8192xi32, #tpu.memory_space<vmem>>) target_semaphore(%run_scoped3A : memref<!tpu.dma_semaphore, #tpu.memory_space<semaphore_mem>>)
            %dma_wait3A_313 = tpu.memref_slice %arg2[%mul3A_109] : memref<204800xi32, #tpu.memory_space<hbm>> -> memref<8192xi32, #tpu.memory_space<hbm>>
            %dma_wait3A_314 = tpu.memref_slice %arg2[%mul3A_109] : memref<204800xi32, #tpu.memory_space<hbm>> -> memref<8192xi32, #tpu.memory_space<hbm>>
            tpu.wait_dma2 semaphore(%run_scoped3A : memref<!tpu.dma_semaphore, #tpu.memory_space<semaphore_mem>>) src(%dma_wait3A_314 : memref<8192xi32, #tpu.memory_space<hbm>>) dst(%arg7 : memref<8192xi32, #tpu.memory_space<vmem>>)
            tpu.yield
          }) : () -> ()
          %mul3A_110 = arith.constant 8 : i32
          %mul3A_111 = arith.muli %add3A_95, %mul3A_110 : i32
          %add3A_112 = arith.constant 0 : i32
          %add3A_113 = arith.addi %mul3A_111, %add3A_112 : i32
          %mul3A_114 = arith.constant 16 : i32
          %mul3A_115 = arith.muli %add3A_113, %mul3A_114 : i32
          %get3A_116 = arith.index_cast %mul3A_115 : i32 to index
          %get3A_117 = tpu.vector_load %arg10[%get3A_116] {strides = array<i32>} : memref<3200xf32, #tpu.memory_space<vmem>>, vector<16xf32>,
          %parallel_loop3A_118 = arith.constant 0 : i32
          %parallel_loop3A_119 = arith.constant 64 : i32
          %parallel_loop3A_120 = arith.constant 1 : i32
          scf.for %parallel_loop3A_311 = %parallel_loop3A_118 to %parallel_loop3A_119 step %parallel_loop3A_120  : i32 {
            %parallel_loop3A_312 = arith.constant 16 : i32
            %parallel_loop3A_313 = arith.muli %parallel_loop3A_311, %parallel_loop3A_312 : i32
            %parallel_loop3A_314 = arith.constant 0 : i32
            %parallel_loop3A_315 = arith.addi %parallel_loop3A_314, %parallel_loop3A_313 : i32
            %parallel_loop3A_316 = arith.index_cast %parallel_loop3A_315 : i32 to index
            %parallel_loop3A_317 = tpu.vector_load %arg7[%parallel_loop3A_316] {strides = array<i32>} : memref<8192xi32, #tpu.memory_space<vmem>>, vector<16xi32>,
            %parallel_loop3A_318 = tpu.vector_load_idx %arg6[%parallel_loop3A_317] : memref<100000xf32, #tpu.memory_space<vmem>>[vector<16xi32>], vector<16xf32>,
            %parallel_loop3A_319 = arith.constant 3 : i32
            %parallel_loop3A_320 = arith.shrsi %parallel_loop3A_311, %parallel_loop3A_319 : i32
            %parallel_loop3A_321 = arith.constant 1024 : i32
            %parallel_loop3A_322 = arith.muli %parallel_loop3A_320, %parallel_loop3A_321 : i32
            %parallel_loop3A_323 = arith.constant 0 : i32
            %parallel_loop3A_324 = arith.addi %parallel_loop3A_322, %parallel_loop3A_323 : i32
            %parallel_loop3A_325 = arith.constant 7 : i32
            %parallel_loop3A_326 = arith.andi %parallel_loop3A_311, %parallel_loop3A_325 : i32
            %parallel_loop3A_327 = arith.constant 16 : i32
            %parallel_loop3A_328 = arith.muli %parallel_loop3A_326, %parallel_loop3A_327 : i32
            %parallel_loop3A_329 = arith.addi %parallel_loop3A_324, %parallel_loop3A_328 : i32
            %parallel_loop3A_330 = arith.constant 17.320509 : f32
            %parallel_loop3A_331 = vector.broadcast %parallel_loop3A_330 : f32 to vector<16xf32>
            %parallel_loop3A_332 = arith.mulf %parallel_loop3A_318, %parallel_loop3A_331 : vector<16xf32>
            %parallel_loop3A_333 = arith.addf %parallel_loop3A_332, %get3A_117 : vector<16xf32>
            %parallel_loop3A_334 = arith.index_cast %parallel_loop3A_329 : i32 to index
            %parallel_loop3A_335 = tpu.vector_load %arg8[%parallel_loop3A_334] {strides = array<i32>} : memref<8192xf32, #tpu.memory_space<vmem>>, vector<16xf32>,
            tpu.vector_store %arg8[%parallel_loop3A_334], %parallel_loop3A_333 {strides = array<i32>} : memref<8192xf32, #tpu.memory_space<vmem>>, vector<16xf32>,
          } {sc.loop_unroll_factor = 4 : i64, sc.parallel_access}
          %mul3A_121 = arith.constant 8 : i32
          %mul3A_122 = arith.muli %add3A_95, %mul3A_121 : i32
          %add3A_123 = arith.constant 1 : i32
          %add3A_124 = arith.addi %mul3A_122, %add3A_123 : i32
          %mul3A_125 = arith.constant 16 : i32
          %mul3A_126 = arith.muli %add3A_124, %mul3A_125 : i32
          %get3A_127 = arith.index_cast %mul3A_126 : i32 to index
          %get3A_128 = tpu.vector_load %arg10[%get3A_127] {strides = array<i32>} : memref<3200xf32, #tpu.memory_space<vmem>>, vector<16xf32>,
          %parallel_loop3A_129 = arith.constant 0 : i32
          %parallel_loop3A_130 = arith.constant 64 : i32
          %parallel_loop3A_131 = arith.constant 1 : i32
          scf.for %parallel_loop3A_311 = %parallel_loop3A_129 to %parallel_loop3A_130 step %parallel_loop3A_131  : i32 {
            %parallel_loop3A_312 = arith.constant 16 : i32
            %parallel_loop3A_313 = arith.muli %parallel_loop3A_311, %parallel_loop3A_312 : i32
            %parallel_loop3A_314 = arith.constant 1024 : i32
            %parallel_loop3A_315 = arith.addi %parallel_loop3A_314, %parallel_loop3A_313 : i32
            %parallel_loop3A_316 = arith.index_cast %parallel_loop3A_315 : i32 to index
            %parallel_loop3A_317 = tpu.vector_load %arg7[%parallel_loop3A_316] {strides = array<i32>} : memref<8192xi32, #tpu.memory_space<vmem>>, vector<16xi32>,
            %parallel_loop3A_318 = tpu.vector_load_idx %arg6[%parallel_loop3A_317] : memref<100000xf32, #tpu.memory_space<vmem>>[vector<16xi32>], vector<16xf32>,
            %parallel_loop3A_319 = arith.constant 3 : i32
            %parallel_loop3A_320 = arith.shrsi %parallel_loop3A_311, %parallel_loop3A_319 : i32
            %parallel_loop3A_321 = arith.constant 1024 : i32
            %parallel_loop3A_322 = arith.muli %parallel_loop3A_320, %parallel_loop3A_321 : i32
            %parallel_loop3A_323 = arith.constant 128 : i32
            %parallel_loop3A_324 = arith.addi %parallel_loop3A_322, %parallel_loop3A_323 : i32
            %parallel_loop3A_325 = arith.constant 7 : i32
            %parallel_loop3A_326 = arith.andi %parallel_loop3A_311, %parallel_loop3A_325 : i32
            %parallel_loop3A_327 = arith.constant 16 : i32
            %parallel_loop3A_328 = arith.muli %parallel_loop3A_326, %parallel_loop3A_327 : i32
            %parallel_loop3A_329 = arith.addi %parallel_loop3A_324, %parallel_loop3A_328 : i32
            %parallel_loop3A_330 = arith.constant 17.320509 : f32
            %parallel_loop3A_331 = vector.broadcast %parallel_loop3A_330 : f32 to vector<16xf32>
            %parallel_loop3A_332 = arith.mulf %parallel_loop3A_318, %parallel_loop3A_331 : vector<16xf32>
            %parallel_loop3A_333 = arith.addf %parallel_loop3A_332, %get3A_128 : vector<16xf32>
            %parallel_loop3A_334 = arith.index_cast %parallel_loop3A_329 : i32 to index
            %parallel_loop3A_335 = tpu.vector_load %arg8[%parallel_loop3A_334] {strides = array<i32>} : memref<8192xf32, #tpu.memory_space<vmem>>, vector<16xf32>,
            tpu.vector_store %arg8[%parallel_loop3A_334], %parallel_loop3A_333 {strides = array<i32>} : memref<8192xf32, #tpu.memory_space<vmem>>, vector<16xf32>,
          } {sc.loop_unroll_factor = 4 : i64, sc.parallel_access}
          %mul3A_132 = arith.constant 8 : i32
          %mul3A_133 = arith.muli %add3A_95, %mul3A_132 : i32
          %add3A_134 = arith.constant 2 : i32
          %add3A_135 = arith.addi %mul3A_133, %add3A_134 : i32
          %mul3A_136 = arith.constant 16 : i32
          %mul3A_137 = arith.muli %add3A_135, %mul3A_136 : i32
          %get3A_138 = arith.index_cast %mul3A_137 : i32 to index
          %get3A_139 = tpu.vector_load %arg10[%get3A_138] {strides = array<i32>} : memref<3200xf32, #tpu.memory_space<vmem>>, vector<16xf32>,
          %parallel_loop3A_140 = arith.constant 0 : i32
          %parallel_loop3A_141 = arith.constant 64 : i32
          %parallel_loop3A_142 = arith.constant 1 : i32
          scf.for %parallel_loop3A_311 = %parallel_loop3A_140 to %parallel_loop3A_141 step %parallel_loop3A_142  : i32 {
            %parallel_loop3A_312 = arith.constant 16 : i32
            %parallel_loop3A_313 = arith.muli %parallel_loop3A_311, %parallel_loop3A_312 : i32
            %parallel_loop3A_314 = arith.constant 2048 : i32
            %parallel_loop3A_315 = arith.addi %parallel_loop3A_314, %parallel_loop3A_313 : i32
            %parallel_loop3A_316 = arith.index_cast %parallel_loop3A_315 : i32 to index
            %parallel_loop3A_317 = tpu.vector_load %arg7[%parallel_loop3A_316] {strides = array<i32>} : memref<8192xi32, #tpu.memory_space<vmem>>, vector<16xi32>,
            %parallel_loop3A_318 = tpu.vector_load_idx %arg6[%parallel_loop3A_317] : memref<100000xf32, #tpu.memory_space<vmem>>[vector<16xi32>], vector<16xf32>,
            %parallel_loop3A_319 = arith.constant 3 : i32
            %parallel_loop3A_320 = arith.shrsi %parallel_loop3A_311, %parallel_loop3A_319 : i32
            %parallel_loop3A_321 = arith.constant 1024 : i32
            %parallel_loop3A_322 = arith.muli %parallel_loop3A_320, %parallel_loop3A_321 : i32
            %parallel_loop3A_323 = arith.constant 256 : i32
            %parallel_loop3A_324 = arith.addi %parallel_loop3A_322, %parallel_loop3A_323 : i32
            %parallel_loop3A_325 = arith.constant 7 : i32
            %parallel_loop3A_326 = arith.andi %parallel_loop3A_311, %parallel_loop3A_325 : i32
            %parallel_loop3A_327 = arith.constant 16 : i32
            %parallel_loop3A_328 = arith.muli %parallel_loop3A_326, %parallel_loop3A_327 : i32
            %parallel_loop3A_329 = arith.addi %parallel_loop3A_324, %parallel_loop3A_328 : i32
            %parallel_loop3A_330 = arith.constant 17.320509 : f32
            %parallel_loop3A_331 = vector.broadcast %parallel_loop3A_330 : f32 to vector<16xf32>
            %parallel_loop3A_332 = arith.mulf %parallel_loop3A_318, %parallel_loop3A_331 : vector<16xf32>
            %parallel_loop3A_333 = arith.addf %parallel_loop3A_332, %get3A_139 : vector<16xf32>
            %parallel_loop3A_334 = arith.index_cast %parallel_loop3A_329 : i32 to index
            %parallel_loop3A_335 = tpu.vector_load %arg8[%parallel_loop3A_334] {strides = array<i32>} : memref<8192xf32, #tpu.memory_space<vmem>>, vector<16xf32>,
            tpu.vector_store %arg8[%parallel_loop3A_334], %parallel_loop3A_333 {strides = array<i32>} : memref<8192xf32, #tpu.memory_space<vmem>>, vector<16xf32>,
          } {sc.loop_unroll_factor = 4 : i64, sc.parallel_access}
          %mul3A_143 = arith.constant 8 : i32
          %mul3A_144 = arith.muli %add3A_95, %mul3A_143 : i32
          %add3A_145 = arith.constant 3 : i32
          %add3A_146 = arith.addi %mul3A_144, %add3A_145 : i32
          %mul3A_147 = arith.constant 16 : i32
          %mul3A_148 = arith.muli %add3A_146, %mul3A_147 : i32
          %get3A_149 = arith.index_cast %mul3A_148 : i32 to index
          %get3A_150 = tpu.vector_load %arg10[%get3A_149] {strides = array<i32>} : memref<3200xf32, #tpu.memory_space<vmem>>, vector<16xf32>,
          %parallel_loop3A_151 = arith.constant 0 : i32
          %parallel_loop3A_152 = arith.constant 64 : i32
          %parallel_loop3A_153 = arith.constant 1 : i32
          scf.for %parallel_loop3A_311 = %parallel_loop3A_151 to %parallel_loop3A_152 step %parallel_loop3A_153  : i32 {
            %parallel_loop3A_312 = arith.constant 16 : i32
            %parallel_loop3A_313 = arith.muli %parallel_loop3A_311, %parallel_loop3A_312 : i32
            %parallel_loop3A_314 = arith.constant 3072 : i32
            %parallel_loop3A_315 = arith.addi %parallel_loop3A_314, %parallel_loop3A_313 : i32
            %parallel_loop3A_316 = arith.index_cast %parallel_loop3A_315 : i32 to index
            %parallel_loop3A_317 = tpu.vector_load %arg7[%parallel_loop3A_316] {strides = array<i32>} : memref<8192xi32, #tpu.memory_space<vmem>>, vector<16xi32>,
            %parallel_loop3A_318 = tpu.vector_load_idx %arg6[%parallel_loop3A_317] : memref<100000xf32, #tpu.memory_space<vmem>>[vector<16xi32>], vector<16xf32>,
            %parallel_loop3A_319 = arith.constant 3 : i32
            %parallel_loop3A_320 = arith.shrsi %parallel_loop3A_311, %parallel_loop3A_319 : i32
            %parallel_loop3A_321 = arith.constant 1024 : i32
            %parallel_loop3A_322 = arith.muli %parallel_loop3A_320, %parallel_loop3A_321 : i32
            %parallel_loop3A_323 = arith.constant 384 : i32
            %parallel_loop3A_324 = arith.addi %parallel_loop3A_322, %parallel_loop3A_323 : i32
            %parallel_loop3A_325 = arith.constant 7 : i32
            %parallel_loop3A_326 = arith.andi %parallel_loop3A_311, %parallel_loop3A_325 : i32
            %parallel_loop3A_327 = arith.constant 16 : i32
            %parallel_loop3A_328 = arith.muli %parallel_loop3A_326, %parallel_loop3A_327 : i32
            %parallel_loop3A_329 = arith.addi %parallel_loop3A_324, %parallel_loop3A_328 : i32
            %parallel_loop3A_330 = arith.constant 17.320509 : f32
            %parallel_loop3A_331 = vector.broadcast %parallel_loop3A_330 : f32 to vector<16xf32>
            %parallel_loop3A_332 = arith.mulf %parallel_loop3A_318, %parallel_loop3A_331 : vector<16xf32>
            %parallel_loop3A_333 = arith.addf %parallel_loop3A_332, %get3A_150 : vector<16xf32>
            %parallel_loop3A_334 = arith.index_cast %parallel_loop3A_329 : i32 to index
            %parallel_loop3A_335 = tpu.vector_load %arg8[%parallel_loop3A_334] {strides = array<i32>} : memref<8192xf32, #tpu.memory_space<vmem>>, vector<16xf32>,
            tpu.vector_store %arg8[%parallel_loop3A_334], %parallel_loop3A_333 {strides = array<i32>} : memref<8192xf32, #tpu.memory_space<vmem>>, vector<16xf32>,
          } {sc.loop_unroll_factor = 4 : i64, sc.parallel_access}
          %mul3A_154 = arith.constant 8 : i32
          %mul3A_155 = arith.muli %add3A_95, %mul3A_154 : i32
          %add3A_156 = arith.constant 4 : i32
          %add3A_157 = arith.addi %mul3A_155, %add3A_156 : i32
          %mul3A_158 = arith.constant 16 : i32
          %mul3A_159 = arith.muli %add3A_157, %mul3A_158 : i32
          %get3A_160 = arith.index_cast %mul3A_159 : i32 to index
          %get3A_161 = tpu.vector_load %arg10[%get3A_160] {strides = array<i32>} : memref<3200xf32, #tpu.memory_space<vmem>>, vector<16xf32>,
          %parallel_loop3A_162 = arith.constant 0 : i32
          %parallel_loop3A_163 = arith.constant 64 : i32
          %parallel_loop3A_164 = arith.constant 1 : i32
          scf.for %parallel_loop3A_311 = %parallel_loop3A_162 to %parallel_loop3A_163 step %parallel_loop3A_164  : i32 {
            %parallel_loop3A_312 = arith.constant 16 : i32
            %parallel_loop3A_313 = arith.muli %parallel_loop3A_311, %parallel_loop3A_312 : i32
            %parallel_loop3A_314 = arith.constant 4096 : i32
            %parallel_loop3A_315 = arith.addi %parallel_loop3A_314, %parallel_loop3A_313 : i32
            %parallel_loop3A_316 = arith.index_cast %parallel_loop3A_315 : i32 to index
            %parallel_loop3A_317 = tpu.vector_load %arg7[%parallel_loop3A_316] {strides = array<i32>} : memref<8192xi32, #tpu.memory_space<vmem>>, vector<16xi32>,
            %parallel_loop3A_318 = tpu.vector_load_idx %arg6[%parallel_loop3A_317] : memref<100000xf32, #tpu.memory_space<vmem>>[vector<16xi32>], vector<16xf32>,
            %parallel_loop3A_319 = arith.constant 3 : i32
            %parallel_loop3A_320 = arith.shrsi %parallel_loop3A_311, %parallel_loop3A_319 : i32
            %parallel_loop3A_321 = arith.constant 1024 : i32
            %parallel_loop3A_322 = arith.muli %parallel_loop3A_320, %parallel_loop3A_321 : i32
            %parallel_loop3A_323 = arith.constant 512 : i32
            %parallel_loop3A_324 = arith.addi %parallel_loop3A_322, %parallel_loop3A_323 : i32
            %parallel_loop3A_325 = arith.constant 7 : i32
            %parallel_loop3A_326 = arith.andi %parallel_loop3A_311, %parallel_loop3A_325 : i32
            %parallel_loop3A_327 = arith.constant 16 : i32
            %parallel_loop3A_328 = arith.muli %parallel_loop3A_326, %parallel_loop3A_327 : i32
            %parallel_loop3A_329 = arith.addi %parallel_loop3A_324, %parallel_loop3A_328 : i32
            %parallel_loop3A_330 = arith.constant 17.320509 : f32
            %parallel_loop3A_331 = vector.broadcast %parallel_loop3A_330 : f32 to vector<16xf32>
            %parallel_loop3A_332 = arith.mulf %parallel_loop3A_318, %parallel_loop3A_331 : vector<16xf32>
            %parallel_loop3A_333 = arith.addf %parallel_loop3A_332, %get3A_161 : vector<16xf32>
            %parallel_loop3A_334 = arith.index_cast %parallel_loop3A_329 : i32 to index
            %parallel_loop3A_335 = tpu.vector_load %arg8[%parallel_loop3A_334] {strides = array<i32>} : memref<8192xf32, #tpu.memory_space<vmem>>, vector<16xf32>,
            tpu.vector_store %arg8[%parallel_loop3A_334], %parallel_loop3A_333 {strides = array<i32>} : memref<8192xf32, #tpu.memory_space<vmem>>, vector<16xf32>,
          } {sc.loop_unroll_factor = 4 : i64, sc.parallel_access}
          %mul3A_165 = arith.constant 8 : i32
          %mul3A_166 = arith.muli %add3A_95, %mul3A_165 : i32
          %add3A_167 = arith.constant 5 : i32
          %add3A_168 = arith.addi %mul3A_166, %add3A_167 : i32
          %mul3A_169 = arith.constant 16 : i32
          %mul3A_170 = arith.muli %add3A_168, %mul3A_169 : i32
          %get3A_171 = arith.index_cast %mul3A_170 : i32 to index
          %get3A_172 = tpu.vector_load %arg10[%get3A_171] {strides = array<i32>} : memref<3200xf32, #tpu.memory_space<vmem>>, vector<16xf32>,
          %parallel_loop3A_173 = arith.constant 0 : i32
          %parallel_loop3A_174 = arith.constant 64 : i32
          %parallel_loop3A_175 = arith.constant 1 : i32
          scf.for %parallel_loop3A_311 = %parallel_loop3A_173 to %parallel_loop3A_174 step %parallel_loop3A_175  : i32 {
            %parallel_loop3A_312 = arith.constant 16 : i32
            %parallel_loop3A_313 = arith.muli %parallel_loop3A_311, %parallel_loop3A_312 : i32
            %parallel_loop3A_314 = arith.constant 5120 : i32
            %parallel_loop3A_315 = arith.addi %parallel_loop3A_314, %parallel_loop3A_313 : i32
            %parallel_loop3A_316 = arith.index_cast %parallel_loop3A_315 : i32 to index
            %parallel_loop3A_317 = tpu.vector_load %arg7[%parallel_loop3A_316] {strides = array<i32>} : memref<8192xi32, #tpu.memory_space<vmem>>, vector<16xi32>,
            %parallel_loop3A_318 = tpu.vector_load_idx %arg6[%parallel_loop3A_317] : memref<100000xf32, #tpu.memory_space<vmem>>[vector<16xi32>], vector<16xf32>,
            %parallel_loop3A_319 = arith.constant 3 : i32
            %parallel_loop3A_320 = arith.shrsi %parallel_loop3A_311, %parallel_loop3A_319 : i32
            %parallel_loop3A_321 = arith.constant 1024 : i32
            %parallel_loop3A_322 = arith.muli %parallel_loop3A_320, %parallel_loop3A_321 : i32
            %parallel_loop3A_323 = arith.constant 640 : i32
            %parallel_loop3A_324 = arith.addi %parallel_loop3A_322, %parallel_loop3A_323 : i32
            %parallel_loop3A_325 = arith.constant 7 : i32
            %parallel_loop3A_326 = arith.andi %parallel_loop3A_311, %parallel_loop3A_325 : i32
            %parallel_loop3A_327 = arith.constant 16 : i32
            %parallel_loop3A_328 = arith.muli %parallel_loop3A_326, %parallel_loop3A_327 : i32
            %parallel_loop3A_329 = arith.addi %parallel_loop3A_324, %parallel_loop3A_328 : i32
            %parallel_loop3A_330 = arith.constant 17.320509 : f32
            %parallel_loop3A_331 = vector.broadcast %parallel_loop3A_330 : f32 to vector<16xf32>
            %parallel_loop3A_332 = arith.mulf %parallel_loop3A_318, %parallel_loop3A_331 : vector<16xf32>
            %parallel_loop3A_333 = arith.addf %parallel_loop3A_332, %get3A_172 : vector<16xf32>
            %parallel_loop3A_334 = arith.index_cast %parallel_loop3A_329 : i32 to index
            %parallel_loop3A_335 = tpu.vector_load %arg8[%parallel_loop3A_334] {strides = array<i32>} : memref<8192xf32, #tpu.memory_space<vmem>>, vector<16xf32>,
            tpu.vector_store %arg8[%parallel_loop3A_334], %parallel_loop3A_333 {strides = array<i32>} : memref<8192xf32, #tpu.memory_space<vmem>>, vector<16xf32>,
          } {sc.loop_unroll_factor = 4 : i64, sc.parallel_access}
          %mul3A_176 = arith.constant 8 : i32
          %mul3A_177 = arith.muli %add3A_95, %mul3A_176 : i32
          %add3A_178 = arith.constant 6 : i32
          %add3A_179 = arith.addi %mul3A_177, %add3A_178 : i32
          %mul3A_180 = arith.constant 16 : i32
          %mul3A_181 = arith.muli %add3A_179, %mul3A_180 : i32
          %get3A_182 = arith.index_cast %mul3A_181 : i32 to index
          %get3A_183 = tpu.vector_load %arg10[%get3A_182] {strides = array<i32>} : memref<3200xf32, #tpu.memory_space<vmem>>, vector<16xf32>,
          %parallel_loop3A_184 = arith.constant 0 : i32
          %parallel_loop3A_185 = arith.constant 64 : i32
          %parallel_loop3A_186 = arith.constant 1 : i32
          scf.for %parallel_loop3A_311 = %parallel_loop3A_184 to %parallel_loop3A_185 step %parallel_loop3A_186  : i32 {
            %parallel_loop3A_312 = arith.constant 16 : i32
            %parallel_loop3A_313 = arith.muli %parallel_loop3A_311, %parallel_loop3A_312 : i32
            %parallel_loop3A_314 = arith.constant 6144 : i32
            %parallel_loop3A_315 = arith.addi %parallel_loop3A_314, %parallel_loop3A_313 : i32
            %parallel_loop3A_316 = arith.index_cast %parallel_loop3A_315 : i32 to index
            %parallel_loop3A_317 = tpu.vector_load %arg7[%parallel_loop3A_316] {strides = array<i32>} : memref<8192xi32, #tpu.memory_space<vmem>>, vector<16xi32>,
            %parallel_loop3A_318 = tpu.vector_load_idx %arg6[%parallel_loop3A_317] : memref<100000xf32, #tpu.memory_space<vmem>>[vector<16xi32>], vector<16xf32>,
            %parallel_loop3A_319 = arith.constant 3 : i32
            %parallel_loop3A_320 = arith.shrsi %parallel_loop3A_311, %parallel_loop3A_319 : i32
            %parallel_loop3A_321 = arith.constant 1024 : i32
            %parallel_loop3A_322 = arith.muli %parallel_loop3A_320, %parallel_loop3A_321 : i32
            %parallel_loop3A_323 = arith.constant 768 : i32
            %parallel_loop3A_324 = arith.addi %parallel_loop3A_322, %parallel_loop3A_323 : i32
            %parallel_loop3A_325 = arith.constant 7 : i32
            %parallel_loop3A_326 = arith.andi %parallel_loop3A_311, %parallel_loop3A_325 : i32
            %parallel_loop3A_327 = arith.constant 16 : i32
            %parallel_loop3A_328 = arith.muli %parallel_loop3A_326, %parallel_loop3A_327 : i32
            %parallel_loop3A_329 = arith.addi %parallel_loop3A_324, %parallel_loop3A_328 : i32
            %parallel_loop3A_330 = arith.constant 17.320509 : f32
            %parallel_loop3A_331 = vector.broadcast %parallel_loop3A_330 : f32 to vector<16xf32>
            %parallel_loop3A_332 = arith.mulf %parallel_loop3A_318, %parallel_loop3A_331 : vector<16xf32>
            %parallel_loop3A_333 = arith.addf %parallel_loop3A_332, %get3A_183 : vector<16xf32>
            %parallel_loop3A_334 = arith.index_cast %parallel_loop3A_329 : i32 to index
            %parallel_loop3A_335 = tpu.vector_load %arg8[%parallel_loop3A_334] {strides = array<i32>} : memref<8192xf32, #tpu.memory_space<vmem>>, vector<16xf32>,
            tpu.vector_store %arg8[%parallel_loop3A_334], %parallel_loop3A_333 {strides = array<i32>} : memref<8192xf32, #tpu.memory_space<vmem>>, vector<16xf32>,
          } {sc.loop_unroll_factor = 4 : i64, sc.parallel_access}
          %mul3A_187 = arith.constant 8 : i32
          %mul3A_188 = arith.muli %add3A_95, %mul3A_187 : i32
          %add3A_189 = arith.constant 7 : i32
          %add3A_190 = arith.addi %mul3A_188, %add3A_189 : i32
          %mul3A_191 = arith.constant 16 : i32
          %mul3A_192 = arith.muli %add3A_190, %mul3A_191 : i32
          %get3A_193 = arith.index_cast %mul3A_192 : i32 to index
          %get3A_194 = tpu.vector_load %arg10[%get3A_193] {strides = array<i32>} : memref<3200xf32, #tpu.memory_space<vmem>>, vector<16xf32>,
          %parallel_loop3A_195 = arith.constant 0 : i32
          %parallel_loop3A_196 = arith.constant 64 : i32
          %parallel_loop3A_197 = arith.constant 1 : i32
          scf.for %parallel_loop3A_311 = %parallel_loop3A_195 to %parallel_loop3A_196 step %parallel_loop3A_197  : i32 {
            %parallel_loop3A_312 = arith.constant 16 : i32
            %parallel_loop3A_313 = arith.muli %parallel_loop3A_311, %parallel_loop3A_312 : i32
            %parallel_loop3A_314 = arith.constant 7168 : i32
            %parallel_loop3A_315 = arith.addi %parallel_loop3A_314, %parallel_loop3A_313 : i32
            %parallel_loop3A_316 = arith.index_cast %parallel_loop3A_315 : i32 to index
            %parallel_loop3A_317 = tpu.vector_load %arg7[%parallel_loop3A_316] {strides = array<i32>} : memref<8192xi32, #tpu.memory_space<vmem>>, vector<16xi32>,
            %parallel_loop3A_318 = tpu.vector_load_idx %arg6[%parallel_loop3A_317] : memref<100000xf32, #tpu.memory_space<vmem>>[vector<16xi32>], vector<16xf32>,
            %parallel_loop3A_319 = arith.constant 3 : i32
            %parallel_loop3A_320 = arith.shrsi %parallel_loop3A_311, %parallel_loop3A_319 : i32
            %parallel_loop3A_321 = arith.constant 1024 : i32
            %parallel_loop3A_322 = arith.muli %parallel_loop3A_320, %parallel_loop3A_321 : i32
            %parallel_loop3A_323 = arith.constant 896 : i32
            %parallel_loop3A_324 = arith.addi %parallel_loop3A_322, %parallel_loop3A_323 : i32
            %parallel_loop3A_325 = arith.constant 7 : i32
            %parallel_loop3A_326 = arith.andi %parallel_loop3A_311, %parallel_loop3A_325 : i32
            %parallel_loop3A_327 = arith.constant 16 : i32
            %parallel_loop3A_328 = arith.muli %parallel_loop3A_326, %parallel_loop3A_327 : i32
            %parallel_loop3A_329 = arith.addi %parallel_loop3A_324, %parallel_loop3A_328 : i32
            %parallel_loop3A_330 = arith.constant 17.320509 : f32
            %parallel_loop3A_331 = vector.broadcast %parallel_loop3A_330 : f32 to vector<16xf32>
            %parallel_loop3A_332 = arith.mulf %parallel_loop3A_318, %parallel_loop3A_331 : vector<16xf32>
            %parallel_loop3A_333 = arith.addf %parallel_loop3A_332, %get3A_194 : vector<16xf32>
            %parallel_loop3A_334 = arith.index_cast %parallel_loop3A_329 : i32 to index
            %parallel_loop3A_335 = tpu.vector_load %arg8[%parallel_loop3A_334] {strides = array<i32>} : memref<8192xf32, #tpu.memory_space<vmem>>, vector<16xf32>,
            tpu.vector_store %arg8[%parallel_loop3A_334], %parallel_loop3A_333 {strides = array<i32>} : memref<8192xf32, #tpu.memory_space<vmem>>, vector<16xf32>,
          } {sc.loop_unroll_factor = 4 : i64, sc.parallel_access}
          %dma_start3A_198 = tpu.memref_slice %arg5[%add3A_103] : memref<61440000xf32, #tpu.memory_space<hbm>> -> memref<8192xf32, #tpu.memory_space<hbm>>
          %dma_start3A_199 = tpu.memref_slice %arg5[%add3A_103] : memref<61440000xf32, #tpu.memory_space<hbm>> -> memref<8192xf32, #tpu.memory_space<hbm>>
          tpu.enqueue_dma source(%arg8 : memref<8192xf32, #tpu.memory_space<vmem>>) target(%dma_start3A_199 : memref<8192xf32, #tpu.memory_space<hbm>>) target_semaphore(%arg11 : memref<!tpu.dma_semaphore, #tpu.memory_space<semaphore_mem>>)
          %mul3A_200 = arith.constant 2 : i32
          %mul3A_201 = arith.muli %scan3A_91, %mul3A_200 : i32
          %add3A_202 = arith.constant 1 : i32
          %add3A_203 = arith.addi %mul3A_201, %add3A_202 : i32
          %eq3A_204 = arith.constant 0 : i32
          %eq3A_205 = arith.cmpi eq, %scan3A_32, %eq3A_204 : i32
          %eq3A_206 = arith.constant 0 : i32
          %eq3A_207 = arith.cmpi eq, %scan3A_91, %eq3A_206 : i32
          %and3A_208 = arith.andi %eq3A_205, %eq3A_207 : i1
          %mul3A_209 = arith.constant 204800 : i32
          %mul3A_210 = arith.muli %add3A_33, %mul3A_209 : i32
          %mul3A_211 = arith.constant 8192 : i32
          %mul3A_212 = arith.muli %add3A_203, %mul3A_211 : i32
          %add3A_213 = arith.addi %mul3A_210, %mul3A_212 : i32
          %not3A_214 = arith.constant true
          %not3A_215 = arith.xori %and3A_208, %not3A_214 : i1
          %convert_element_type3A_216 = arith.extui %not3A_215 : i1 to i32
          %cond3A_217 = arith.constant 0 : i32
          %cond3A_218 = arith.cmpi ne, %convert_element_type3A_216, %cond3A_217 : i32
          scf.if %cond3A_218 {
            %dma_wait3A_311 = tpu.memref_slice %arg5[%add3A_213] : memref<61440000xf32, #tpu.memory_space<hbm>> -> memref<8192xf32, #tpu.memory_space<hbm>>
            %dma_wait3A_312 = tpu.memref_slice %arg5[%add3A_213] : memref<61440000xf32, #tpu.memory_space<hbm>> -> memref<8192xf32, #tpu.memory_space<hbm>>
            tpu.wait_dma2 semaphore(%arg12 : memref<!tpu.dma_semaphore, #tpu.memory_space<semaphore_mem>>) src(%arg9 : memref<8192xf32, #tpu.memory_space<vmem>>) dst(%dma_wait3A_312 : memref<8192xf32, #tpu.memory_space<hbm>>)
          } else {
          }
          %mul3A_219 = arith.constant 8192 : i32
          %mul3A_220 = arith.muli %add3A_203, %mul3A_219 : i32
          "tpu.region"() ({
            %run_scoped3A = tpu.sem_alloc : memref<!tpu.dma_semaphore, #tpu.memory_space<semaphore_mem>>
            %dma_start3A_311 = tpu.memref_slice %arg2[%mul3A_220] : memref<204800xi32, #tpu.memory_space<hbm>> -> memref<8192xi32, #tpu.memory_space<hbm>>
            %dma_start3A_312 = tpu.memref_slice %arg2[%mul3A_220] : memref<204800xi32, #tpu.memory_space<hbm>> -> memref<8192xi32, #tpu.memory_space<hbm>>
            tpu.enqueue_dma source(%dma_start3A_312 : memref<8192xi32, #tpu.memory_space<hbm>>) target(%arg7 : memref<8192xi32, #tpu.memory_space<vmem>>) target_semaphore(%run_scoped3A : memref<!tpu.dma_semaphore, #tpu.memory_space<semaphore_mem>>)
            %dma_wait3A_313 = tpu.memref_slice %arg2[%mul3A_220] : memref<204800xi32, #tpu.memory_space<hbm>> -> memref<8192xi32, #tpu.memory_space<hbm>>
            %dma_wait3A_314 = tpu.memref_slice %arg2[%mul3A_220] : memref<204800xi32, #tpu.memory_space<hbm>> -> memref<8192xi32, #tpu.memory_space<hbm>>
            tpu.wait_dma2 semaphore(%run_scoped3A : memref<!tpu.dma_semaphore, #tpu.memory_space<semaphore_mem>>) src(%dma_wait3A_314 : memref<8192xi32, #tpu.memory_space<hbm>>) dst(%arg7 : memref<8192xi32, #tpu.memory_space<vmem>>)
            tpu.yield
          }) : () -> ()
          %mul3A_221 = arith.constant 8 : i32
          %mul3A_222 = arith.muli %add3A_203, %mul3A_221 : i32
          %add3A_223 = arith.constant 0 : i32
          %add3A_224 = arith.addi %mul3A_222, %add3A_223 : i32
          %mul3A_225 = arith.constant 16 : i32
          %mul3A_226 = arith.muli %add3A_224, %mul3A_225 : i32
          %get3A_227 = arith.index_cast %mul3A_226 : i32 to index
          %get3A_228 = tpu.vector_load %arg10[%get3A_227] {strides = array<i32>} : memref<3200xf32, #tpu.memory_space<vmem>>, vector<16xf32>,
          %parallel_loop3A_229 = arith.constant 0 : i32
          %parallel_loop3A_230 = arith.constant 64 : i32
          %parallel_loop3A_231 = arith.constant 1 : i32
          scf.for %parallel_loop3A_311 = %parallel_loop3A_229 to %parallel_loop3A_230 step %parallel_loop3A_231  : i32 {
            %parallel_loop3A_312 = arith.constant 16 : i32
            %parallel_loop3A_313 = arith.muli %parallel_loop3A_311, %parallel_loop3A_312 : i32
            %parallel_loop3A_314 = arith.constant 0 : i32
            %parallel_loop3A_315 = arith.addi %parallel_loop3A_314, %parallel_loop3A_313 : i32
            %parallel_loop3A_316 = arith.index_cast %parallel_loop3A_315 : i32 to index
            %parallel_loop3A_317 = tpu.vector_load %arg7[%parallel_loop3A_316] {strides = array<i32>} : memref<8192xi32, #tpu.memory_space<vmem>>, vector<16xi32>,
            %parallel_loop3A_318 = tpu.vector_load_idx %arg6[%parallel_loop3A_317] : memref<100000xf32, #tpu.memory_space<vmem>>[vector<16xi32>], vector<16xf32>,
            %parallel_loop3A_319 = arith.constant 3 : i32
            %parallel_loop3A_320 = arith.shrsi %parallel_loop3A_311, %parallel_loop3A_319 : i32
            %parallel_loop3A_321 = arith.constant 1024 : i32
            %parallel_loop3A_322 = arith.muli %parallel_loop3A_320, %parallel_loop3A_321 : i32
            %parallel_loop3A_323 = arith.constant 0 : i32
            %parallel_loop3A_324 = arith.addi %parallel_loop3A_322, %parallel_loop3A_323 : i32
            %parallel_loop3A_325 = arith.constant 7 : i32
            %parallel_loop3A_326 = arith.andi %parallel_loop3A_311, %parallel_loop3A_325 : i32
            %parallel_loop3A_327 = arith.constant 16 : i32
            %parallel_loop3A_328 = arith.muli %parallel_loop3A_326, %parallel_loop3A_327 : i32
            %parallel_loop3A_329 = arith.addi %parallel_loop3A_324, %parallel_loop3A_328 : i32
            %parallel_loop3A_330 = arith.constant 17.320509 : f32
            %parallel_loop3A_331 = vector.broadcast %parallel_loop3A_330 : f32 to vector<16xf32>
            %parallel_loop3A_332 = arith.mulf %parallel_loop3A_318, %parallel_loop3A_331 : vector<16xf32>
            %parallel_loop3A_333 = arith.addf %parallel_loop3A_332, %get3A_228 : vector<16xf32>
            %parallel_loop3A_334 = arith.index_cast %parallel_loop3A_329 : i32 to index
            %parallel_loop3A_335 = tpu.vector_load %arg9[%parallel_loop3A_334] {strides = array<i32>} : memref<8192xf32, #tpu.memory_space<vmem>>, vector<16xf32>,
            tpu.vector_store %arg9[%parallel_loop3A_334], %parallel_loop3A_333 {strides = array<i32>} : memref<8192xf32, #tpu.memory_space<vmem>>, vector<16xf32>,
          } {sc.loop_unroll_factor = 4 : i64, sc.parallel_access}
          %mul3A_232 = arith.constant 8 : i32
          %mul3A_233 = arith.muli %add3A_203, %mul3A_232 : i32
          %add3A_234 = arith.constant 1 : i32
          %add3A_235 = arith.addi %mul3A_233, %add3A_234 : i32
          %mul3A_236 = arith.constant 16 : i32
          %mul3A_237 = arith.muli %add3A_235, %mul3A_236 : i32
          %get3A_238 = arith.index_cast %mul3A_237 : i32 to index
          %get3A_239 = tpu.vector_load %arg10[%get3A_238] {strides = array<i32>} : memref<3200xf32, #tpu.memory_space<vmem>>, vector<16xf32>,
          %parallel_loop3A_240 = arith.constant 0 : i32
          %parallel_loop3A_241 = arith.constant 64 : i32
          %parallel_loop3A_242 = arith.constant 1 : i32
          scf.for %parallel_loop3A_311 = %parallel_loop3A_240 to %parallel_loop3A_241 step %parallel_loop3A_242  : i32 {
            %parallel_loop3A_312 = arith.constant 16 : i32
            %parallel_loop3A_313 = arith.muli %parallel_loop3A_311, %parallel_loop3A_312 : i32
            %parallel_loop3A_314 = arith.constant 1024 : i32
            %parallel_loop3A_315 = arith.addi %parallel_loop3A_314, %parallel_loop3A_313 : i32
            %parallel_loop3A_316 = arith.index_cast %parallel_loop3A_315 : i32 to index
            %parallel_loop3A_317 = tpu.vector_load %arg7[%parallel_loop3A_316] {strides = array<i32>} : memref<8192xi32, #tpu.memory_space<vmem>>, vector<16xi32>,
            %parallel_loop3A_318 = tpu.vector_load_idx %arg6[%parallel_loop3A_317] : memref<100000xf32, #tpu.memory_space<vmem>>[vector<16xi32>], vector<16xf32>,
            %parallel_loop3A_319 = arith.constant 3 : i32
            %parallel_loop3A_320 = arith.shrsi %parallel_loop3A_311, %parallel_loop3A_319 : i32
            %parallel_loop3A_321 = arith.constant 1024 : i32
            %parallel_loop3A_322 = arith.muli %parallel_loop3A_320, %parallel_loop3A_321 : i32
            %parallel_loop3A_323 = arith.constant 128 : i32
            %parallel_loop3A_324 = arith.addi %parallel_loop3A_322, %parallel_loop3A_323 : i32
            %parallel_loop3A_325 = arith.constant 7 : i32
            %parallel_loop3A_326 = arith.andi %parallel_loop3A_311, %parallel_loop3A_325 : i32
            %parallel_loop3A_327 = arith.constant 16 : i32
            %parallel_loop3A_328 = arith.muli %parallel_loop3A_326, %parallel_loop3A_327 : i32
            %parallel_loop3A_329 = arith.addi %parallel_loop3A_324, %parallel_loop3A_328 : i32
            %parallel_loop3A_330 = arith.constant 17.320509 : f32
            %parallel_loop3A_331 = vector.broadcast %parallel_loop3A_330 : f32 to vector<16xf32>
            %parallel_loop3A_332 = arith.mulf %parallel_loop3A_318, %parallel_loop3A_331 : vector<16xf32>
            %parallel_loop3A_333 = arith.addf %parallel_loop3A_332, %get3A_239 : vector<16xf32>
            %parallel_loop3A_334 = arith.index_cast %parallel_loop3A_329 : i32 to index
            %parallel_loop3A_335 = tpu.vector_load %arg9[%parallel_loop3A_334] {strides = array<i32>} : memref<8192xf32, #tpu.memory_space<vmem>>, vector<16xf32>,
            tpu.vector_store %arg9[%parallel_loop3A_334], %parallel_loop3A_333 {strides = array<i32>} : memref<8192xf32, #tpu.memory_space<vmem>>, vector<16xf32>,
          } {sc.loop_unroll_factor = 4 : i64, sc.parallel_access}
          %mul3A_243 = arith.constant 8 : i32
          %mul3A_244 = arith.muli %add3A_203, %mul3A_243 : i32
          %add3A_245 = arith.constant 2 : i32
          %add3A_246 = arith.addi %mul3A_244, %add3A_245 : i32
          %mul3A_247 = arith.constant 16 : i32
          %mul3A_248 = arith.muli %add3A_246, %mul3A_247 : i32
          %get3A_249 = arith.index_cast %mul3A_248 : i32 to index
          %get3A_250 = tpu.vector_load %arg10[%get3A_249] {strides = array<i32>} : memref<3200xf32, #tpu.memory_space<vmem>>, vector<16xf32>,
          %parallel_loop3A_251 = arith.constant 0 : i32
          %parallel_loop3A_252 = arith.constant 64 : i32
          %parallel_loop3A_253 = arith.constant 1 : i32
          scf.for %parallel_loop3A_311 = %parallel_loop3A_251 to %parallel_loop3A_252 step %parallel_loop3A_253  : i32 {
            %parallel_loop3A_312 = arith.constant 16 : i32
            %parallel_loop3A_313 = arith.muli %parallel_loop3A_311, %parallel_loop3A_312 : i32
            %parallel_loop3A_314 = arith.constant 2048 : i32
            %parallel_loop3A_315 = arith.addi %parallel_loop3A_314, %parallel_loop3A_313 : i32
            %parallel_loop3A_316 = arith.index_cast %parallel_loop3A_315 : i32 to index
            %parallel_loop3A_317 = tpu.vector_load %arg7[%parallel_loop3A_316] {strides = array<i32>} : memref<8192xi32, #tpu.memory_space<vmem>>, vector<16xi32>,
            %parallel_loop3A_318 = tpu.vector_load_idx %arg6[%parallel_loop3A_317] : memref<100000xf32, #tpu.memory_space<vmem>>[vector<16xi32>], vector<16xf32>,
            %parallel_loop3A_319 = arith.constant 3 : i32
            %parallel_loop3A_320 = arith.shrsi %parallel_loop3A_311, %parallel_loop3A_319 : i32
            %parallel_loop3A_321 = arith.constant 1024 : i32
            %parallel_loop3A_322 = arith.muli %parallel_loop3A_320, %parallel_loop3A_321 : i32
            %parallel_loop3A_323 = arith.constant 256 : i32
            %parallel_loop3A_324 = arith.addi %parallel_loop3A_322, %parallel_loop3A_323 : i32
            %parallel_loop3A_325 = arith.constant 7 : i32
            %parallel_loop3A_326 = arith.andi %parallel_loop3A_311, %parallel_loop3A_325 : i32
            %parallel_loop3A_327 = arith.constant 16 : i32
            %parallel_loop3A_328 = arith.muli %parallel_loop3A_326, %parallel_loop3A_327 : i32
            %parallel_loop3A_329 = arith.addi %parallel_loop3A_324, %parallel_loop3A_328 : i32
            %parallel_loop3A_330 = arith.constant 17.320509 : f32
            %parallel_loop3A_331 = vector.broadcast %parallel_loop3A_330 : f32 to vector<16xf32>
            %parallel_loop3A_332 = arith.mulf %parallel_loop3A_318, %parallel_loop3A_331 : vector<16xf32>
            %parallel_loop3A_333 = arith.addf %parallel_loop3A_332, %get3A_250 : vector<16xf32>
            %parallel_loop3A_334 = arith.index_cast %parallel_loop3A_329 : i32 to index
            %parallel_loop3A_335 = tpu.vector_load %arg9[%parallel_loop3A_334] {strides = array<i32>} : memref<8192xf32, #tpu.memory_space<vmem>>, vector<16xf32>,
            tpu.vector_store %arg9[%parallel_loop3A_334], %parallel_loop3A_333 {strides = array<i32>} : memref<8192xf32, #tpu.memory_space<vmem>>, vector<16xf32>,
          } {sc.loop_unroll_factor = 4 : i64, sc.parallel_access}
          %mul3A_254 = arith.constant 8 : i32
          %mul3A_255 = arith.muli %add3A_203, %mul3A_254 : i32
          %add3A_256 = arith.constant 3 : i32
          %add3A_257 = arith.addi %mul3A_255, %add3A_256 : i32
          %mul3A_258 = arith.constant 16 : i32
          %mul3A_259 = arith.muli %add3A_257, %mul3A_258 : i32
          %get3A_260 = arith.index_cast %mul3A_259 : i32 to index
          %get3A_261 = tpu.vector_load %arg10[%get3A_260] {strides = array<i32>} : memref<3200xf32, #tpu.memory_space<vmem>>, vector<16xf32>,
          %parallel_loop3A_262 = arith.constant 0 : i32
          %parallel_loop3A_263 = arith.constant 64 : i32
          %parallel_loop3A_264 = arith.constant 1 : i32
          scf.for %parallel_loop3A_311 = %parallel_loop3A_262 to %parallel_loop3A_263 step %parallel_loop3A_264  : i32 {
            %parallel_loop3A_312 = arith.constant 16 : i32
            %parallel_loop3A_313 = arith.muli %parallel_loop3A_311, %parallel_loop3A_312 : i32
            %parallel_loop3A_314 = arith.constant 3072 : i32
            %parallel_loop3A_315 = arith.addi %parallel_loop3A_314, %parallel_loop3A_313 : i32
            %parallel_loop3A_316 = arith.index_cast %parallel_loop3A_315 : i32 to index
            %parallel_loop3A_317 = tpu.vector_load %arg7[%parallel_loop3A_316] {strides = array<i32>} : memref<8192xi32, #tpu.memory_space<vmem>>, vector<16xi32>,
            %parallel_loop3A_318 = tpu.vector_load_idx %arg6[%parallel_loop3A_317] : memref<100000xf32, #tpu.memory_space<vmem>>[vector<16xi32>], vector<16xf32>,
            %parallel_loop3A_319 = arith.constant 3 : i32
            %parallel_loop3A_320 = arith.shrsi %parallel_loop3A_311, %parallel_loop3A_319 : i32
            %parallel_loop3A_321 = arith.constant 1024 : i32
            %parallel_loop3A_322 = arith.muli %parallel_loop3A_320, %parallel_loop3A_321 : i32
            %parallel_loop3A_323 = arith.constant 384 : i32
            %parallel_loop3A_324 = arith.addi %parallel_loop3A_322, %parallel_loop3A_323 : i32
            %parallel_loop3A_325 = arith.constant 7 : i32
            %parallel_loop3A_326 = arith.andi %parallel_loop3A_311, %parallel_loop3A_325 : i32
            %parallel_loop3A_327 = arith.constant 16 : i32
            %parallel_loop3A_328 = arith.muli %parallel_loop3A_326, %parallel_loop3A_327 : i32
            %parallel_loop3A_329 = arith.addi %parallel_loop3A_324, %parallel_loop3A_328 : i32
            %parallel_loop3A_330 = arith.constant 17.320509 : f32
            %parallel_loop3A_331 = vector.broadcast %parallel_loop3A_330 : f32 to vector<16xf32>
            %parallel_loop3A_332 = arith.mulf %parallel_loop3A_318, %parallel_loop3A_331 : vector<16xf32>
            %parallel_loop3A_333 = arith.addf %parallel_loop3A_332, %get3A_261 : vector<16xf32>
            %parallel_loop3A_334 = arith.index_cast %parallel_loop3A_329 : i32 to index
            %parallel_loop3A_335 = tpu.vector_load %arg9[%parallel_loop3A_334] {strides = array<i32>} : memref<8192xf32, #tpu.memory_space<vmem>>, vector<16xf32>,
            tpu.vector_store %arg9[%parallel_loop3A_334], %parallel_loop3A_333 {strides = array<i32>} : memref<8192xf32, #tpu.memory_space<vmem>>, vector<16xf32>,
          } {sc.loop_unroll_factor = 4 : i64, sc.parallel_access}
          %mul3A_265 = arith.constant 8 : i32
          %mul3A_266 = arith.muli %add3A_203, %mul3A_265 : i32
          %add3A_267 = arith.constant 4 : i32
          %add3A_268 = arith.addi %mul3A_266, %add3A_267 : i32
          %mul3A_269 = arith.constant 16 : i32
          %mul3A_270 = arith.muli %add3A_268, %mul3A_269 : i32
          %get3A_271 = arith.index_cast %mul3A_270 : i32 to index
          %get3A_272 = tpu.vector_load %arg10[%get3A_271] {strides = array<i32>} : memref<3200xf32, #tpu.memory_space<vmem>>, vector<16xf32>,
          %parallel_loop3A_273 = arith.constant 0 : i32
          %parallel_loop3A_274 = arith.constant 64 : i32
          %parallel_loop3A_275 = arith.constant 1 : i32
          scf.for %parallel_loop3A_311 = %parallel_loop3A_273 to %parallel_loop3A_274 step %parallel_loop3A_275  : i32 {
            %parallel_loop3A_312 = arith.constant 16 : i32
            %parallel_loop3A_313 = arith.muli %parallel_loop3A_311, %parallel_loop3A_312 : i32
            %parallel_loop3A_314 = arith.constant 4096 : i32
            %parallel_loop3A_315 = arith.addi %parallel_loop3A_314, %parallel_loop3A_313 : i32
            %parallel_loop3A_316 = arith.index_cast %parallel_loop3A_315 : i32 to index
            %parallel_loop3A_317 = tpu.vector_load %arg7[%parallel_loop3A_316] {strides = array<i32>} : memref<8192xi32, #tpu.memory_space<vmem>>, vector<16xi32>,
            %parallel_loop3A_318 = tpu.vector_load_idx %arg6[%parallel_loop3A_317] : memref<100000xf32, #tpu.memory_space<vmem>>[vector<16xi32>], vector<16xf32>,
            %parallel_loop3A_319 = arith.constant 3 : i32
            %parallel_loop3A_320 = arith.shrsi %parallel_loop3A_311, %parallel_loop3A_319 : i32
            %parallel_loop3A_321 = arith.constant 1024 : i32
            %parallel_loop3A_322 = arith.muli %parallel_loop3A_320, %parallel_loop3A_321 : i32
            %parallel_loop3A_323 = arith.constant 512 : i32
            %parallel_loop3A_324 = arith.addi %parallel_loop3A_322, %parallel_loop3A_323 : i32
            %parallel_loop3A_325 = arith.constant 7 : i32
            %parallel_loop3A_326 = arith.andi %parallel_loop3A_311, %parallel_loop3A_325 : i32
            %parallel_loop3A_327 = arith.constant 16 : i32
            %parallel_loop3A_328 = arith.muli %parallel_loop3A_326, %parallel_loop3A_327 : i32
            %parallel_loop3A_329 = arith.addi %parallel_loop3A_324, %parallel_loop3A_328 : i32
            %parallel_loop3A_330 = arith.constant 17.320509 : f32
            %parallel_loop3A_331 = vector.broadcast %parallel_loop3A_330 : f32 to vector<16xf32>
            %parallel_loop3A_332 = arith.mulf %parallel_loop3A_318, %parallel_loop3A_331 : vector<16xf32>
            %parallel_loop3A_333 = arith.addf %parallel_loop3A_332, %get3A_272 : vector<16xf32>
            %parallel_loop3A_334 = arith.index_cast %parallel_loop3A_329 : i32 to index
            %parallel_loop3A_335 = tpu.vector_load %arg9[%parallel_loop3A_334] {strides = array<i32>} : memref<8192xf32, #tpu.memory_space<vmem>>, vector<16xf32>,
            tpu.vector_store %arg9[%parallel_loop3A_334], %parallel_loop3A_333 {strides = array<i32>} : memref<8192xf32, #tpu.memory_space<vmem>>, vector<16xf32>,
          } {sc.loop_unroll_factor = 4 : i64, sc.parallel_access}
          %mul3A_276 = arith.constant 8 : i32
          %mul3A_277 = arith.muli %add3A_203, %mul3A_276 : i32
          %add3A_278 = arith.constant 5 : i32
          %add3A_279 = arith.addi %mul3A_277, %add3A_278 : i32
          %mul3A_280 = arith.constant 16 : i32
          %mul3A_281 = arith.muli %add3A_279, %mul3A_280 : i32
          %get3A_282 = arith.index_cast %mul3A_281 : i32 to index
          %get3A_283 = tpu.vector_load %arg10[%get3A_282] {strides = array<i32>} : memref<3200xf32, #tpu.memory_space<vmem>>, vector<16xf32>,
          %parallel_loop3A_284 = arith.constant 0 : i32
          %parallel_loop3A_285 = arith.constant 64 : i32
          %parallel_loop3A_286 = arith.constant 1 : i32
          scf.for %parallel_loop3A_311 = %parallel_loop3A_284 to %parallel_loop3A_285 step %parallel_loop3A_286  : i32 {
            %parallel_loop3A_312 = arith.constant 16 : i32
            %parallel_loop3A_313 = arith.muli %parallel_loop3A_311, %parallel_loop3A_312 : i32
            %parallel_loop3A_314 = arith.constant 5120 : i32
            %parallel_loop3A_315 = arith.addi %parallel_loop3A_314, %parallel_loop3A_313 : i32
            %parallel_loop3A_316 = arith.index_cast %parallel_loop3A_315 : i32 to index
            %parallel_loop3A_317 = tpu.vector_load %arg7[%parallel_loop3A_316] {strides = array<i32>} : memref<8192xi32, #tpu.memory_space<vmem>>, vector<16xi32>,
            %parallel_loop3A_318 = tpu.vector_load_idx %arg6[%parallel_loop3A_317] : memref<100000xf32, #tpu.memory_space<vmem>>[vector<16xi32>], vector<16xf32>,
            %parallel_loop3A_319 = arith.constant 3 : i32
            %parallel_loop3A_320 = arith.shrsi %parallel_loop3A_311, %parallel_loop3A_319 : i32
            %parallel_loop3A_321 = arith.constant 1024 : i32
            %parallel_loop3A_322 = arith.muli %parallel_loop3A_320, %parallel_loop3A_321 : i32
            %parallel_loop3A_323 = arith.constant 640 : i32
            %parallel_loop3A_324 = arith.addi %parallel_loop3A_322, %parallel_loop3A_323 : i32
            %parallel_loop3A_325 = arith.constant 7 : i32
            %parallel_loop3A_326 = arith.andi %parallel_loop3A_311, %parallel_loop3A_325 : i32
            %parallel_loop3A_327 = arith.constant 16 : i32
            %parallel_loop3A_328 = arith.muli %parallel_loop3A_326, %parallel_loop3A_327 : i32
            %parallel_loop3A_329 = arith.addi %parallel_loop3A_324, %parallel_loop3A_328 : i32
            %parallel_loop3A_330 = arith.constant 17.320509 : f32
            %parallel_loop3A_331 = vector.broadcast %parallel_loop3A_330 : f32 to vector<16xf32>
            %parallel_loop3A_332 = arith.mulf %parallel_loop3A_318, %parallel_loop3A_331 : vector<16xf32>
            %parallel_loop3A_333 = arith.addf %parallel_loop3A_332, %get3A_283 : vector<16xf32>
            %parallel_loop3A_334 = arith.index_cast %parallel_loop3A_329 : i32 to index
            %parallel_loop3A_335 = tpu.vector_load %arg9[%parallel_loop3A_334] {strides = array<i32>} : memref<8192xf32, #tpu.memory_space<vmem>>, vector<16xf32>,
            tpu.vector_store %arg9[%parallel_loop3A_334], %parallel_loop3A_333 {strides = array<i32>} : memref<8192xf32, #tpu.memory_space<vmem>>, vector<16xf32>,
          } {sc.loop_unroll_factor = 4 : i64, sc.parallel_access}
          %mul3A_287 = arith.constant 8 : i32
          %mul3A_288 = arith.muli %add3A_203, %mul3A_287 : i32
          %add3A_289 = arith.constant 6 : i32
          %add3A_290 = arith.addi %mul3A_288, %add3A_289 : i32
          %mul3A_291 = arith.constant 16 : i32
          %mul3A_292 = arith.muli %add3A_290, %mul3A_291 : i32
          %get3A_293 = arith.index_cast %mul3A_292 : i32 to index
          %get3A_294 = tpu.vector_load %arg10[%get3A_293] {strides = array<i32>} : memref<3200xf32, #tpu.memory_space<vmem>>, vector<16xf32>,
          %parallel_loop3A_295 = arith.constant 0 : i32
          %parallel_loop3A_296 = arith.constant 64 : i32
          %parallel_loop3A_297 = arith.constant 1 : i32
          scf.for %parallel_loop3A_311 = %parallel_loop3A_295 to %parallel_loop3A_296 step %parallel_loop3A_297  : i32 {
            %parallel_loop3A_312 = arith.constant 16 : i32
            %parallel_loop3A_313 = arith.muli %parallel_loop3A_311, %parallel_loop3A_312 : i32
            %parallel_loop3A_314 = arith.constant 6144 : i32
            %parallel_loop3A_315 = arith.addi %parallel_loop3A_314, %parallel_loop3A_313 : i32
            %parallel_loop3A_316 = arith.index_cast %parallel_loop3A_315 : i32 to index
            %parallel_loop3A_317 = tpu.vector_load %arg7[%parallel_loop3A_316] {strides = array<i32>} : memref<8192xi32, #tpu.memory_space<vmem>>, vector<16xi32>,
            %parallel_loop3A_318 = tpu.vector_load_idx %arg6[%parallel_loop3A_317] : memref<100000xf32, #tpu.memory_space<vmem>>[vector<16xi32>], vector<16xf32>,
            %parallel_loop3A_319 = arith.constant 3 : i32
            %parallel_loop3A_320 = arith.shrsi %parallel_loop3A_311, %parallel_loop3A_319 : i32
            %parallel_loop3A_321 = arith.constant 1024 : i32
            %parallel_loop3A_322 = arith.muli %parallel_loop3A_320, %parallel_loop3A_321 : i32
            %parallel_loop3A_323 = arith.constant 768 : i32
            %parallel_loop3A_324 = arith.addi %parallel_loop3A_322, %parallel_loop3A_323 : i32
            %parallel_loop3A_325 = arith.constant 7 : i32
            %parallel_loop3A_326 = arith.andi %parallel_loop3A_311, %parallel_loop3A_325 : i32
            %parallel_loop3A_327 = arith.constant 16 : i32
            %parallel_loop3A_328 = arith.muli %parallel_loop3A_326, %parallel_loop3A_327 : i32
            %parallel_loop3A_329 = arith.addi %parallel_loop3A_324, %parallel_loop3A_328 : i32
            %parallel_loop3A_330 = arith.constant 17.320509 : f32
            %parallel_loop3A_331 = vector.broadcast %parallel_loop3A_330 : f32 to vector<16xf32>
            %parallel_loop3A_332 = arith.mulf %parallel_loop3A_318, %parallel_loop3A_331 : vector<16xf32>
            %parallel_loop3A_333 = arith.addf %parallel_loop3A_332, %get3A_294 : vector<16xf32>
            %parallel_loop3A_334 = arith.index_cast %parallel_loop3A_329 : i32 to index
            %parallel_loop3A_335 = tpu.vector_load %arg9[%parallel_loop3A_334] {strides = array<i32>} : memref<8192xf32, #tpu.memory_space<vmem>>, vector<16xf32>,
            tpu.vector_store %arg9[%parallel_loop3A_334], %parallel_loop3A_333 {strides = array<i32>} : memref<8192xf32, #tpu.memory_space<vmem>>, vector<16xf32>,
          } {sc.loop_unroll_factor = 4 : i64, sc.parallel_access}
          %mul3A_298 = arith.constant 8 : i32
          %mul3A_299 = arith.muli %add3A_203, %mul3A_298 : i32
          %add3A_300 = arith.constant 7 : i32
          %add3A_301 = arith.addi %mul3A_299, %add3A_300 : i32
          %mul3A_302 = arith.constant 16 : i32
          %mul3A_303 = arith.muli %add3A_301, %mul3A_302 : i32
          %get3A_304 = arith.index_cast %mul3A_303 : i32 to index
          %get3A_305 = tpu.vector_load %arg10[%get3A_304] {strides = array<i32>} : memref<3200xf32, #tpu.memory_space<vmem>>, vector<16xf32>,
          %parallel_loop3A_306 = arith.constant 0 : i32
          %parallel_loop3A_307 = arith.constant 64 : i32
          %parallel_loop3A_308 = arith.constant 1 : i32
          scf.for %parallel_loop3A_311 = %parallel_loop3A_306 to %parallel_loop3A_307 step %parallel_loop3A_308  : i32 {
            %parallel_loop3A_312 = arith.constant 16 : i32
            %parallel_loop3A_313 = arith.muli %parallel_loop3A_311, %parallel_loop3A_312 : i32
            %parallel_loop3A_314 = arith.constant 7168 : i32
            %parallel_loop3A_315 = arith.addi %parallel_loop3A_314, %parallel_loop3A_313 : i32
            %parallel_loop3A_316 = arith.index_cast %parallel_loop3A_315 : i32 to index
            %parallel_loop3A_317 = tpu.vector_load %arg7[%parallel_loop3A_316] {strides = array<i32>} : memref<8192xi32, #tpu.memory_space<vmem>>, vector<16xi32>,
            %parallel_loop3A_318 = tpu.vector_load_idx %arg6[%parallel_loop3A_317] : memref<100000xf32, #tpu.memory_space<vmem>>[vector<16xi32>], vector<16xf32>,
            %parallel_loop3A_319 = arith.constant 3 : i32
            %parallel_loop3A_320 = arith.shrsi %parallel_loop3A_311, %parallel_loop3A_319 : i32
            %parallel_loop3A_321 = arith.constant 1024 : i32
            %parallel_loop3A_322 = arith.muli %parallel_loop3A_320, %parallel_loop3A_321 : i32
            %parallel_loop3A_323 = arith.constant 896 : i32
            %parallel_loop3A_324 = arith.addi %parallel_loop3A_322, %parallel_loop3A_323 : i32
            %parallel_loop3A_325 = arith.constant 7 : i32
            %parallel_loop3A_326 = arith.andi %parallel_loop3A_311, %parallel_loop3A_325 : i32
            %parallel_loop3A_327 = arith.constant 16 : i32
            %parallel_loop3A_328 = arith.muli %parallel_loop3A_326, %parallel_loop3A_327 : i32
            %parallel_loop3A_329 = arith.addi %parallel_loop3A_324, %parallel_loop3A_328 : i32
            %parallel_loop3A_330 = arith.constant 17.320509 : f32
            %parallel_loop3A_331 = vector.broadcast %parallel_loop3A_330 : f32 to vector<16xf32>
            %parallel_loop3A_332 = arith.mulf %parallel_loop3A_318, %parallel_loop3A_331 : vector<16xf32>
            %parallel_loop3A_333 = arith.addf %parallel_loop3A_332, %get3A_305 : vector<16xf32>
            %parallel_loop3A_334 = arith.index_cast %parallel_loop3A_329 : i32 to index
            %parallel_loop3A_335 = tpu.vector_load %arg9[%parallel_loop3A_334] {strides = array<i32>} : memref<8192xf32, #tpu.memory_space<vmem>>, vector<16xf32>,
            tpu.vector_store %arg9[%parallel_loop3A_334], %parallel_loop3A_333 {strides = array<i32>} : memref<8192xf32, #tpu.memory_space<vmem>>, vector<16xf32>,
          } {sc.loop_unroll_factor = 4 : i64, sc.parallel_access}
          %dma_start3A_309 = tpu.memref_slice %arg5[%add3A_213] : memref<61440000xf32, #tpu.memory_space<hbm>> -> memref<8192xf32, #tpu.memory_space<hbm>>
          %dma_start3A_310 = tpu.memref_slice %arg5[%add3A_213] : memref<61440000xf32, #tpu.memory_space<hbm>> -> memref<8192xf32, #tpu.memory_space<hbm>>
          tpu.enqueue_dma source(%arg9 : memref<8192xf32, #tpu.memory_space<vmem>>) target(%dma_start3A_310 : memref<8192xf32, #tpu.memory_space<hbm>>) target_semaphore(%arg12 : memref<!tpu.dma_semaphore, #tpu.memory_space<semaphore_mem>>)
        }
        %scan3A_45 = arith.constant 12 : i32
        %mul3A_46 = arith.constant 204800 : i32
        %mul3A_47 = arith.muli %add3A_33, %mul3A_46 : i32
        %add3A_48 = arith.constant 196608 : i32
        %add3A_49 = arith.addi %mul3A_47, %add3A_48 : i32
        %dma_wait3A_50 = tpu.memref_slice %arg5[%add3A_49] : memref<61440000xf32, #tpu.memory_space<hbm>> -> memref<8192xf32, #tpu.memory_space<hbm>>
        %dma_wait3A_51 = tpu.memref_slice %arg5[%add3A_49] : memref<61440000xf32, #tpu.memory_space<hbm>> -> memref<8192xf32, #tpu.memory_space<hbm>>
        tpu.wait_dma2 semaphore(%arg11 : memref<!tpu.dma_semaphore, #tpu.memory_space<semaphore_mem>>) src(%arg8 : memref<8192xf32, #tpu.memory_space<vmem>>) dst(%dma_wait3A_51 : memref<8192xf32, #tpu.memory_space<hbm>>)
        "tpu.region"() ({
          %run_scoped3A = tpu.sem_alloc : memref<!tpu.dma_semaphore, #tpu.memory_space<semaphore_mem>>
          %dma_start3A_91 = arith.constant 196608 : i32
          %dma_start3A_92 = tpu.memref_slice %arg2[%dma_start3A_91] : memref<204800xi32, #tpu.memory_space<hbm>> -> memref<8192xi32, #tpu.memory_space<hbm>>
          %dma_start3A_93 = arith.constant 196608 : i32
          %dma_start3A_94 = tpu.memref_slice %arg2[%dma_start3A_93] : memref<204800xi32, #tpu.memory_space<hbm>> -> memref<8192xi32, #tpu.memory_space<hbm>>
          tpu.enqueue_dma source(%dma_start3A_94 : memref<8192xi32, #tpu.memory_space<hbm>>) target(%arg7 : memref<8192xi32, #tpu.memory_space<vmem>>) target_semaphore(%run_scoped3A : memref<!tpu.dma_semaphore, #tpu.memory_space<semaphore_mem>>)
          %dma_wait3A_95 = arith.constant 196608 : i32
          %dma_wait3A_96 = tpu.memref_slice %arg2[%dma_wait3A_95] : memref<204800xi32, #tpu.memory_space<hbm>> -> memref<8192xi32, #tpu.memory_space<hbm>>
          %dma_wait3A_97 = arith.constant 196608 : i32
          %dma_wait3A_98 = tpu.memref_slice %arg2[%dma_wait3A_97] : memref<204800xi32, #tpu.memory_space<hbm>> -> memref<8192xi32, #tpu.memory_space<hbm>>
          tpu.wait_dma2 semaphore(%run_scoped3A : memref<!tpu.dma_semaphore, #tpu.memory_space<semaphore_mem>>) src(%dma_wait3A_98 : memref<8192xi32, #tpu.memory_space<hbm>>) dst(%arg7 : memref<8192xi32, #tpu.memory_space<vmem>>)
          tpu.yield
        }) : () -> ()
        %get3A = arith.constant 3072 : index
        %get3A_52 = tpu.vector_load %arg10[%get3A] {strides = array<i32>} : memref<3200xf32, #tpu.memory_space<vmem>>, vector<16xf32>,
        %parallel_loop3A = arith.constant 0 : i32
        %parallel_loop3A_53 = arith.constant 64 : i32
        %parallel_loop3A_54 = arith.constant 1 : i32
        scf.for %parallel_loop3A_91 = %parallel_loop3A to %parallel_loop3A_53 step %parallel_loop3A_54  : i32 {
          %parallel_loop3A_92 = arith.constant 16 : i32
          %parallel_loop3A_93 = arith.muli %parallel_loop3A_91, %parallel_loop3A_92 : i32
          %parallel_loop3A_94 = arith.constant 0 : i32
          %parallel_loop3A_95 = arith.addi %parallel_loop3A_94, %parallel_loop3A_93 : i32
          %parallel_loop3A_96 = arith.index_cast %parallel_loop3A_95 : i32 to index
          %parallel_loop3A_97 = tpu.vector_load %arg7[%parallel_loop3A_96] {strides = array<i32>} : memref<8192xi32, #tpu.memory_space<vmem>>, vector<16xi32>,
          %parallel_loop3A_98 = tpu.vector_load_idx %arg6[%parallel_loop3A_97] : memref<100000xf32, #tpu.memory_space<vmem>>[vector<16xi32>], vector<16xf32>,
          %parallel_loop3A_99 = arith.constant 3 : i32
          %parallel_loop3A_100 = arith.shrsi %parallel_loop3A_91, %parallel_loop3A_99 : i32
          %parallel_loop3A_101 = arith.constant 1024 : i32
          %parallel_loop3A_102 = arith.muli %parallel_loop3A_100, %parallel_loop3A_101 : i32
          %parallel_loop3A_103 = arith.constant 0 : i32
          %parallel_loop3A_104 = arith.addi %parallel_loop3A_102, %parallel_loop3A_103 : i32
          %parallel_loop3A_105 = arith.constant 7 : i32
          %parallel_loop3A_106 = arith.andi %parallel_loop3A_91, %parallel_loop3A_105 : i32
          %parallel_loop3A_107 = arith.constant 16 : i32
          %parallel_loop3A_108 = arith.muli %parallel_loop3A_106, %parallel_loop3A_107 : i32
          %parallel_loop3A_109 = arith.addi %parallel_loop3A_104, %parallel_loop3A_108 : i32
          %parallel_loop3A_110 = arith.constant 17.320509 : f32
          %parallel_loop3A_111 = vector.broadcast %parallel_loop3A_110 : f32 to vector<16xf32>
          %parallel_loop3A_112 = arith.mulf %parallel_loop3A_98, %parallel_loop3A_111 : vector<16xf32>
          %parallel_loop3A_113 = arith.addf %parallel_loop3A_112, %get3A_52 : vector<16xf32>
          %parallel_loop3A_114 = arith.index_cast %parallel_loop3A_109 : i32 to index
          %parallel_loop3A_115 = tpu.vector_load %arg8[%parallel_loop3A_114] {strides = array<i32>} : memref<8192xf32, #tpu.memory_space<vmem>>, vector<16xf32>,
          tpu.vector_store %arg8[%parallel_loop3A_114], %parallel_loop3A_113 {strides = array<i32>} : memref<8192xf32, #tpu.memory_space<vmem>>, vector<16xf32>,
        } {sc.loop_unroll_factor = 4 : i64, sc.parallel_access}
        %get3A_55 = arith.constant 3088 : index
        %get3A_56 = tpu.vector_load %arg10[%get3A_55] {strides = array<i32>} : memref<3200xf32, #tpu.memory_space<vmem>>, vector<16xf32>,
        %parallel_loop3A_57 = arith.constant 0 : i32
        %parallel_loop3A_58 = arith.constant 64 : i32
        %parallel_loop3A_59 = arith.constant 1 : i32
        scf.for %parallel_loop3A_91 = %parallel_loop3A_57 to %parallel_loop3A_58 step %parallel_loop3A_59  : i32 {
          %parallel_loop3A_92 = arith.constant 16 : i32
          %parallel_loop3A_93 = arith.muli %parallel_loop3A_91, %parallel_loop3A_92 : i32
          %parallel_loop3A_94 = arith.constant 1024 : i32
          %parallel_loop3A_95 = arith.addi %parallel_loop3A_94, %parallel_loop3A_93 : i32
          %parallel_loop3A_96 = arith.index_cast %parallel_loop3A_95 : i32 to index
          %parallel_loop3A_97 = tpu.vector_load %arg7[%parallel_loop3A_96] {strides = array<i32>} : memref<8192xi32, #tpu.memory_space<vmem>>, vector<16xi32>,
          %parallel_loop3A_98 = tpu.vector_load_idx %arg6[%parallel_loop3A_97] : memref<100000xf32, #tpu.memory_space<vmem>>[vector<16xi32>], vector<16xf32>,
          %parallel_loop3A_99 = arith.constant 3 : i32
          %parallel_loop3A_100 = arith.shrsi %parallel_loop3A_91, %parallel_loop3A_99 : i32
          %parallel_loop3A_101 = arith.constant 1024 : i32
          %parallel_loop3A_102 = arith.muli %parallel_loop3A_100, %parallel_loop3A_101 : i32
          %parallel_loop3A_103 = arith.constant 128 : i32
          %parallel_loop3A_104 = arith.addi %parallel_loop3A_102, %parallel_loop3A_103 : i32
          %parallel_loop3A_105 = arith.constant 7 : i32
          %parallel_loop3A_106 = arith.andi %parallel_loop3A_91, %parallel_loop3A_105 : i32
          %parallel_loop3A_107 = arith.constant 16 : i32
          %parallel_loop3A_108 = arith.muli %parallel_loop3A_106, %parallel_loop3A_107 : i32
          %parallel_loop3A_109 = arith.addi %parallel_loop3A_104, %parallel_loop3A_108 : i32
          %parallel_loop3A_110 = arith.constant 17.320509 : f32
          %parallel_loop3A_111 = vector.broadcast %parallel_loop3A_110 : f32 to vector<16xf32>
          %parallel_loop3A_112 = arith.mulf %parallel_loop3A_98, %parallel_loop3A_111 : vector<16xf32>
          %parallel_loop3A_113 = arith.addf %parallel_loop3A_112, %get3A_56 : vector<16xf32>
          %parallel_loop3A_114 = arith.index_cast %parallel_loop3A_109 : i32 to index
          %parallel_loop3A_115 = tpu.vector_load %arg8[%parallel_loop3A_114] {strides = array<i32>} : memref<8192xf32, #tpu.memory_space<vmem>>, vector<16xf32>,
          tpu.vector_store %arg8[%parallel_loop3A_114], %parallel_loop3A_113 {strides = array<i32>} : memref<8192xf32, #tpu.memory_space<vmem>>, vector<16xf32>,
        } {sc.loop_unroll_factor = 4 : i64, sc.parallel_access}
        %get3A_60 = arith.constant 3104 : index
        %get3A_61 = tpu.vector_load %arg10[%get3A_60] {strides = array<i32>} : memref<3200xf32, #tpu.memory_space<vmem>>, vector<16xf32>,
        %parallel_loop3A_62 = arith.constant 0 : i32
        %parallel_loop3A_63 = arith.constant 64 : i32
        %parallel_loop3A_64 = arith.constant 1 : i32
        scf.for %parallel_loop3A_91 = %parallel_loop3A_62 to %parallel_loop3A_63 step %parallel_loop3A_64  : i32 {
          %parallel_loop3A_92 = arith.constant 16 : i32
          %parallel_loop3A_93 = arith.muli %parallel_loop3A_91, %parallel_loop3A_92 : i32
          %parallel_loop3A_94 = arith.constant 2048 : i32
          %parallel_loop3A_95 = arith.addi %parallel_loop3A_94, %parallel_loop3A_93 : i32
          %parallel_loop3A_96 = arith.index_cast %parallel_loop3A_95 : i32 to index
          %parallel_loop3A_97 = tpu.vector_load %arg7[%parallel_loop3A_96] {strides = array<i32>} : memref<8192xi32, #tpu.memory_space<vmem>>, vector<16xi32>,
          %parallel_loop3A_98 = tpu.vector_load_idx %arg6[%parallel_loop3A_97] : memref<100000xf32, #tpu.memory_space<vmem>>[vector<16xi32>], vector<16xf32>,
          %parallel_loop3A_99 = arith.constant 3 : i32
          %parallel_loop3A_100 = arith.shrsi %parallel_loop3A_91, %parallel_loop3A_99 : i32
          %parallel_loop3A_101 = arith.constant 1024 : i32
          %parallel_loop3A_102 = arith.muli %parallel_loop3A_100, %parallel_loop3A_101 : i32
          %parallel_loop3A_103 = arith.constant 256 : i32
          %parallel_loop3A_104 = arith.addi %parallel_loop3A_102, %parallel_loop3A_103 : i32
          %parallel_loop3A_105 = arith.constant 7 : i32
          %parallel_loop3A_106 = arith.andi %parallel_loop3A_91, %parallel_loop3A_105 : i32
          %parallel_loop3A_107 = arith.constant 16 : i32
          %parallel_loop3A_108 = arith.muli %parallel_loop3A_106, %parallel_loop3A_107 : i32
          %parallel_loop3A_109 = arith.addi %parallel_loop3A_104, %parallel_loop3A_108 : i32
          %parallel_loop3A_110 = arith.constant 17.320509 : f32
          %parallel_loop3A_111 = vector.broadcast %parallel_loop3A_110 : f32 to vector<16xf32>
          %parallel_loop3A_112 = arith.mulf %parallel_loop3A_98, %parallel_loop3A_111 : vector<16xf32>
          %parallel_loop3A_113 = arith.addf %parallel_loop3A_112, %get3A_61 : vector<16xf32>
          %parallel_loop3A_114 = arith.index_cast %parallel_loop3A_109 : i32 to index
          %parallel_loop3A_115 = tpu.vector_load %arg8[%parallel_loop3A_114] {strides = array<i32>} : memref<8192xf32, #tpu.memory_space<vmem>>, vector<16xf32>,
          tpu.vector_store %arg8[%parallel_loop3A_114], %parallel_loop3A_113 {strides = array<i32>} : memref<8192xf32, #tpu.memory_space<vmem>>, vector<16xf32>,
        } {sc.loop_unroll_factor = 4 : i64, sc.parallel_access}
        %get3A_65 = arith.constant 3120 : index
        %get3A_66 = tpu.vector_load %arg10[%get3A_65] {strides = array<i32>} : memref<3200xf32, #tpu.memory_space<vmem>>, vector<16xf32>,
        %parallel_loop3A_67 = arith.constant 0 : i32
        %parallel_loop3A_68 = arith.constant 64 : i32
        %parallel_loop3A_69 = arith.constant 1 : i32
        scf.for %parallel_loop3A_91 = %parallel_loop3A_67 to %parallel_loop3A_68 step %parallel_loop3A_69  : i32 {
          %parallel_loop3A_92 = arith.constant 16 : i32
          %parallel_loop3A_93 = arith.muli %parallel_loop3A_91, %parallel_loop3A_92 : i32
          %parallel_loop3A_94 = arith.constant 3072 : i32
          %parallel_loop3A_95 = arith.addi %parallel_loop3A_94, %parallel_loop3A_93 : i32
          %parallel_loop3A_96 = arith.index_cast %parallel_loop3A_95 : i32 to index
          %parallel_loop3A_97 = tpu.vector_load %arg7[%parallel_loop3A_96] {strides = array<i32>} : memref<8192xi32, #tpu.memory_space<vmem>>, vector<16xi32>,
          %parallel_loop3A_98 = tpu.vector_load_idx %arg6[%parallel_loop3A_97] : memref<100000xf32, #tpu.memory_space<vmem>>[vector<16xi32>], vector<16xf32>,
          %parallel_loop3A_99 = arith.constant 3 : i32
          %parallel_loop3A_100 = arith.shrsi %parallel_loop3A_91, %parallel_loop3A_99 : i32
          %parallel_loop3A_101 = arith.constant 1024 : i32
          %parallel_loop3A_102 = arith.muli %parallel_loop3A_100, %parallel_loop3A_101 : i32
          %parallel_loop3A_103 = arith.constant 384 : i32
          %parallel_loop3A_104 = arith.addi %parallel_loop3A_102, %parallel_loop3A_103 : i32
          %parallel_loop3A_105 = arith.constant 7 : i32
          %parallel_loop3A_106 = arith.andi %parallel_loop3A_91, %parallel_loop3A_105 : i32
          %parallel_loop3A_107 = arith.constant 16 : i32
          %parallel_loop3A_108 = arith.muli %parallel_loop3A_106, %parallel_loop3A_107 : i32
          %parallel_loop3A_109 = arith.addi %parallel_loop3A_104, %parallel_loop3A_108 : i32
          %parallel_loop3A_110 = arith.constant 17.320509 : f32
          %parallel_loop3A_111 = vector.broadcast %parallel_loop3A_110 : f32 to vector<16xf32>
          %parallel_loop3A_112 = arith.mulf %parallel_loop3A_98, %parallel_loop3A_111 : vector<16xf32>
          %parallel_loop3A_113 = arith.addf %parallel_loop3A_112, %get3A_66 : vector<16xf32>
          %parallel_loop3A_114 = arith.index_cast %parallel_loop3A_109 : i32 to index
          %parallel_loop3A_115 = tpu.vector_load %arg8[%parallel_loop3A_114] {strides = array<i32>} : memref<8192xf32, #tpu.memory_space<vmem>>, vector<16xf32>,
          tpu.vector_store %arg8[%parallel_loop3A_114], %parallel_loop3A_113 {strides = array<i32>} : memref<8192xf32, #tpu.memory_space<vmem>>, vector<16xf32>,
        } {sc.loop_unroll_factor = 4 : i64, sc.parallel_access}
        %get3A_70 = arith.constant 3136 : index
        %get3A_71 = tpu.vector_load %arg10[%get3A_70] {strides = array<i32>} : memref<3200xf32, #tpu.memory_space<vmem>>, vector<16xf32>,
        %parallel_loop3A_72 = arith.constant 0 : i32
        %parallel_loop3A_73 = arith.constant 64 : i32
        %parallel_loop3A_74 = arith.constant 1 : i32
        scf.for %parallel_loop3A_91 = %parallel_loop3A_72 to %parallel_loop3A_73 step %parallel_loop3A_74  : i32 {
          %parallel_loop3A_92 = arith.constant 16 : i32
          %parallel_loop3A_93 = arith.muli %parallel_loop3A_91, %parallel_loop3A_92 : i32
          %parallel_loop3A_94 = arith.constant 4096 : i32
          %parallel_loop3A_95 = arith.addi %parallel_loop3A_94, %parallel_loop3A_93 : i32
          %parallel_loop3A_96 = arith.index_cast %parallel_loop3A_95 : i32 to index
          %parallel_loop3A_97 = tpu.vector_load %arg7[%parallel_loop3A_96] {strides = array<i32>} : memref<8192xi32, #tpu.memory_space<vmem>>, vector<16xi32>,
          %parallel_loop3A_98 = tpu.vector_load_idx %arg6[%parallel_loop3A_97] : memref<100000xf32, #tpu.memory_space<vmem>>[vector<16xi32>], vector<16xf32>,
          %parallel_loop3A_99 = arith.constant 3 : i32
          %parallel_loop3A_100 = arith.shrsi %parallel_loop3A_91, %parallel_loop3A_99 : i32
          %parallel_loop3A_101 = arith.constant 1024 : i32
          %parallel_loop3A_102 = arith.muli %parallel_loop3A_100, %parallel_loop3A_101 : i32
          %parallel_loop3A_103 = arith.constant 512 : i32
          %parallel_loop3A_104 = arith.addi %parallel_loop3A_102, %parallel_loop3A_103 : i32
          %parallel_loop3A_105 = arith.constant 7 : i32
          %parallel_loop3A_106 = arith.andi %parallel_loop3A_91, %parallel_loop3A_105 : i32
          %parallel_loop3A_107 = arith.constant 16 : i32
          %parallel_loop3A_108 = arith.muli %parallel_loop3A_106, %parallel_loop3A_107 : i32
          %parallel_loop3A_109 = arith.addi %parallel_loop3A_104, %parallel_loop3A_108 : i32
          %parallel_loop3A_110 = arith.constant 17.320509 : f32
          %parallel_loop3A_111 = vector.broadcast %parallel_loop3A_110 : f32 to vector<16xf32>
          %parallel_loop3A_112 = arith.mulf %parallel_loop3A_98, %parallel_loop3A_111 : vector<16xf32>
          %parallel_loop3A_113 = arith.addf %parallel_loop3A_112, %get3A_71 : vector<16xf32>
          %parallel_loop3A_114 = arith.index_cast %parallel_loop3A_109 : i32 to index
          %parallel_loop3A_115 = tpu.vector_load %arg8[%parallel_loop3A_114] {strides = array<i32>} : memref<8192xf32, #tpu.memory_space<vmem>>, vector<16xf32>,
          tpu.vector_store %arg8[%parallel_loop3A_114], %parallel_loop3A_113 {strides = array<i32>} : memref<8192xf32, #tpu.memory_space<vmem>>, vector<16xf32>,
        } {sc.loop_unroll_factor = 4 : i64, sc.parallel_access}
        %get3A_75 = arith.constant 3152 : index
        %get3A_76 = tpu.vector_load %arg10[%get3A_75] {strides = array<i32>} : memref<3200xf32, #tpu.memory_space<vmem>>, vector<16xf32>,
        %parallel_loop3A_77 = arith.constant 0 : i32
        %parallel_loop3A_78 = arith.constant 64 : i32
        %parallel_loop3A_79 = arith.constant 1 : i32
        scf.for %parallel_loop3A_91 = %parallel_loop3A_77 to %parallel_loop3A_78 step %parallel_loop3A_79  : i32 {
          %parallel_loop3A_92 = arith.constant 16 : i32
          %parallel_loop3A_93 = arith.muli %parallel_loop3A_91, %parallel_loop3A_92 : i32
          %parallel_loop3A_94 = arith.constant 5120 : i32
          %parallel_loop3A_95 = arith.addi %parallel_loop3A_94, %parallel_loop3A_93 : i32
          %parallel_loop3A_96 = arith.index_cast %parallel_loop3A_95 : i32 to index
          %parallel_loop3A_97 = tpu.vector_load %arg7[%parallel_loop3A_96] {strides = array<i32>} : memref<8192xi32, #tpu.memory_space<vmem>>, vector<16xi32>,
          %parallel_loop3A_98 = tpu.vector_load_idx %arg6[%parallel_loop3A_97] : memref<100000xf32, #tpu.memory_space<vmem>>[vector<16xi32>], vector<16xf32>,
          %parallel_loop3A_99 = arith.constant 3 : i32
          %parallel_loop3A_100 = arith.shrsi %parallel_loop3A_91, %parallel_loop3A_99 : i32
          %parallel_loop3A_101 = arith.constant 1024 : i32
          %parallel_loop3A_102 = arith.muli %parallel_loop3A_100, %parallel_loop3A_101 : i32
          %parallel_loop3A_103 = arith.constant 640 : i32
          %parallel_loop3A_104 = arith.addi %parallel_loop3A_102, %parallel_loop3A_103 : i32
          %parallel_loop3A_105 = arith.constant 7 : i32
          %parallel_loop3A_106 = arith.andi %parallel_loop3A_91, %parallel_loop3A_105 : i32
          %parallel_loop3A_107 = arith.constant 16 : i32
          %parallel_loop3A_108 = arith.muli %parallel_loop3A_106, %parallel_loop3A_107 : i32
          %parallel_loop3A_109 = arith.addi %parallel_loop3A_104, %parallel_loop3A_108 : i32
          %parallel_loop3A_110 = arith.constant 17.320509 : f32
          %parallel_loop3A_111 = vector.broadcast %parallel_loop3A_110 : f32 to vector<16xf32>
          %parallel_loop3A_112 = arith.mulf %parallel_loop3A_98, %parallel_loop3A_111 : vector<16xf32>
          %parallel_loop3A_113 = arith.addf %parallel_loop3A_112, %get3A_76 : vector<16xf32>
          %parallel_loop3A_114 = arith.index_cast %parallel_loop3A_109 : i32 to index
          %parallel_loop3A_115 = tpu.vector_load %arg8[%parallel_loop3A_114] {strides = array<i32>} : memref<8192xf32, #tpu.memory_space<vmem>>, vector<16xf32>,
          tpu.vector_store %arg8[%parallel_loop3A_114], %parallel_loop3A_113 {strides = array<i32>} : memref<8192xf32, #tpu.memory_space<vmem>>, vector<16xf32>,
        } {sc.loop_unroll_factor = 4 : i64, sc.parallel_access}
        %get3A_80 = arith.constant 3168 : index
        %get3A_81 = tpu.vector_load %arg10[%get3A_80] {strides = array<i32>} : memref<3200xf32, #tpu.memory_space<vmem>>, vector<16xf32>,
        %parallel_loop3A_82 = arith.constant 0 : i32
        %parallel_loop3A_83 = arith.constant 64 : i32
        %parallel_loop3A_84 = arith.constant 1 : i32
        scf.for %parallel_loop3A_91 = %parallel_loop3A_82 to %parallel_loop3A_83 step %parallel_loop3A_84  : i32 {
          %parallel_loop3A_92 = arith.constant 16 : i32
          %parallel_loop3A_93 = arith.muli %parallel_loop3A_91, %parallel_loop3A_92 : i32
          %parallel_loop3A_94 = arith.constant 6144 : i32
          %parallel_loop3A_95 = arith.addi %parallel_loop3A_94, %parallel_loop3A_93 : i32
          %parallel_loop3A_96 = arith.index_cast %parallel_loop3A_95 : i32 to index
          %parallel_loop3A_97 = tpu.vector_load %arg7[%parallel_loop3A_96] {strides = array<i32>} : memref<8192xi32, #tpu.memory_space<vmem>>, vector<16xi32>,
          %parallel_loop3A_98 = tpu.vector_load_idx %arg6[%parallel_loop3A_97] : memref<100000xf32, #tpu.memory_space<vmem>>[vector<16xi32>], vector<16xf32>,
          %parallel_loop3A_99 = arith.constant 3 : i32
          %parallel_loop3A_100 = arith.shrsi %parallel_loop3A_91, %parallel_loop3A_99 : i32
          %parallel_loop3A_101 = arith.constant 1024 : i32
          %parallel_loop3A_102 = arith.muli %parallel_loop3A_100, %parallel_loop3A_101 : i32
          %parallel_loop3A_103 = arith.constant 768 : i32
          %parallel_loop3A_104 = arith.addi %parallel_loop3A_102, %parallel_loop3A_103 : i32
          %parallel_loop3A_105 = arith.constant 7 : i32
          %parallel_loop3A_106 = arith.andi %parallel_loop3A_91, %parallel_loop3A_105 : i32
          %parallel_loop3A_107 = arith.constant 16 : i32
          %parallel_loop3A_108 = arith.muli %parallel_loop3A_106, %parallel_loop3A_107 : i32
          %parallel_loop3A_109 = arith.addi %parallel_loop3A_104, %parallel_loop3A_108 : i32
          %parallel_loop3A_110 = arith.constant 17.320509 : f32
          %parallel_loop3A_111 = vector.broadcast %parallel_loop3A_110 : f32 to vector<16xf32>
          %parallel_loop3A_112 = arith.mulf %parallel_loop3A_98, %parallel_loop3A_111 : vector<16xf32>
          %parallel_loop3A_113 = arith.addf %parallel_loop3A_112, %get3A_81 : vector<16xf32>
          %parallel_loop3A_114 = arith.index_cast %parallel_loop3A_109 : i32 to index
          %parallel_loop3A_115 = tpu.vector_load %arg8[%parallel_loop3A_114] {strides = array<i32>} : memref<8192xf32, #tpu.memory_space<vmem>>, vector<16xf32>,
          tpu.vector_store %arg8[%parallel_loop3A_114], %parallel_loop3A_113 {strides = array<i32>} : memref<8192xf32, #tpu.memory_space<vmem>>, vector<16xf32>,
        } {sc.loop_unroll_factor = 4 : i64, sc.parallel_access}
        %get3A_85 = arith.constant 3184 : index
        %get3A_86 = tpu.vector_load %arg10[%get3A_85] {strides = array<i32>} : memref<3200xf32, #tpu.memory_space<vmem>>, vector<16xf32>,
        %parallel_loop3A_87 = arith.constant 0 : i32
        %parallel_loop3A_88 = arith.constant 64 : i32
        %parallel_loop3A_89 = arith.constant 1 : i32
        scf.for %parallel_loop3A_91 = %parallel_loop3A_87 to %parallel_loop3A_88 step %parallel_loop3A_89  : i32 {
          %parallel_loop3A_92 = arith.constant 16 : i32
          %parallel_loop3A_93 = arith.muli %parallel_loop3A_91, %parallel_loop3A_92 : i32
          %parallel_loop3A_94 = arith.constant 7168 : i32
          %parallel_loop3A_95 = arith.addi %parallel_loop3A_94, %parallel_loop3A_93 : i32
          %parallel_loop3A_96 = arith.index_cast %parallel_loop3A_95 : i32 to index
          %parallel_loop3A_97 = tpu.vector_load %arg7[%parallel_loop3A_96] {strides = array<i32>} : memref<8192xi32, #tpu.memory_space<vmem>>, vector<16xi32>,
          %parallel_loop3A_98 = tpu.vector_load_idx %arg6[%parallel_loop3A_97] : memref<100000xf32, #tpu.memory_space<vmem>>[vector<16xi32>], vector<16xf32>,
          %parallel_loop3A_99 = arith.constant 3 : i32
          %parallel_loop3A_100 = arith.shrsi %parallel_loop3A_91, %parallel_loop3A_99 : i32
          %parallel_loop3A_101 = arith.constant 1024 : i32
          %parallel_loop3A_102 = arith.muli %parallel_loop3A_100, %parallel_loop3A_101 : i32
          %parallel_loop3A_103 = arith.constant 896 : i32
          %parallel_loop3A_104 = arith.addi %parallel_loop3A_102, %parallel_loop3A_103 : i32
          %parallel_loop3A_105 = arith.constant 7 : i32
          %parallel_loop3A_106 = arith.andi %parallel_loop3A_91, %parallel_loop3A_105 : i32
          %parallel_loop3A_107 = arith.constant 16 : i32
          %parallel_loop3A_108 = arith.muli %parallel_loop3A_106, %parallel_loop3A_107 : i32
          %parallel_loop3A_109 = arith.addi %parallel_loop3A_104, %parallel_loop3A_108 : i32
          %parallel_loop3A_110 = arith.constant 17.320509 : f32
          %parallel_loop3A_111 = vector.broadcast %parallel_loop3A_110 : f32 to vector<16xf32>
          %parallel_loop3A_112 = arith.mulf %parallel_loop3A_98, %parallel_loop3A_111 : vector<16xf32>
          %parallel_loop3A_113 = arith.addf %parallel_loop3A_112, %get3A_86 : vector<16xf32>
          %parallel_loop3A_114 = arith.index_cast %parallel_loop3A_109 : i32 to index
          %parallel_loop3A_115 = tpu.vector_load %arg8[%parallel_loop3A_114] {strides = array<i32>} : memref<8192xf32, #tpu.memory_space<vmem>>, vector<16xf32>,
          tpu.vector_store %arg8[%parallel_loop3A_114], %parallel_loop3A_113 {strides = array<i32>} : memref<8192xf32, #tpu.memory_space<vmem>>, vector<16xf32>,
        } {sc.loop_unroll_factor = 4 : i64, sc.parallel_access}
        %dma_start3A = tpu.memref_slice %arg5[%add3A_49] : memref<61440000xf32, #tpu.memory_space<hbm>> -> memref<8192xf32, #tpu.memory_space<hbm>>
        %dma_start3A_90 = tpu.memref_slice %arg5[%add3A_49] : memref<61440000xf32, #tpu.memory_space<hbm>> -> memref<8192xf32, #tpu.memory_space<hbm>>
        tpu.enqueue_dma source(%arg8 : memref<8192xf32, #tpu.memory_space<vmem>>) target(%dma_start3A_90 : memref<8192xf32, #tpu.memory_space<hbm>>) target_semaphore(%arg11 : memref<!tpu.dma_semaphore, #tpu.memory_space<semaphore_mem>>)
      } else {
      }
    }
    %scan3A_17 = arith.constant 10 : i32
    %add3A_18 = arith.addi %select_n3A_12, %select_n3A : i32
    %sub3A_19 = arith.constant 1 : i32
    %sub3A_20 = arith.subi %add3A_18, %sub3A_19 : i32
    %mul3A_21 = arith.constant 204800 : i32
    %mul3A_22 = arith.muli %sub3A_20, %mul3A_21 : i32
    %add3A_23 = arith.constant 196608 : i32
    %add3A_24 = arith.addi %mul3A_22, %add3A_23 : i32
    %dma_wait3A = tpu.memref_slice %arg5[%add3A_24] : memref<61440000xf32, #tpu.memory_space<hbm>> -> memref<8192xf32, #tpu.memory_space<hbm>>
    %dma_wait3A_25 = tpu.memref_slice %arg5[%add3A_24] : memref<61440000xf32, #tpu.memory_space<hbm>> -> memref<8192xf32, #tpu.memory_space<hbm>>
    tpu.wait_dma2 semaphore(%arg11 : memref<!tpu.dma_semaphore, #tpu.memory_space<semaphore_mem>>) src(%arg8 : memref<8192xf32, #tpu.memory_space<vmem>>) dst(%dma_wait3A_25 : memref<8192xf32, #tpu.memory_space<hbm>>)
    %mul3A_26 = arith.constant 204800 : i32
    %mul3A_27 = arith.muli %sub3A_20, %mul3A_26 : i32
    %add3A_28 = arith.constant 188416 : i32
    %add3A_29 = arith.addi %mul3A_27, %add3A_28 : i32
    %dma_wait3A_30 = tpu.memref_slice %arg5[%add3A_29] : memref<61440000xf32, #tpu.memory_space<hbm>> -> memref<8192xf32, #tpu.memory_space<hbm>>
    %dma_wait3A_31 = tpu.memref_slice %arg5[%add3A_29] : memref<61440000xf32, #tpu.memory_space<hbm>> -> memref<8192xf32, #tpu.memory_space<hbm>>
    tpu.wait_dma2 semaphore(%arg12 : memref<!tpu.dma_semaphore, #tpu.memory_space<semaphore_mem>>) src(%arg9 : memref<8192xf32, #tpu.memory_space<vmem>>) dst(%dma_wait3A_31 : memref<8192xf32, #tpu.memory_space<hbm>>)
    return
  }
}

</mosaic_0001>

<sc_bundles>
// kernel: _seq_embedding.3.cloned.1.call-start
scs
__scs_entry_jumppad:
0x0: {  	(pc) =	sbr.rel $0x88, $3  }
0x1: {  	(tag) =	ssettag $0x0;
	lr =	simm.s32 $0x1  }
0x2: {  	[smem:$0x3F9E] =	sst lr;
	_ =	strace $0xD0000000  }
0x3: {  	_ = 	snop  }
0x4: {  	_ = 	snop  }
0x5: {  	_ = 	snop  }
0x6: {  	_ = 	snop  }
0x7: {  	_ = 	snop  }
__scs_overlays_trampoline_lowered:
0x8: {  	[smem:$0x3FAD] =	sst s0  }
0x9: {  	[smem:$0x3FAE] =	sst s1  }
0xa: {  	[smem:$0x3FAF] =	sst s2  }
0xb: {  	[smem:$0x3FB0] =	sst s3  }
0xc: {  	[smem:$0x3FB1] =	sst s4  }
0xd: {  	[smem:$0x3FB2] =	sst s5  }
0xe: {  	[smem:$0x3FB3] =	sst s6  }
0xf: {  	[smem:$0x3FB4] =	sst s7  }
0x10: {  	[smem:$0x3FB5] =	sst s8  }
0x11: {  	[smem:$0x3FB6] =	sst s9;
	s0 =	simm.s32 @!p0 $0x0  }
0x12: {  	s1 =	sld [smem:$0x3F9C];
	s0 =	simm.s32 @p0 $0x1  }
0x13: {  	[smem:$0x3FB7] =	sst s0;
	s0 =	simm.s32 @!p1 $0x0  }
0x14: {  	s2 =	sld [smem:$0x3F9B];
	s0 =	simm.s32 @p1 $0x1  }
0x15: {  	[smem:$0x3FB8] =	sst s0;
	s0 =	simm.s32 @!p2 $0x0  }
0x16: {  	s3 =	sld [smem:$0x3FDB];
	s0 =	simm.s32 @p2 $0x1  }
0x17: {  	s4 =	simm.s32 $0x1BF5;
	[smem:$0x3FBA] =	sst s0  }
0x18: {  	s0 =	sld [smem:$0x3F9D];
	_ =	swait.ge [sflag:s4], $0x0  }
0x19: {  	s7 =	sld [smem:$0x3F9E]  }
0x1a: {  	s8 =	sadd.s32 $0xFFFFE003, lr  }
0x1b: {  	s9 =	sadd.s32 $0xFFFFFEF7, lr;
	s5 =	simm.s32 $0xFFFFFFFF;
	p2 =	slt.u32 s8, $0xFFFFF086  }
0x1c: {  	p1 =	slt.u32 s9, $0xF7A;
	s5 =	simm.s32 @!p2 $0x0  }
0x1d: {  	s5 =	simm.s32 @p1 $0x1;
	p0 =	seq.s32 s7, s2  }
0x1e: {  	s7 =	smul.u32 @!p0 $0xF7A, s2;
	p2 =	seq.s32 @!p0 s5, $0x0  }
0x1f: {  	s9 =	smul.u32 $0xF7A, s1;
	s8 =	simm.s32 @!p0 $0x1BF5;
	p2 =	por !p2, p0  }
0x20: {  	[sflag:s8] =	ssyncset.s32 @!p0 $0xFFFFF086;
	s6 =	sadd.s32 @!p0 s3, s7;
	s7 =	simm.s32 @!p0 $0x108  }
0x21: {  	s3 =	sadd.s32 s3, s9;
	s6 =	sadd.s32 @!p0 $0x88, s6;
	s7 =	simm.s32 @p2 $0x1082  }
0x22: {  	[simem:s7], [sflag:s8] =	dma.local @!p0 [hbm:s6], $0xF7A  }
0x23: {  	s9 =	sor.u32 $0xD0000000, s2;
	s6 =	simm.s32 $0x108;
	_ =	swait.ge @!p0 [sflag:s8], $0x0  }
0x24: {  	s3 =	sadd.s32 $0x88, s3;
	s6 =	simm.s32 @!p1 $0x1082;
	[sflag:s4] =	ssyncset.s32 $0xFFFFF086  }
0x25: {  	[simem:s6], [sflag:s4] =	dma.local [hbm:s3], $0xF7A  }
0x26: {  	[smem:$0x3F9E] =	sst s1;
	(tag) =	ssettag s2;
	_ =	strace s9  }
0x27: {  	s1 =	sld [smem:$0x3FAE]  }
0x28: {  	s2 =	sld [smem:$0x3FAF]  }
0x29: {  	s4 =	sld [smem:$0x3FB1]  }
0x2a: {  	p0 =	seq.s32 s5, $0x0;
	s5 =	sld [smem:$0x3FB2]  }
0x2b: {  	s6 =	sld [smem:$0x3FB3]  }
0x2c: {  	s7 =	sld [smem:$0x3FB4]  }
0x2d: {  	s3 =	simm.s32 $0x108;
	s8 =	sld [smem:$0x3FB5]  }
0x2e: {  	s3 =	simm.s32 @!p0 $0x1082;
	s9 =	sld [smem:$0x3FB6]  }
0x2f: {  	lr =	sadd.s32 s0, s3;
	s0 =	sld [smem:$0x3FAD]  }
0x30: {  	s3 =	sld [smem:$0x3FB0]  }
0x31: {  	[smem:$0x3FB9] =	sst s10  }
0x32: {  	s10 =	sld [smem:$0x3FB7];
	_ =	sdelay $0x3  }
0x33: {  	p0 =	seq.s32 s10, $0x1;
	s10 =	sld [smem:$0x3FB9];
	_ =	sdelay $0x3  }
0x34: {  	[smem:$0x3FB9] =	sst s10  }
0x35: {  	s10 =	sld [smem:$0x3FB8];
	_ =	sdelay $0x3  }
0x36: {  	p1 =	seq.s32 s10, $0x1;
	s10 =	sld [smem:$0x3FB9];
	_ =	sdelay $0x3  }
0x37: {  	[smem:$0x3FB9] =	sst s10  }
0x38: {  	s10 =	sld [smem:$0x3FBA]  }
0x39: {  	_ = 	snop;
	(pc) =	sbr.ind lr, $3  }
0x3a: {  	_ = 	snop  }
0x3b: {  	_ = 	snop  }
0x3c: {  	p2 =	seq.s32 s10, $0x1;
	s10 =	sld [smem:$0x3FB9]  }
0x3d: {  	_ =	shalt  }
0x3e: {  	_ =	shalt  }
0x3f: {  	_ =	shalt  }
0x40: {  	_ =	shalt  }
0x41: {  	_ =	shalt  }
0x42: {  	_ =	shalt  }
0x43: {  	_ =	shalt  }
0x44: {  	_ =	shalt  }
0x45: {  	_ =	shalt  }
0x46: {  	_ =	shalt  }
0x47: {  	_ =	shalt  }
0x48: {  	_ =	shalt  }
0x49: {  	_ =	shalt  }
0x4a: {  	_ =	shalt  }
0x4b: {  	_ =	shalt  }
0x4c: {  	_ =	shalt  }
0x4d: {  	_ =	shalt  }
0x4e: {  	_ =	shalt  }
0x4f: {  	_ =	shalt  }
0x50: {  	_ =	shalt  }
0x51: {  	_ =	shalt  }
0x52: {  	_ =	shalt  }
0x53: {  	_ =	shalt  }
0x54: {  	_ =	shalt  }
0x55: {  	_ =	shalt  }
0x56: {  	_ =	shalt  }
0x57: {  	_ =	shalt  }
0x58: {  	_ =	shalt  }
0x59: {  	_ =	shalt  }
0x5a: {  	_ =	shalt  }
0x5b: {  	_ =	shalt  }
0x5c: {  	_ =	shalt  }
0x5d: {  	_ =	shalt  }
0x5e: {  	_ =	shalt  }
0x5f: {  	_ =	shalt  }
0x60: {  	_ =	shalt  }
0x61: {  	_ =	shalt  }
0x62: {  	_ =	shalt  }
0x63: {  	_ =	shalt  }
0x64: {  	_ =	shalt  }
0x65: {  	_ =	shalt  }
0x66: {  	_ =	shalt  }
0x67: {  	_ =	shalt  }
0x68: {  	_ =	shalt  }
0x69: {  	_ =	shalt  }
0x6a: {  	_ =	shalt  }
0x6b: {  	_ =	shalt  }
0x6c: {  	_ =	shalt  }
0x6d: {  	_ =	shalt  }
0x6e: {  	_ =	shalt  }
0x6f: {  	_ =	shalt  }
0x70: {  	_ =	shalt  }
0x71: {  	_ =	shalt  }
0x72: {  	_ =	shalt  }
0x73: {  	_ =	shalt  }
0x74: {  	_ =	shalt  }
0x75: {  	_ =	shalt  }
0x76: {  	_ =	shalt  }
0x77: {  	_ =	shalt  }
0x78: {  	_ =	shalt  }
0x79: {  	_ =	shalt  }
0x7a: {  	_ =	shalt  }
0x7b: {  	_ =	shalt  }
0x7c: {  	_ =	shalt  }
0x7d: {  	_ =	shalt  }
0x7e: {  	_ =	shalt  }
0x7f: {  	_ =	shalt  }
0x80: {  	_ =	shalt  }
0x81: {  	_ =	shalt  }
0x82: {  	_ =	shalt  }
0x83: {  	_ =	shalt  }
0x84: {  	_ =	shalt  }
0x85: {  	_ =	shalt  }
0x86: {  	_ =	shalt  }
0x87: {  	_ =	shalt  }
.Lfunc_end0:
.L_simem_size_0:
called_computation_lowered:
.L_overlay_start_0:
0x88: {  	s2 =	sld [smem:$0x3FD9]  }
0x89: {  	s3 =	sld [smem:$0x3FFE];
	_ =	sdelay $0x1  }
0x8a: {  	s1 =	srdreg.scid  }
0x8b: {  	s0 =	sand.u32 $0x1, s1  }
0x8c: {  	s18 =	sshll.u32 s0, $0xA;
	s2 =	sadd.s32 s3, s2  }
0x8d: {  	s2 =	sadd.s32 s2, s18  }
0x8e: {  	[smem:$0x3FC5] =	sst s2  }
0x8f: {  	_ = 	snop  }
0x90: {  	s2 =	sld [smem:$0x3FC9]  }
0x91: {  	s19 =	sld [smem:$0x3FC8]  }
0x92: {  	s4 =	sld [smem:$0x3FC7]  }
0x93: {  	s5 =	sld [smem:$0x3FD0];
	(tm) =	ssettm $0x1  }
0x94: {  	s6 =	sld [smem:$0x3FFB];
	_ =	sdelay $0x3  }
0x95: {  	_ =	strace s6  }
0x96: {  	s6 =	sld [smem:$0x3FFC];
	_ =	sdelay $0x3  }
0x97: {  	_ =	strace s6  }
0x98: {  	s6 =	sld [smem:$0x3FFD];
	_ =	sdelay $0x3  }
0x99: {  	_ =	strace s6  }
0x9a: {  	_ =	strace $0x8FFFFFFF  }
0x9b: {  	s20 =	sld [smem:$0x3FDB];
	_ =	sdelay $0x1  }
0x9c: {  	s7 =	simm.s32 $_scs_section_size  }
0x9d: {  	s8 =	simm.s32 $_size__tile_overlayer_lowered;
	s9 =	simm.s32 $_tile_overlayer_lowered  }
0x9e: {  	s23 =	simm.s32 $0x1BFF;
	s22 =	sshll.u32 s9, $0x1;
	s6 =	sadd.s32 s7, s20  }
0x9f: {  	s10 =	simm.s32 $0x0;
	s21 =	sshll.u32 s8, $0x1;
	s8 =	sadd.s32 s22, s6  }
0xa0: {  	[timem:s10], [sflag:s23] =	dma.local [hbm:s8], s21  }
0xa1: {  	_ =	swait.ge [sflag:s23], s21  }
0xa2: {  	s7 =	ssub.s32 $0x0, s21;
	[sflag:s23] =	ssyncset.done $0x0  }
0xa3: {  	[sflag:s23] =	ssyncadd.s32 s7;
	_ =	sdelay $0x1  }
0xa4: {  	s24 =	simm.s32 $0x1B8B  }
0xa5: {  	_ =	swait.ge [sflag:s24], $0x1  }
0xa6: {  	[sflag:s24] =	ssyncset.done $0x0  }
0xa7: {  	s25 =	simm.s32 $0x1B8E;
	[sflag:s24] =	ssyncadd.s32 $0xFFFFFFFF  }
0xa8: {  	s26 =	simm.s32 $execute0_lowered;
	[smem:$0x3FD2] =	sst s25  }
0xa9: {  	s7 =	sshll.u32 s26, $0x1;
	_ =	strace $0x80000046;
	[dreg:$0x1] =	wrdreg $0xFFFFFFFF  }
0xaa: {  	s28 =	simm.s32 $_size_execute0_lowered;
	s6 =	sadd.s32 s6, s7;
	[dreg:$0x0] =	wrdreg $0x0  }
0xab: {  	s7 =	sshll.u32 s28, $0x1;
	[dreg:$0x2] =	wrdreg s6  }
0xac: {  	[dreg:$0x3] =	wrdreg s7  }
0xad: {  	[dreg:$0x4] =	wrdreg $0xC0  }
0xae: {  	_ =	task [dreg:s10], $0x5FFFF  }
0xaf: {  	[dreg:$0x1] =	wrdreg $0xFFFFFFFF  }
0xb0: {  	[dreg:$0x0] =	wrdreg $0x60  }
0xb1: {  	[dreg:$0x2] =	wrdreg s2  }
0xb2: {  	[dreg:$0x3] =	wrdreg s19  }
0xb3: {  	[dreg:$0x4] =	wrdreg s4  }
0xb4: {  	[dreg:$0x5] =	wrdreg s5  }
0xb5: {  	[dreg:$0x6] =	wrdreg $0x9  }
0xb6: {  	_ =	task.clear_ibuf [dreg:s10], $0x7FFFF;
	_ =	strace $0x90000046  }
0xb7: {  	s29 =	simm.s32 $0x9;
	_ =	strace $0x80000048  }
0xb8: {  	_ =	swait.ge [sflag:s29], $0x1  }
0xb9: {  	[sflag:s29] =	ssyncadd.s32 $0xFFFFFFFF  }
0xba: {  	_ =	strace $0x90000048  }
0xbb: {  	_ =	sfence  }
0xbc: {  	s30 =	sld [smem:$0x0];
	_ =	sdelay $0x2  }
0xbd: {  	s31 =	sshll.u32 s1, $0xD;
	s1 =	sshrl.u32 s1, $0x2  }
0xbe: {  	s3 =	sand.u32 $0x4000, s31;
	s1 =	sadd.s32 s1, s30  }
0xbf: {  	s0 =	sor.u32 s3, s0;
	s1 =	sshll.u32 s1, $0x11  }
0xc0: {  	s0 =	sor.u32 s1, s0  }
0xc1: {  	s0 =	sadd.s32 $0x8F2B, s0  }
0xc2: {  	[sflag:s0] =	ssyncadd.remote.s32 $0x1  }
0xc3: {  	_ =	sfence.sel $0xFFFF  }
0xc4: {  	[dreg:$0x0] =	wrdreg $0xFFFFFFFF;
	(pc) =	sbr.abs _section_cstart, $3  }
0xc5: {  	[dreg:$0x1] =	wrdreg $0xFFFFFFFF  }
0xc6: {  	_ =	task.clear_ibuf [dreg:s10], $0x2FFFF;
	_ =	strace $0x9FFFFFFF  }
0xc7: {  	(tm) =	ssettm $0x7FFFFFFF  }
tec
execute0_lowered:
.L_overlay_start_1:
0x0: {  	(tag) =	ssettag $0x1  }
0x1: {  	s1 =	rddreg [dreg:$0x0]  }
0x2: {  	s3 =	rddreg [dreg:$0x1]  }
0x3: {  	s4 =	rddreg [dreg:$0x2]  }
0x4: {  	s5 =	rddreg [dreg:$0x3]  }
0x5: {  	s0 =	srdreg.scid;
	s9 =	stileid.u32  }
0x6: {  	s6 =	simm.s32 $0x0;
	s11 =	simm.s32 $0x3;
	s12 =	simm.s32 $0x1E6A0  }
0x7: {  	s13 =	simm.s32 $0x186A0;
	s14 =	simm.s32 $0x1;
	s15 =	simm.s32 $0x1A6A0  }
0x8: {  	s16 =	simm.s32 $0x1C6A0;
	s10 =	simm.s32 $0x0;
	s0 =	sand.u32 $0x1, s0  }
0x9: {  	s2 =	sshll.u32 s9, $0x1;
	[smem:$0x7FF] =	sst s6;
	p0 =	slt.u32 s9, $0x6  }
.Ltmp0:
0xa: {  	s7 =	ssub.s32 $0x2, s0;
	s0 =	sor.u32 s0, s2;
	(pc) =	sbr.rel .LBB2_1-.Ltmp0, $4  }
0xb: {  	s9 =	sadd.s32 $0x6000, s1;
	s30 =	sshrl.u32 s7, $0x1;
	s8 =	smul.u32 $0x9, s0  }
0xc: {  	_ =	strace $0x80000047;
	s0 =	smul.u32 $0xA, s0;
	s2 =	ssub.s32 s7, s30  }
0xd: {  	s7 =	simm.s32 $0xA;
	s8 =	sadd.s32 $0xC, s8;
	s31 =	smax.u32 s2, $0x1  }
0xe: {  	s7 =	simm.s32 @!p0 $0x9;
	s8 =	smov.u32 @p0 s0;
	[dreg:$0x5] =	wrdreg s31  }
.LBB2_55:
0xf: {  	_ =	swait.ge [sflag:s14], $0x2000  }
0x10: {  	[sflag:s14] =	ssyncset.done $0x0  }
0x11: {  	s2 =	simm.s32 $0x2;
	[sflag:s14] =	ssyncadd.s32 $0xFFFFE000  }
0x12: {  	_ =	swait.ge [sflag:s2], $0x2000  }
0x13: {  	s10 =	rddreg [dreg:$0x6]  }
0x14: {  	s0 =	rddreg [dreg:$0x5];
	s10 =	sadd.s32 $0x1, s10  }
0x15: {  	p0 =	sne.s32 s10, s0  }
.Ltmp1:
0x16: {  	_ = 	snop;
	(pc) =	sbr.rel @!p0 .LBB2_56-.Ltmp1, $3  }
0x17: {  	_ =	sdelay $0x1  }
0x18: {  	[sflag:s2] =	ssyncset.done $0x0  }
0x19: {  	[sflag:s2] =	ssyncadd.s32 $0xFFFFE000  }
.LBB2_1:
.Ltmp2:
0x1a: {  	(pc) =	sbr.rel .LBB2_2-.Ltmp2, $2  }
0x1b: {  	_ =	sdelay $0x2  }
0x1c: {  	[dreg:$0x6] =	wrdreg s10;
	s19 =	simm.s32 $0x0  }
.LBB2_54:
0x1d: {  	s19 =	sadd.s32 $0x1, s19  }
0x1e: {  	p0 =	sne.s32 s19, $0xA  }
.Ltmp3:
0x1f: {  	_ = 	snop;
	(pc) =	sbr.rel @!p0 .LBB2_55-.Ltmp3, $1  }
0x20: {  	_ =	sdelay $0x3  }
.LBB2_2:
0x21: {  	p0 =	sge.u32 s19, s7  }
.Ltmp4:
0x22: {  	_ = 	snop;
	(pc) =	sbr.rel @p0 .LBB2_54-.Ltmp4, $1  }
0x23: {  	_ =	sdelay $0x3  }
0x24: {  	s0 =	sadd.s32 s8, s19  }
0x25: {  	s2 =	smul.u32 $0x30D4, s0;
	_ =	sdelay $0x1  }
0x26: {  	s21 =	simm.s32 $0x0;
	s2 =	sadd.s32 s4, s2  }
0x27: {  	[tilespmem:s21], [sflag:$0x3] =	stream.linear.gather [hbm4b:s2+s21], $0x186A0, $0x38;
	[tilespmem:$0x1F320] =	vst v63  }
0x28: {  	s31 =	smul.u32 $0x190, s0;
	_ =	swait.ge [sflag:s11], $0x186A0  }
0x29: {  	[sflag:s11] =	ssyncset.done $0x0  }
0x2a: {  	s2 =	sadd.s32 s3, s31;
	[sflag:s11] =	ssyncadd.s32 $0xFFFE7960  }
0x2b: {  	[tilespmem:s12], [sflag:$0x3] =	stream.linear.gather [hbm4b:s2+s21], $0xC80, $0x38;
	[tilespmem:$0x1F320] =	vst v63  }
0x2c: {  	_ =	swait.ge [sflag:s11], $0xC80  }
0x2d: {  	[sflag:s11] =	ssyncset.done $0x0  }
0x2e: {  	s22 =	simm.s32 $0x0;
	s20 =	smul.u32 $0x32000, s0;
	[sflag:s11] =	ssyncadd.s32 $0xFFFFF380  }
.LBB2_4:
0x2f: {  	s0 =	sor.u32 s19, s22  }
0x30: {  	p0 =	seq.s32 s0, $0x0  }
0x31: {  	s0 =	simm.s32 @!p0 $0x1  }
0x32: {  	_ =	swait.ge @!p0 [sflag:s0], $0x2000  }
0x33: {  	s2 =	sshll.u32 s22, $0xB;
	[sflag:s0] =	ssyncset.done @!p0 $0x0  }
0x34: {  	s23 =	sadd.s32 s1, s2;
	[sflag:s0] =	ssyncadd.s32 @!p0 $0xFFFFE000  }
0x35: {  	[tilespmem:s13], [sflag:$0x3] =	stream.linear.gather [hbm4b:s23+s21], $0x2000, $0x38;
	[tilespmem:$0x1F320] =	vst v63  }
0x36: {  	_ =	swait.ge [sflag:s11], $0x2000  }
0x37: {  	s24 =	sshll.u32 s22, $0x8;
	[sflag:s11] =	ssyncset.done $0x0  }
0x38: {  	s24 =	sand.u32 $0x3FFFFF00, s24;
	[sflag:s11] =	ssyncadd.s32 $0xFFFFE000  }
0x39: {  	s25 =	simm.s32 $0x186C0;
	v0 =	vld [tilespmem:s24+$0x1E6A0]  }
0x3a: {  	v1 =	vld [tilespmem:s25+$0xFFFFFFE0]  }
0x3b: {  	v2 =	vld [tilespmem:s25+$0x10]  }
0x3c: {  	v3 =	vld [tilespmem:s25+$0x0]  }
0x3d: {  	s26 =	simm.s32 $0x18700;
	v4 =	vld [tilespmem:s25+$0xFFFFFFF0]  }
0x3e: {  	v5 =	vld [tilespmem:s26+$0xFFFFFFE0]  }
0x3f: {  	v6 =	vld [tilespmem:s26+$0x10]  }
0x40: {  	v7 =	vld [tilespmem:s26+$0x0]  }
0x41: {  	v8 =	vld [tilespmem:s26+$0xFFFFFFF0]  }
0x42: {  	v1 =	vld.idx.msk [tilespmem:v1+s6+$0x0], $0xffff  }
0x43: {  	v9 =	vld.idx.msk [tilespmem:v2+s6+$0x0], $0xffff  }
0x44: {  	v10 =	vld.idx.msk [tilespmem:v3+s6+$0x0], $0xffff  }
0x45: {  	s29 =	simm.s32 $0x18740;
	v11 =	vld.idx.msk [tilespmem:v4+s6+$0x0], $0xffff  }
0x46: {  	v4 =	vld [tilespmem:s29+$0xFFFFFFE0]  }
0x47: {  	s30 =	sshll.u32 s22, $0xE;
	v3 =	vld [tilespmem:s29+$0x10]  }
0x48: {  	s31 =	simm.s32 $0x10;
	s17 =	sand.u32 $0x1C00, s21;
	s10 =	simm.s32 $0x0;
	v2 =	vld [tilespmem:s29+$0x0];
	v12 =	vmul.f32 $1.732050900e+01, v1  }
0x49: {  	s10 =	sand.u32 $0x40, s10;
	s18 =	sand.u32 $0x50, s31;
	s31 =	simm.s32 $0x20;
	v1 =	vld [tilespmem:s29+$0xFFFFFFF0];
	v9 =	vmul.f32 $1.732050900e+01, v9  }
0x4a: {  	s2 =	simm.s32 $0x18780;
	s25 =	simm.s32 $0x30;
	v5 =	vld.idx.msk [tilespmem:v5+s6+$0x0], $0xffff;
	s29 =	sadd.s32 $0x1A6A0, s17;
	v10 =	vmul.f32 $1.732050900e+01, v10;
	v12 =	vadd.f32 v12, v0  }
0x4b: {  	s23 =	sadd.s32 s20, s30;
	s28 =	sand.u32 $0x70, s25;
	v6 =	vld.idx.msk [tilespmem:v6+s6+$0x0], $0xffff;
	v11 =	vmul.f32 $1.732050900e+01, v11;
	s30 =	sor.u32 s10, s29;
	v13 =	vadd.f32 v9, v0  }
0x4c: {  	s26 =	simm.s32 $0x8;
	v7 =	vld.idx.msk [tilespmem:v7+s6+$0x0], $0xffff;
	s10 =	sand.u32 $0x60, s31;
	s28 =	sadd.s32 s28, s29;
	v10 =	vadd.f32 v10, v0;
	[tilespmem:s30+$0x0] =	vst v12  }
0x4d: {  	v8 =	vld.idx.msk [tilespmem:v8+s6+$0x0], $0xffff;
	s0 =	sor.u32 s18, s29;
	v9 =	vadd.f32 v11, v0;
	s10 =	sadd.s32 s10, s29;
	[tilespmem:s28+$0x0] =	vst v13;
	s28 =	simm.s32 $0x0  }
.LBB2_5:
0x4e: {  	v11 =	vld [tilespmem:s2+$0xFFFFFFE0];
	s26 =	sadd.s32 $0x4, s26;
	[tilespmem:s10+$0x0] =	vst v10;
	s25 =	sadd.s32 $0x40, s25;
	s28 =	sadd.s32 $0x200, s28;
	v12 =	vmov v1  }
0x4f: {  	v13 =	vld [tilespmem:s2+$0x10];
	p1 =	slt.u32 s26, $0x3C;
	[tilespmem:s0+$0x0] =	vst v9  }
0x50: {  	v9 =	vmul.f32 $1.732050900e+01, v5;
	s0 =	sadd.s32 $0xFFFFFFE0, s25;
	s10 =	sand.u32 $0x70, s25;
	s29 =	sand.u32 $0x1C00, s28;
	v14 =	vld [tilespmem:s2+$0x0]  }
.Ltmp5:
0x51: {  	s30 =	sadd.s32 $0xFFFFFFD0, s25;
	v10 =	vmul.f32 $1.732050900e+01, v6;
	v1 =	vld [tilespmem:s2+$0xFFFFFFF0];
	(pc) =	sbr.rel @p1 .LBB2_5-.Ltmp5, $4  }
0x52: {  	s30 =	sand.u32 $0x40, s30;
	s29 =	sadd.s32 $0x1A6A0, s29;
	s0 =	sand.u32 $0x50, s0;
	v9 =	vadd.f32 v9, v0;
	v15 =	vmul.f32 $1.732050900e+01, v7;
	v5 =	vld.idx.msk [tilespmem:v4+s6+$0x0], $0xffff  }
0x53: {  	s31 =	sadd.s32 $0xFFFFFFF0, s25;
	s30 =	sor.u32 s30, s29;
	s0 =	sor.u32 s0, s29;
	v16 =	vmul.f32 $1.732050900e+01, v8;
	v17 =	vadd.f32 v10, v0;
	v6 =	vld.idx.msk [tilespmem:v3+s6+$0x0], $0xffff;
	v4 =	vmov v11  }
0x54: {  	v10 =	vadd.f32 v15, v0;
	v7 =	vld.idx.msk [tilespmem:v2+s6+$0x0], $0xffff;
	[tilespmem:s30+$0x0] =	vst v9;
	s30 =	sand.u32 $0x60, s31;
	s31 =	sadd.s32 s10, s29;
	v3 =	vmov v13  }
0x55: {  	s2 =	sadd.s32 $0x40, s2;
	v9 =	vadd.f32 v16, v0;
	v8 =	vld.idx.msk [tilespmem:v12+s6+$0x0], $0xffff;
	s10 =	sadd.s32 s30, s29;
	[tilespmem:s31+$0x0] =	vst v17;
	v2 =	vmov v14  }
0x56: {  	_ =	sdelay $0x3  }
0x57: {  	v4 =	vld.idx.msk [tilespmem:v4+s6+$0x0], $0xffff  }
0x58: {  	s2 =	sadd.s32 $0x40, s25;
	v3 =	vld.idx.msk [tilespmem:v3+s6+$0x0], $0xffff  }
0x59: {  	s25 =	sadd.s32 $0x200, s28;
	v2 =	vld.idx.msk [tilespmem:v2+s6+$0x0], $0xffff;
	v5 =	vmul.f32 $1.732050900e+01, v5;
	s26 =	sadd.s32 $0xFFFFFFE0, s2;
	s28 =	sand.u32 $0x70, s2  }
0x5a: {  	v1 =	vld.idx.msk [tilespmem:v1+s6+$0x0], $0xffff;
	s29 =	sand.u32 $0x1C00, s25;
	s30 =	sadd.s32 $0xFFFFFFD0, s2;
	s18 =	sadd.s32 $0xFFFFFFF0, s2;
	v6 =	vmul.f32 $1.732050900e+01, v6  }
0x5b: {  	[tilespmem:s10+$0x0] =	vst v10;
	s2 =	sadd.s32 $0x40, s2;
	s17 =	sand.u32 $0x40, s30;
	s29 =	sadd.s32 $0x1A6A0, s29;
	v5 =	vadd.f32 v5, v0;
	v7 =	vmul.f32 $1.732050900e+01, v7  }
0x5c: {  	[tilespmem:s0+$0x0] =	vst v9;
	s25 =	sadd.s32 $0x200, s25;
	s0 =	sand.u32 $0x50, s26;
	s10 =	sor.u32 s17, s29;
	v8 =	vmul.f32 $1.732050900e+01, v8;
	v6 =	vadd.f32 v6, v0  }
0x5d: {  	s30 =	sand.u32 $0x60, s18;
	s18 =	sadd.s32 $0xFFFFFFD0, s2;
	s31 =	sadd.s32 s28, s29;
	[tilespmem:s10+$0x0] =	vst v5;
	v5 =	vadd.f32 v7, v0;
	v4 =	vmul.f32 $1.732050900e+01, v4  }
0x5e: {  	s26 =	sadd.s32 s30, s29;
	s17 =	sand.u32 $0x1C00, s25;
	s0 =	sor.u32 s0, s29;
	v3 =	vmul.f32 $1.732050900e+01, v3;
	v7 =	vadd.f32 v8, v0;
	[tilespmem:s31+$0x0] =	vst v6  }
0x5f: {  	s25 =	sand.u32 $0x40, s18;
	s30 =	sand.u32 $0x70, s2;
	s10 =	sadd.s32 $0x1A6A0, s17;
	v2 =	vmul.f32 $1.732050900e+01, v2;
	v1 =	vmul.f32 $1.732050900e+01, v1;
	[tilespmem:s26+$0x0] =	vst v5;
	v4 =	vadd.f32 v4, v0  }
0x60: {  	s25 =	sor.u32 s25, s10;
	s31 =	sadd.s32 $0xFFFFFFF0, s2;
	s2 =	sadd.s32 $0xFFFFFFE0, s2;
	v3 =	vadd.f32 v3, v0;
	[tilespmem:s0+$0x0] =	vst v7  }
0x61: {  	v2 =	vadd.f32 v2, v0;
	s2 =	sand.u32 $0x50, s2;
	v0 =	vadd.f32 v1, v0;
	s0 =	sadd.s32 s30, s10;
	[tilespmem:s25+$0x0] =	vst v4  }
0x62: {  	s17 =	sand.u32 $0x60, s31;
	s18 =	sor.u32 s2, s10;
	[tilespmem:s0+$0x0] =	vst v3  }
0x63: {  	s25 =	sadd.s32 s17, s10;
	[tilespmem:s18+$0x0] =	vst v0  }
0x64: {  	[tilespmem:s25+$0x0] =	vst v2  }
0x65: {  	s25 =	simm.s32 $0x18AD0;
	v0 =	vld [tilespmem:s24+$0x1E6B0]  }
0x66: {  	v1 =	vld [tilespmem:s25+$0xFFFFFFD0]  }
0x67: {  	v2 =	vld [tilespmem:s25+$0x0]  }
0x68: {  	v3 =	vld [tilespmem:s25+$0xFFFFFFF0]  }
0x69: {  	s26 =	simm.s32 $0x18B10;
	v4 =	vld [tilespmem:s25+$0xFFFFFFE0]  }
0x6a: {  	v5 =	vld [tilespmem:s26+$0xFFFFFFD0]  }
0x6b: {  	v6 =	vld [tilespmem:s26+$0x0]  }
0x6c: {  	v7 =	vld [tilespmem:s26+$0xFFFFFFF0]  }
0x6d: {  	v8 =	vld [tilespmem:s26+$0xFFFFFFE0]  }
0x6e: {  	v1 =	vld.idx.msk [tilespmem:v1+s6+$0x0], $0xffff  }
0x6f: {  	v9 =	vld.idx.msk [tilespmem:v2+s6+$0x0], $0xffff  }
0x70: {  	v10 =	vld.idx.msk [tilespmem:v3+s6+$0x0], $0xffff  }
0x71: {  	s29 =	simm.s32 $0x18B50;
	v11 =	vld.idx.msk [tilespmem:v4+s6+$0x0], $0xffff  }
0x72: {  	v4 =	vld [tilespmem:s29+$0xFFFFFFD0]  }
0x73: {  	v3 =	vld [tilespmem:s29+$0x0]  }
0x74: {  	s28 =	simm.s32 $0x8;
	s25 =	simm.s32 $0x0;
	v2 =	vld [tilespmem:s29+$0xFFFFFFF0];
	v12 =	vmul.f32 $1.732050900e+01, v1  }
0x75: {  	s30 =	simm.s32 $0x0;
	s10 =	simm.s32 $0x10;
	s31 =	sand.u32 $0x1C00, s25;
	v1 =	vld [tilespmem:s29+$0xFFFFFFE0];
	v9 =	vmul.f32 $1.732050900e+01, v9  }
0x76: {  	s2 =	sand.u32 $0x40, s30;
	s26 =	simm.s32 $0x30;
	s17 =	sadd.s32 $0x1A6A0, s31;
	v5 =	vld.idx.msk [tilespmem:v5+s6+$0x0], $0xffff;
	v10 =	vmul.f32 $1.732050900e+01, v10;
	v12 =	vadd.f32 v12, v0  }
0x77: {  	s18 =	sand.u32 $0x70, s26;
	s31 =	simm.s32 $0x20;
	s2 =	sor.u32 s2, s17;
	v6 =	vld.idx.msk [tilespmem:v6+s6+$0x0], $0xffff;
	v11 =	vmul.f32 $1.732050900e+01, v11;
	v13 =	vadd.f32 v9, v0  }
0x78: {  	s10 =	sand.u32 $0x50, s10;
	s30 =	sand.u32 $0x60, s31;
	s31 =	sadd.s32 s18, s17;
	v7 =	vld.idx.msk [tilespmem:v7+s6+$0x0], $0xffff;
	v10 =	vadd.f32 v10, v0;
	[tilespmem:s2+$0x80] =	vst v12  }
0x79: {  	s0 =	simm.s32 $0x18B90;
	v8 =	vld.idx.msk [tilespmem:v8+s6+$0x0], $0xffff;
	v9 =	vadd.f32 v11, v0;
	s2 =	sor.u32 s10, s17;
	s10 =	sadd.s32 s30, s17;
	[tilespmem:s31+$0x80] =	vst v13  }
.LBB2_7:
0x7a: {  	v11 =	vld [tilespmem:s0+$0xFFFFFFD0];
	s28 =	sadd.s32 $0x4, s28;
	[tilespmem:s10+$0x80] =	vst v10;
	s26 =	sadd.s32 $0x40, s26;
	s25 =	sadd.s32 $0x200, s25;
	v12 =	vmov v1  }
0x7b: {  	v13 =	vld [tilespmem:s0+$0x0];
	p1 =	slt.u32 s28, $0x3C;
	[tilespmem:s2+$0x80] =	vst v9;
	s2 =	sadd.s32 $0xFFFFFFD0, s26  }
0x7c: {  	v9 =	vmul.f32 $1.732050900e+01, v5;
	s10 =	sadd.s32 $0xFFFFFFE0, s26;
	s29 =	sand.u32 $0x1C00, s25;
	v14 =	vld [tilespmem:s0+$0xFFFFFFF0]  }
.Ltmp6:
0x7d: {  	s10 =	sand.u32 $0x50, s10;
	v10 =	vmul.f32 $1.732050900e+01, v6;
	v1 =	vld [tilespmem:s0+$0xFFFFFFE0];
	(pc) =	sbr.rel @p1 .LBB2_7-.Ltmp6, $4  }
0x7e: {  	s30 =	sand.u32 $0x70, s26;
	s2 =	sand.u32 $0x40, s2;
	s29 =	sadd.s32 $0x1A6A0, s29;
	v9 =	vadd.f32 v9, v0;
	v15 =	vmul.f32 $1.732050900e+01, v7;
	v5 =	vld.idx.msk [tilespmem:v4+s6+$0x0], $0xffff  }
0x7f: {  	s31 =	sor.u32 s2, s29;
	s2 =	sor.u32 s10, s29;
	s10 =	sadd.s32 $0xFFFFFFF0, s26;
	v16 =	vmul.f32 $1.732050900e+01, v8;
	v17 =	vadd.f32 v10, v0;
	v6 =	vld.idx.msk [tilespmem:v3+s6+$0x0], $0xffff;
	v4 =	vmov v11  }
0x80: {  	s30 =	sadd.s32 s30, s29;
	s10 =	sand.u32 $0x60, s10;
	v10 =	vadd.f32 v15, v0;
	v7 =	vld.idx.msk [tilespmem:v2+s6+$0x0], $0xffff;
	[tilespmem:s31+$0x80] =	vst v9;
	v3 =	vmov v13  }
0x81: {  	s0 =	sadd.s32 $0x40, s0;
	s10 =	sadd.s32 s10, s29;
	v9 =	vadd.f32 v16, v0;
	v8 =	vld.idx.msk [tilespmem:v12+s6+$0x0], $0xffff;
	[tilespmem:s30+$0x80] =	vst v17;
	v2 =	vmov v14  }
0x82: {  	_ =	sdelay $0x3  }
0x83: {  	v4 =	vld.idx.msk [tilespmem:v4+s6+$0x0], $0xffff  }
0x84: {  	s0 =	sadd.s32 $0x40, s26;
	v3 =	vld.idx.msk [tilespmem:v3+s6+$0x0], $0xffff  }
0x85: {  	s25 =	sadd.s32 $0x200, s25;
	v2 =	vld.idx.msk [tilespmem:v2+s6+$0x0], $0xffff;
	v5 =	vmul.f32 $1.732050900e+01, v5;
	s26 =	sadd.s32 $0xFFFFFFE0, s0;
	s28 =	sadd.s32 $0xFFFFFFD0, s0  }
0x86: {  	v1 =	vld.idx.msk [tilespmem:v1+s6+$0x0], $0xffff;
	s29 =	sand.u32 $0x1C00, s25;
	s17 =	sadd.s32 $0xFFFFFFF0, s0;
	s18 =	sand.u32 $0x70, s0;
	v6 =	vmul.f32 $1.732050900e+01, v6  }
0x87: {  	[tilespmem:s10+$0x80] =	vst v10;
	s0 =	sadd.s32 $0x40, s0;
	s31 =	sand.u32 $0x40, s28;
	s28 =	sadd.s32 $0x1A6A0, s29;
	v5 =	vadd.f32 v5, v0;
	v7 =	vmul.f32 $1.732050900e+01, v7  }
0x88: {  	[tilespmem:s2+$0x80] =	vst v9;
	s25 =	sadd.s32 $0x200, s25;
	s26 =	sand.u32 $0x50, s26;
	s10 =	sor.u32 s31, s28;
	v8 =	vmul.f32 $1.732050900e+01, v8;
	v6 =	vadd.f32 v6, v0  }
0x89: {  	s29 =	sand.u32 $0x60, s17;
	s30 =	sadd.s32 $0xFFFFFFD0, s0;
	s2 =	sadd.s32 s18, s28;
	[tilespmem:s10+$0x80] =	vst v5;
	v5 =	vadd.f32 v7, v0;
	v4 =	vmul.f32 $1.732050900e+01, v4  }
0x8a: {  	s17 =	sadd.s32 $0xFFFFFFF0, s0;
	s29 =	sadd.s32 s29, s28;
	s10 =	sand.u32 $0x1C00, s25;
	v3 =	vmul.f32 $1.732050900e+01, v3;
	v7 =	vadd.f32 v8, v0;
	[tilespmem:s2+$0x80] =	vst v6  }
0x8b: {  	s26 =	sor.u32 s26, s28;
	v2 =	vmul.f32 $1.732050900e+01, v2;
	v1 =	vmul.f32 $1.732050900e+01, v1;
	s2 =	sand.u32 $0x40, s30;
	s10 =	sadd.s32 $0x1A6A0, s10;
	[tilespmem:s29+$0x80] =	vst v5;
	v4 =	vadd.f32 v4, v0  }
0x8c: {  	s31 =	sand.u32 $0x70, s0;
	s0 =	sadd.s32 $0xFFFFFFE0, s0;
	s2 =	sor.u32 s2, s10;
	v3 =	vadd.f32 v3, v0;
	[tilespmem:s26+$0x80] =	vst v7  }
0x8d: {  	s0 =	sand.u32 $0x50, s0;
	v2 =	vadd.f32 v2, v0;
	s25 =	sadd.s32 s31, s10;
	v0 =	vadd.f32 v1, v0;
	[tilespmem:s2+$0x80] =	vst v4  }
0x8e: {  	s18 =	sand.u32 $0x60, s17;
	s0 =	sor.u32 s0, s10;
	[tilespmem:s25+$0x80] =	vst v3  }
0x8f: {  	s2 =	sadd.s32 s18, s10;
	[tilespmem:s0+$0x80] =	vst v0  }
0x90: {  	[tilespmem:s2+$0x80] =	vst v2  }
0x91: {  	s26 =	simm.s32 $0x18ED0;
	v0 =	vld [tilespmem:s24+$0x1E6C0]  }
0x92: {  	v1 =	vld [tilespmem:s26+$0xFFFFFFD0]  }
0x93: {  	v2 =	vld [tilespmem:s26+$0x0]  }
0x94: {  	v3 =	vld [tilespmem:s26+$0xFFFFFFF0]  }
0x95: {  	s29 =	simm.s32 $0x18F10;
	v4 =	vld [tilespmem:s26+$0xFFFFFFE0]  }
0x96: {  	v5 =	vld [tilespmem:s29+$0xFFFFFFD0]  }
0x97: {  	v6 =	vld [tilespmem:s29+$0x0]  }
0x98: {  	v7 =	vld [tilespmem:s29+$0xFFFFFFF0]  }
0x99: {  	v8 =	vld [tilespmem:s29+$0xFFFFFFE0]  }
0x9a: {  	v1 =	vld.idx.msk [tilespmem:v1+s6+$0x0], $0xffff  }
0x9b: {  	v9 =	vld.idx.msk [tilespmem:v2+s6+$0x0], $0xffff  }
0x9c: {  	v10 =	vld.idx.msk [tilespmem:v3+s6+$0x0], $0xffff  }
0x9d: {  	s30 =	simm.s32 $0x18F50;
	v11 =	vld.idx.msk [tilespmem:v4+s6+$0x0], $0xffff  }
0x9e: {  	v4 =	vld [tilespmem:s30+$0xFFFFFFD0]  }
0x9f: {  	v3 =	vld [tilespmem:s30+$0x0]  }
0xa0: {  	s28 =	simm.s32 $0x8;
	s25 =	simm.s32 $0x0;
	v2 =	vld [tilespmem:s30+$0xFFFFFFF0];
	v12 =	vmul.f32 $1.732050900e+01, v1  }
0xa1: {  	s17 =	simm.s32 $0x10;
	s31 =	simm.s32 $0x0;
	s10 =	sand.u32 $0x1C00, s25;
	v1 =	vld [tilespmem:s30+$0xFFFFFFE0];
	v9 =	vmul.f32 $1.732050900e+01, v9  }
0xa2: {  	s2 =	sand.u32 $0x40, s31;
	s26 =	simm.s32 $0x30;
	s18 =	sadd.s32 $0x1A6A0, s10;
	v5 =	vld.idx.msk [tilespmem:v5+s6+$0x0], $0xffff;
	v10 =	vmul.f32 $1.732050900e+01, v10;
	v12 =	vadd.f32 v12, v0  }
0xa3: {  	s31 =	sand.u32 $0x70, s26;
	s2 =	sor.u32 s2, s18;
	v6 =	vld.idx.msk [tilespmem:v6+s6+$0x0], $0xffff;
	v11 =	vmul.f32 $1.732050900e+01, v11;
	s30 =	simm.s32 $0x20;
	v13 =	vadd.f32 v9, v0  }
0xa4: {  	s10 =	sand.u32 $0x50, s17;
	s31 =	sadd.s32 s31, s18;
	v7 =	vld.idx.msk [tilespmem:v7+s6+$0x0], $0xffff;
	s30 =	sand.u32 $0x60, s30;
	v10 =	vadd.f32 v10, v0;
	[tilespmem:s2+$0x100] =	vst v12  }
0xa5: {  	s0 =	simm.s32 $0x18F90;
	v8 =	vld.idx.msk [tilespmem:v8+s6+$0x0], $0xffff;
	v9 =	vadd.f32 v11, v0;
	s2 =	sor.u32 s10, s18;
	s10 =	sadd.s32 s30, s18;
	[tilespmem:s31+$0x100] =	vst v13  }
.LBB2_9:
0xa6: {  	v11 =	vld [tilespmem:s0+$0xFFFFFFD0];
	s28 =	sadd.s32 $0x4, s28;
	[tilespmem:s10+$0x100] =	vst v10;
	s26 =	sadd.s32 $0x40, s26;
	s25 =	sadd.s32 $0x200, s25;
	v12 =	vmov v1  }
0xa7: {  	v13 =	vld [tilespmem:s0+$0x0];
	p1 =	slt.u32 s28, $0x3C;
	[tilespmem:s2+$0x100] =	vst v9;
	s2 =	sadd.s32 $0xFFFFFFD0, s26  }
0xa8: {  	v9 =	vmul.f32 $1.732050900e+01, v5;
	s10 =	sadd.s32 $0xFFFFFFE0, s26;
	s29 =	sand.u32 $0x1C00, s25;
	v14 =	vld [tilespmem:s0+$0xFFFFFFF0]  }
.Ltmp7:
0xa9: {  	s10 =	sand.u32 $0x50, s10;
	v10 =	vmul.f32 $1.732050900e+01, v6;
	v1 =	vld [tilespmem:s0+$0xFFFFFFE0];
	(pc) =	sbr.rel @p1 .LBB2_9-.Ltmp7, $4  }
0xaa: {  	s30 =	sand.u32 $0x70, s26;
	s2 =	sand.u32 $0x40, s2;
	s29 =	sadd.s32 $0x1A6A0, s29;
	v9 =	vadd.f32 v9, v0;
	v15 =	vmul.f32 $1.732050900e+01, v7;
	v5 =	vld.idx.msk [tilespmem:v4+s6+$0x0], $0xffff  }
0xab: {  	s31 =	sor.u32 s2, s29;
	s2 =	sor.u32 s10, s29;
	s10 =	sadd.s32 $0xFFFFFFF0, s26;
	v16 =	vmul.f32 $1.732050900e+01, v8;
	v17 =	vadd.f32 v10, v0;
	v6 =	vld.idx.msk [tilespmem:v3+s6+$0x0], $0xffff;
	v4 =	vmov v11  }
0xac: {  	s30 =	sadd.s32 s30, s29;
	s10 =	sand.u32 $0x60, s10;
	v10 =	vadd.f32 v15, v0;
	v7 =	vld.idx.msk [tilespmem:v2+s6+$0x0], $0xffff;
	[tilespmem:s31+$0x100] =	vst v9;
	v3 =	vmov v13  }
0xad: {  	s0 =	sadd.s32 $0x40, s0;
	s10 =	sadd.s32 s10, s29;
	v9 =	vadd.f32 v16, v0;
	v8 =	vld.idx.msk [tilespmem:v12+s6+$0x0], $0xffff;
	[tilespmem:s30+$0x100] =	vst v17;
	v2 =	vmov v14  }
0xae: {  	_ =	sdelay $0x3  }
0xaf: {  	v4 =	vld.idx.msk [tilespmem:v4+s6+$0x0], $0xffff  }
0xb0: {  	s0 =	sadd.s32 $0x40, s26;
	v3 =	vld.idx.msk [tilespmem:v3+s6+$0x0], $0xffff  }
0xb1: {  	s25 =	sadd.s32 $0x200, s25;
	v2 =	vld.idx.msk [tilespmem:v2+s6+$0x0], $0xffff;
	v5 =	vmul.f32 $1.732050900e+01, v5;
	s26 =	sadd.s32 $0xFFFFFFE0, s0;
	s28 =	sadd.s32 $0xFFFFFFD0, s0  }
0xb2: {  	v1 =	vld.idx.msk [tilespmem:v1+s6+$0x0], $0xffff;
	s29 =	sand.u32 $0x1C00, s25;
	s17 =	sadd.s32 $0xFFFFFFF0, s0;
	s18 =	sand.u32 $0x70, s0;
	v6 =	vmul.f32 $1.732050900e+01, v6  }
0xb3: {  	[tilespmem:s10+$0x100] =	vst v10;
	s0 =	sadd.s32 $0x40, s0;
	s31 =	sand.u32 $0x40, s28;
	s28 =	sadd.s32 $0x1A6A0, s29;
	v5 =	vadd.f32 v5, v0;
	v7 =	vmul.f32 $1.732050900e+01, v7  }
0xb4: {  	[tilespmem:s2+$0x100] =	vst v9;
	s25 =	sadd.s32 $0x200, s25;
	s26 =	sand.u32 $0x50, s26;
	s10 =	sor.u32 s31, s28;
	v8 =	vmul.f32 $1.732050900e+01, v8;
	v6 =	vadd.f32 v6, v0  }
0xb5: {  	s29 =	sand.u32 $0x60, s17;
	s30 =	sadd.s32 $0xFFFFFFD0, s0;
	s2 =	sadd.s32 s18, s28;
	[tilespmem:s10+$0x100] =	vst v5;
	v5 =	vadd.f32 v7, v0;
	v4 =	vmul.f32 $1.732050900e+01, v4  }
0xb6: {  	s17 =	sadd.s32 $0xFFFFFFF0, s0;
	s29 =	sadd.s32 s29, s28;
	s10 =	sand.u32 $0x1C00, s25;
	v3 =	vmul.f32 $1.732050900e+01, v3;
	v7 =	vadd.f32 v8, v0;
	[tilespmem:s2+$0x100] =	vst v6  }
0xb7: {  	s26 =	sor.u32 s26, s28;
	v2 =	vmul.f32 $1.732050900e+01, v2;
	v1 =	vmul.f32 $1.732050900e+01, v1;
	s2 =	sand.u32 $0x40, s30;
	s10 =	sadd.s32 $0x1A6A0, s10;
	[tilespmem:s29+$0x100] =	vst v5;
	v4 =	vadd.f32 v4, v0  }
0xb8: {  	s31 =	sand.u32 $0x70, s0;
	s0 =	sadd.s32 $0xFFFFFFE0, s0;
	s2 =	sor.u32 s2, s10;
	v3 =	vadd.f32 v3, v0;
	[tilespmem:s26+$0x100] =	vst v7  }
0xb9: {  	s0 =	sand.u32 $0x50, s0;
	v2 =	vadd.f32 v2, v0;
	s25 =	sadd.s32 s31, s10;
	v0 =	vadd.f32 v1, v0;
	[tilespmem:s2+$0x100] =	vst v4  }
0xba: {  	s18 =	sand.u32 $0x60, s17;
	s0 =	sor.u32 s0, s10;
	[tilespmem:s25+$0x100] =	vst v3  }
0xbb: {  	s2 =	sadd.s32 s18, s10;
	[tilespmem:s0+$0x100] =	vst v0  }
0xbc: {  	[tilespmem:s2+$0x100] =	vst v2  }
0xbd: {  	s26 =	simm.s32 $0x192D0;
	v0 =	vld [tilespmem:s24+$0x1E6D0]  }
0xbe: {  	v1 =	vld [tilespmem:s26+$0xFFFFFFD0]  }
0xbf: {  	v2 =	vld [tilespmem:s26+$0x0]  }
0xc0: {  	v3 =	vld [tilespmem:s26+$0xFFFFFFF0]  }
0xc1: {  	s29 =	simm.s32 $0x19310;
	v4 =	vld [tilespmem:s26+$0xFFFFFFE0]  }
0xc2: {  	v5 =	vld [tilespmem:s29+$0xFFFFFFD0]  }
0xc3: {  	v6 =	vld [tilespmem:s29+$0x0]  }
0xc4: {  	v7 =	vld [tilespmem:s29+$0xFFFFFFF0]  }
0xc5: {  	v8 =	vld [tilespmem:s29+$0xFFFFFFE0]  }
0xc6: {  	v1 =	vld.idx.msk [tilespmem:v1+s6+$0x0], $0xffff  }
0xc7: {  	v9 =	vld.idx.msk [tilespmem:v2+s6+$0x0], $0xffff  }
0xc8: {  	v10 =	vld.idx.msk [tilespmem:v3+s6+$0x0], $0xffff  }
0xc9: {  	s30 =	simm.s32 $0x19350;
	v11 =	vld.idx.msk [tilespmem:v4+s6+$0x0], $0xffff  }
0xca: {  	v4 =	vld [tilespmem:s30+$0xFFFFFFD0]  }
0xcb: {  	v3 =	vld [tilespmem:s30+$0x0]  }
0xcc: {  	s28 =	simm.s32 $0x8;
	s25 =	simm.s32 $0x0;
	v2 =	vld [tilespmem:s30+$0xFFFFFFF0];
	v12 =	vmul.f32 $1.732050900e+01, v1  }
0xcd: {  	s17 =	simm.s32 $0x10;
	s31 =	simm.s32 $0x0;
	s10 =	sand.u32 $0x1C00, s25;
	v1 =	vld [tilespmem:s30+$0xFFFFFFE0];
	v9 =	vmul.f32 $1.732050900e+01, v9  }
0xce: {  	s2 =	sand.u32 $0x40, s31;
	s26 =	simm.s32 $0x30;
	s18 =	sadd.s32 $0x1A6A0, s10;
	v5 =	vld.idx.msk [tilespmem:v5+s6+$0x0], $0xffff;
	v10 =	vmul.f32 $1.732050900e+01, v10;
	v12 =	vadd.f32 v12, v0  }
0xcf: {  	s31 =	sand.u32 $0x70, s26;
	s2 =	sor.u32 s2, s18;
	v6 =	vld.idx.msk [tilespmem:v6+s6+$0x0], $0xffff;
	v11 =	vmul.f32 $1.732050900e+01, v11;
	s30 =	simm.s32 $0x20;
	v13 =	vadd.f32 v9, v0  }
0xd0: {  	s10 =	sand.u32 $0x50, s17;
	s31 =	sadd.s32 s31, s18;
	v7 =	vld.idx.msk [tilespmem:v7+s6+$0x0], $0xffff;
	s30 =	sand.u32 $0x60, s30;
	v10 =	vadd.f32 v10, v0;
	[tilespmem:s2+$0x180] =	vst v12  }
0xd1: {  	s0 =	simm.s32 $0x19390;
	v8 =	vld.idx.msk [tilespmem:v8+s6+$0x0], $0xffff;
	v9 =	vadd.f32 v11, v0;
	s2 =	sor.u32 s10, s18;
	s10 =	sadd.s32 s30, s18;
	[tilespmem:s31+$0x180] =	vst v13  }
.LBB2_11:
0xd2: {  	v11 =	vld [tilespmem:s0+$0xFFFFFFD0];
	s28 =	sadd.s32 $0x4, s28;
	[tilespmem:s10+$0x180] =	vst v10;
	s26 =	sadd.s32 $0x40, s26;
	s25 =	sadd.s32 $0x200, s25;
	v12 =	vmov v1  }
0xd3: {  	v13 =	vld [tilespmem:s0+$0x0];
	p1 =	slt.u32 s28, $0x3C;
	[tilespmem:s2+$0x180] =	vst v9;
	s2 =	sadd.s32 $0xFFFFFFD0, s26  }
0xd4: {  	v9 =	vmul.f32 $1.732050900e+01, v5;
	s10 =	sadd.s32 $0xFFFFFFE0, s26;
	s29 =	sand.u32 $0x1C00, s25;
	v14 =	vld [tilespmem:s0+$0xFFFFFFF0]  }
.Ltmp8:
0xd5: {  	s10 =	sand.u32 $0x50, s10;
	v10 =	vmul.f32 $1.732050900e+01, v6;
	v1 =	vld [tilespmem:s0+$0xFFFFFFE0];
	(pc) =	sbr.rel @p1 .LBB2_11-.Ltmp8, $4  }
0xd6: {  	s30 =	sand.u32 $0x70, s26;
	s2 =	sand.u32 $0x40, s2;
	s29 =	sadd.s32 $0x1A6A0, s29;
	v9 =	vadd.f32 v9, v0;
	v15 =	vmul.f32 $1.732050900e+01, v7;
	v5 =	vld.idx.msk [tilespmem:v4+s6+$0x0], $0xffff  }
0xd7: {  	s31 =	sor.u32 s2, s29;
	s2 =	sor.u32 s10, s29;
	s10 =	sadd.s32 $0xFFFFFFF0, s26;
	v16 =	vmul.f32 $1.732050900e+01, v8;
	v17 =	vadd.f32 v10, v0;
	v6 =	vld.idx.msk [tilespmem:v3+s6+$0x0], $0xffff;
	v4 =	vmov v11  }
0xd8: {  	s30 =	sadd.s32 s30, s29;
	s10 =	sand.u32 $0x60, s10;
	v10 =	vadd.f32 v15, v0;
	v7 =	vld.idx.msk [tilespmem:v2+s6+$0x0], $0xffff;
	[tilespmem:s31+$0x180] =	vst v9;
	v3 =	vmov v13  }
0xd9: {  	s0 =	sadd.s32 $0x40, s0;
	s10 =	sadd.s32 s10, s29;
	v9 =	vadd.f32 v16, v0;
	v8 =	vld.idx.msk [tilespmem:v12+s6+$0x0], $0xffff;
	[tilespmem:s30+$0x180] =	vst v17;
	v2 =	vmov v14  }
0xda: {  	_ =	sdelay $0x3  }
0xdb: {  	s0 =	sadd.s32 $0x40, s26;
	v4 =	vld.idx.msk [tilespmem:v4+s6+$0x0], $0xffff  }
0xdc: {  	s25 =	sadd.s32 $0x200, s25;
	v3 =	vld.idx.msk [tilespmem:v3+s6+$0x0], $0xffff;
	v5 =	vmul.f32 $1.732050900e+01, v5;
	s26 =	sadd.s32 $0xFFFFFFE0, s0  }
0xdd: {  	v2 =	vld.idx.msk [tilespmem:v2+s6+$0x0], $0xffff;
	s28 =	sadd.s32 $0xFFFFFFD0, s0;
	s29 =	sand.u32 $0x1C00, s25;
	s18 =	sand.u32 $0x70, s0;
	v6 =	vmul.f32 $1.732050900e+01, v6  }
0xde: {  	[tilespmem:s10+$0x180] =	vst v10;
	v1 =	vld.idx.msk [tilespmem:v1+s6+$0x0], $0xffff;
	s25 =	sadd.s32 $0x200, s25;
	s17 =	sand.u32 $0x40, s28;
	s28 =	sadd.s32 $0x1A6A0, s29;
	v5 =	vadd.f32 v5, v0;
	v7 =	vmul.f32 $1.732050900e+01, v7  }
0xdf: {  	[tilespmem:s2+$0x180] =	vst v9;
	s26 =	sand.u32 $0x50, s26;
	s29 =	sadd.s32 $0xFFFFFFF0, s0;
	s10 =	sor.u32 s17, s28;
	v8 =	vmul.f32 $1.732050900e+01, v8;
	v6 =	vadd.f32 v6, v0  }
0xe0: {  	s0 =	sadd.s32 $0x40, s0;
	s29 =	sand.u32 $0x60, s29;
	s2 =	sadd.s32 s18, s28;
	[tilespmem:s10+$0x180] =	vst v5;
	v5 =	vadd.f32 v7, v0;
	v4 =	vmul.f32 $1.732050900e+01, v4  }
0xe1: {  	s18 =	sadd.s32 $0xFFFFFFD0, s0;
	s17 =	sadd.s32 s29, s28;
	s10 =	sand.u32 $0x1C00, s25;
	v3 =	vmul.f32 $1.732050900e+01, v3;
	v7 =	vadd.f32 v8, v0;
	[tilespmem:s2+$0x180] =	vst v6  }
0xe2: {  	s26 =	sor.u32 s26, s28;
	v2 =	vmul.f32 $1.732050900e+01, v2;
	s2 =	sand.u32 $0x40, s18;
	s10 =	sadd.s32 $0x1A6A0, s10;
	[tilespmem:s17+$0x180] =	vst v5;
	v4 =	vadd.f32 v4, v0  }
0xe3: {  	v1 =	vmul.f32 $1.732050900e+01, v1;
	s18 =	sadd.s32 $0xFFFFFFF0, s0;
	s17 =	sand.u32 $0x70, s0;
	s2 =	sor.u32 s2, s10;
	v3 =	vadd.f32 v3, v0;
	[tilespmem:s26+$0x180] =	vst v7  }
0xe4: {  	s0 =	sadd.s32 $0xFFFFFFE0, s0;
	v2 =	vadd.f32 v2, v0;
	s26 =	sand.u32 $0x60, s18;
	s25 =	sadd.s32 s17, s10;
	[tilespmem:s2+$0x180] =	vst v4  }
0xe5: {  	v0 =	vadd.f32 v1, v0;
	s0 =	sand.u32 $0x50, s0;
	s2 =	sadd.s32 s26, s10;
	[tilespmem:s25+$0x180] =	vst v3  }
0xe6: {  	s0 =	sor.u32 s0, s10;
	[tilespmem:s2+$0x180] =	vst v2  }
0xe7: {  	[tilespmem:s0+$0x180] =	vst v0;
	s2 =	simm.s32 $0x196D0  }
0xe8: {  	v1 =	vld [tilespmem:s2+$0x0]  }
0xe9: {  	v0 =	vld [tilespmem:s24+$0x1E6E0]  }
0xea: {  	v2 =	vld [tilespmem:s2+$0xFFFFFFD0]  }
0xeb: {  	v3 =	vld [tilespmem:s2+$0xFFFFFFE0]  }
0xec: {  	s10 =	simm.s32 $0x19710;
	v4 =	vld [tilespmem:s2+$0xFFFFFFF0]  }
0xed: {  	v5 =	vld [tilespmem:s10+$0x0]  }
0xee: {  	v6 =	vld [tilespmem:s10+$0xFFFFFFD0]  }
0xef: {  	v7 =	vld [tilespmem:s10+$0xFFFFFFE0]  }
0xf0: {  	v8 =	vld [tilespmem:s10+$0xFFFFFFF0]  }
0xf1: {  	v1 =	vld.idx.msk [tilespmem:v1+s6+$0x0], $0xffff  }
0xf2: {  	s18 =	simm.s32 $0x19750;
	v9 =	vld.idx.msk [tilespmem:v2+s6+$0x0], $0xffff  }
0xf3: {  	p1 =	por $0x0, $0x0;
	s30 =	simm.s32 $0x8;
	s25 =	simm.s32 $0x0;
	v11 =	vld [tilespmem:s18+$0x0]  }
0xf4: {  	s29 =	simm.s32 $0x1;
	s0 =	simm.s32 $0x1;
	s17 =	sand.u32 $0x7, s25;
	v10 =	vld.idx.msk [tilespmem:v3+s6+$0x0], $0xffff  }
0xf5: {  	s0 =	simm.s32 @!p1 $0x0;
	s2 =	sshll.u32 s17, $0x4;
	p1 =	por !p1, !p1;
	v4 =	vld.idx.msk [tilespmem:v4+s6+$0x0], $0xffff  }
0xf6: {  	s17 =	sand.u32 $0x3, s25;
	s0 =	sshll.u32 s0, $0x6;
	s2 =	sadd.s32 $0x0, s2;
	v5 =	vld.idx.msk [tilespmem:v5+s6+$0x0], $0xffff;
	v1 =	vmul.f32 $1.732050900e+01, v1  }
0xf7: {  	s29 =	simm.s32 @!p1 $0x0;
	s17 =	sshll.u32 s17, $0x5;
	s0 =	sadd.s32 $0x0, s0;
	v9 =	vmul.f32 $1.732050900e+01, v9  }
0xf8: {  	s28 =	sadd.s32 $0x10, s2;
	s2 =	sadd.s32 $0x30, s2;
	s17 =	sadd.s32 $0x20, s17;
	v2 =	vld [tilespmem:s18+$0xFFFFFFD0];
	v12 =	vadd.f32 v1, v0  }
0xf9: {  	s31 =	sor.u32 $0x200, s28;
	s2 =	sor.u32 $0x200, s2;
	s28 =	simm.s32 $0x4;
	v3 =	vld [tilespmem:s18+$0xFFFFFFE0];
	v10 =	vmul.f32 $1.732050900e+01, v10;
	v9 =	vadd.f32 v9, v0  }
0xfa: {  	s0 =	sor.u32 $0x200, s0;
	v13 =	vmul.f32 $1.732050900e+01, v4;
	v1 =	vld [tilespmem:s18+$0xFFFFFFF0];
	s18 =	sshll.u32 s29, $0x6;
	s29 =	sand.u32 $0x7, s28;
	[tilespmem:s2+$0x1A6A0] =	vst v12  }
0xfb: {  	s26 =	simm.s32 $0x20;
	s10 =	sor.u32 $0x200, s17;
	v4 =	vld.idx.msk [tilespmem:v6+s6+$0x0], $0xffff;
	v6 =	vadd.f32 v10, v0;
	s2 =	sshll.u32 s29, $0x4;
	[tilespmem:s0+$0x1A6A0] =	vst v9;
	v9 =	vmul.f32 $1.732050900e+01, v5  }
0xfc: {  	v7 =	vld.idx.msk [tilespmem:v7+s6+$0x0], $0xffff;
	v10 =	vadd.f32 v13, v0;
	s18 =	sadd.s32 $0x200, s18;
	s29 =	simm.s32 $0x200;
	s2 =	sadd.s32 $0x200, s2  }
0xfd: {  	v5 =	vld.idx.msk [tilespmem:v8+s6+$0x0], $0xffff;
	[tilespmem:s31+$0x1A6A0] =	vst v6;
	s31 =	sor.u32 $0x200, s18;
	s17 =	sadd.s32 $0x10, s2;
	s18 =	sadd.s32 $0x30, s2;
	v8 =	vadd.f32 v9, v0  }
0xfe: {  	[tilespmem:s10+$0x1A6A0] =	vst v10;
	v6 =	vld.idx.msk [tilespmem:v11+s6+$0x0], $0xffff;
	s2 =	simm.s32 $0x19790;
	s0 =	sor.u32 $0x200, s17;
	s10 =	sor.u32 $0x200, s18  }
.LBB2_13:
0xff: {  	v9 =	vld [tilespmem:s2+$0x0];
	s30 =	sadd.s32 $0x4, s30;
	[tilespmem:s10+$0x1A6A0] =	vst v8  }
0x100: {  	v4 =	vmul.f32 $1.732050900e+01, v4;
	p1 =	por !p1, !p1;
	s26 =	sadd.s32 $0x200, s26;
	v8 =	vld [tilespmem:s2+$0xFFFFFFD0];
	p2 =	slt.u32 s30, $0x3C  }
0x101: {  	s25 =	sadd.s32 $0x2, s25;
	s10 =	simm.s32 $0x1;
	s28 =	sadd.s32 $0x4, s28;
	v7 =	vmul.f32 $1.732050900e+01, v7;
	v10 =	vld [tilespmem:s2+$0xFFFFFFE0]  }
0x102: {  	s10 =	simm.s32 @!p1 $0x0;
	s17 =	sand.u32 $0x3, s25;
	s18 =	sand.u32 $0x7, s28;
	v12 =	vadd.f32 v4, v0;
	v5 =	vmul.f32 $1.732050900e+01, v5;
	v11 =	vld [tilespmem:s2+$0xFFFFFFF0]  }
.Ltmp9:
0x103: {  	s10 =	sshll.u32 s10, $0x6;
	s17 =	sshll.u32 s17, $0x5;
	v13 =	vadd.f32 v7, v0;
	v4 =	vld.idx.msk [tilespmem:v2+s6+$0x0], $0xffff;
	(pc) =	sbr.rel @p2 .LBB2_13-.Ltmp9, $4  }
0x104: {  	s29 =	sadd.s32 $0x200, s29;
	s18 =	sshll.u32 s18, $0x4;
	s17 =	sadd.s32 s17, s26;
	v14 =	vmul.f32 $1.732050900e+01, v6;
	v6 =	vadd.f32 v5, v0;
	v7 =	vld.idx.msk [tilespmem:v3+s6+$0x0], $0xffff;
	[tilespmem:s31+$0x1A6A0] =	vst v12  }
0x105: {  	s10 =	sadd.s32 s10, s29;
	s18 =	sadd.s32 s18, s29;
	v5 =	vld.idx.msk [tilespmem:v1+s6+$0x0], $0xffff;
	[tilespmem:s0+$0x1A6A0] =	vst v13;
	s0 =	sor.u32 $0x200, s17;
	v2 =	vmov v8  }
0x106: {  	s31 =	sor.u32 $0x200, s10;
	s10 =	sadd.s32 $0x10, s18;
	v8 =	vadd.f32 v14, v0;
	s17 =	sadd.s32 $0x30, s18;
	[tilespmem:s0+$0x1A6A0] =	vst v6;
	v3 =	vmov v10  }
0x107: {  	s2 =	sadd.s32 $0x40, s2;
	s0 =	sor.u32 $0x200, s10;
	s10 =	sor.u32 $0x200, s17;
	v6 =	vld.idx.msk [tilespmem:v9+s6+$0x0], $0xffff;
	v1 =	vmov v11  }
0x108: {  	_ =	sdelay $0x3  }
0x109: {  	v2 =	vld.idx.msk [tilespmem:v2+s6+$0x0], $0xffff  }
0x10a: {  	v4 =	vmul.f32 $1.732050900e+01, v4;
	p1 =	por !p1, !p1;
	s2 =	sadd.s32 $0x200, s26;
	s17 =	simm.s32 $0x1;
	v3 =	vld.idx.msk [tilespmem:v3+s6+$0x0], $0xffff  }
0x10b: {  	s18 =	sadd.s32 $0x2, s25;
	s25 =	sadd.s32 $0x4, s28;
	v1 =	vld.idx.msk [tilespmem:v1+s6+$0x0], $0xffff;
	v7 =	vmul.f32 $1.732050900e+01, v7;
	s17 =	simm.s32 @!p1 $0x0  }
0x10c: {  	s26 =	sand.u32 $0x3, s18;
	s25 =	sand.u32 $0x7, s25;
	s18 =	sadd.s32 $0x2, s18;
	v4 =	vadd.f32 v4, v0;
	v5 =	vmul.f32 $1.732050900e+01, v5  }
0x10d: {  	[tilespmem:s10+$0x1A6A0] =	vst v8;
	s10 =	sshll.u32 s26, $0x5;
	s25 =	sshll.u32 s25, $0x4;
	s26 =	sadd.s32 $0x200, s29;
	v7 =	vadd.f32 v7, v0;
	v6 =	vmul.f32 $1.732050900e+01, v6  }
0x10e: {  	s17 =	sshll.u32 s17, $0x6;
	s10 =	sadd.s32 s10, s2;
	s25 =	sadd.s32 s25, s26;
	[tilespmem:s31+$0x1A6A0] =	vst v4;
	v4 =	vadd.f32 v5, v0;
	v2 =	vmul.f32 $1.732050900e+01, v2  }
0x10f: {  	s17 =	sadd.s32 s17, s26;
	s10 =	sor.u32 $0x200, s10;
	s26 =	sadd.s32 $0x30, s25;
	[tilespmem:s0+$0x1A6A0] =	vst v7;
	v3 =	vmul.f32 $1.732050900e+01, v3;
	v5 =	vadd.f32 v6, v0  }
0x110: {  	s18 =	sand.u32 $0x3, s18;
	s2 =	sadd.s32 $0x200, s2;
	v1 =	vmul.f32 $1.732050900e+01, v1;
	[tilespmem:s10+$0x1A6A0] =	vst v4;
	s10 =	sor.u32 $0x200, s26;
	v2 =	vadd.f32 v2, v0  }
0x111: {  	s17 =	sor.u32 $0x200, s17;
	s26 =	sadd.s32 $0x10, s25;
	s25 =	sshll.u32 s18, $0x5;
	v3 =	vadd.f32 v3, v0;
	[tilespmem:s10+$0x1A6A0] =	vst v5  }
0x112: {  	s26 =	sor.u32 $0x200, s26;
	s0 =	sadd.s32 s25, s2;
	v0 =	vadd.f32 v1, v0;
	[tilespmem:s17+$0x1A6A0] =	vst v2  }
0x113: {  	s0 =	sor.u32 $0x200, s0;
	[tilespmem:s26+$0x1A6A0] =	vst v3  }
0x114: {  	s2 =	simm.s32 $0x19AD0;
	[tilespmem:s0+$0x1A6A0] =	vst v0  }
0x115: {  	v1 =	vld [tilespmem:s2+$0x0]  }
0x116: {  	v0 =	vld [tilespmem:s24+$0x1E6F0]  }
0x117: {  	v2 =	vld [tilespmem:s2+$0xFFFFFFD0]  }
0x118: {  	v3 =	vld [tilespmem:s2+$0xFFFFFFE0]  }
0x119: {  	s10 =	simm.s32 $0x19B10;
	v4 =	vld [tilespmem:s2+$0xFFFFFFF0]  }
0x11a: {  	v5 =	vld [tilespmem:s10+$0x0]  }
0x11b: {  	v6 =	vld [tilespmem:s10+$0xFFFFFFD0]  }
0x11c: {  	v7 =	vld [tilespmem:s10+$0xFFFFFFE0]  }
0x11d: {  	v8 =	vld [tilespmem:s10+$0xFFFFFFF0]  }
0x11e: {  	v1 =	vld.idx.msk [tilespmem:v1+s6+$0x0], $0xffff  }
0x11f: {  	s10 =	simm.s32 $0x19B50;
	v9 =	vld.idx.msk [tilespmem:v2+s6+$0x0], $0xffff  }
0x120: {  	s30 =	simm.s32 $0x8;
	s28 =	simm.s32 $0x4;
	s25 =	simm.s32 $0x0;
	v11 =	vld [tilespmem:s10+$0x0]  }
0x121: {  	p1 =	por $0x0, $0x0;
	s29 =	sand.u32 $0x3, s25;
	s17 =	sand.u32 $0x7, s25;
	v10 =	vld.idx.msk [tilespmem:v3+s6+$0x0], $0xffff  }
0x122: {  	s0 =	simm.s32 $0x1;
	s26 =	simm.s32 $0x20;
	s2 =	sshll.u32 s17, $0x4;
	v4 =	vld.idx.msk [tilespmem:v4+s6+$0x0], $0xffff  }
0x123: {  	s29 =	sshll.u32 s29, $0x5;
	s0 =	simm.s32 @!p1 $0x0;
	s2 =	sadd.s32 $0x0, s2;
	v5 =	vld.idx.msk [tilespmem:v5+s6+$0x0], $0xffff;
	v1 =	vmul.f32 $1.732050900e+01, v1  }
0x124: {  	p1 =	por !p1, !p1;
	s0 =	sshll.u32 s0, $0x6;
	s18 =	sadd.s32 $0x10, s2;
	v9 =	vmul.f32 $1.732050900e+01, v9  }
0x125: {  	s2 =	sadd.s32 $0x30, s2;
	s17 =	sor.u32 $0x280, s18;
	s18 =	simm.s32 $0x1;
	v2 =	vld [tilespmem:s10+$0xFFFFFFD0];
	v12 =	vadd.f32 v1, v0  }
0x126: {  	s0 =	sadd.s32 $0x0, s0;
	s2 =	sor.u32 $0x280, s2;
	s18 =	simm.s32 @!p1 $0x0;
	v3 =	vld [tilespmem:s10+$0xFFFFFFE0];
	v10 =	vmul.f32 $1.732050900e+01, v10;
	v9 =	vadd.f32 v9, v0  }
0x127: {  	s0 =	sor.u32 $0x280, s0;
	v13 =	vmul.f32 $1.732050900e+01, v4;
	v1 =	vld [tilespmem:s10+$0xFFFFFFF0];
	s10 =	sshll.u32 s18, $0x6;
	s18 =	sand.u32 $0x7, s28;
	[tilespmem:s2+$0x1A6A0] =	vst v12  }
0x128: {  	v4 =	vld.idx.msk [tilespmem:v6+s6+$0x0], $0xffff;
	v6 =	vadd.f32 v10, v0;
	s2 =	sshll.u32 s18, $0x4;
	s18 =	sadd.s32 $0x20, s29;
	s29 =	simm.s32 $0x200;
	[tilespmem:s0+$0x1A6A0] =	vst v9;
	v9 =	vmul.f32 $1.732050900e+01, v5  }
0x129: {  	v7 =	vld.idx.msk [tilespmem:v7+s6+$0x0], $0xffff;
	v10 =	vadd.f32 v13, v0;
	s0 =	sadd.s32 $0x200, s10;
	s2 =	sadd.s32 $0x200, s2;
	s10 =	sor.u32 $0x280, s18  }
0x12a: {  	v5 =	vld.idx.msk [tilespmem:v8+s6+$0x0], $0xffff;
	[tilespmem:s17+$0x1A6A0] =	vst v6;
	s31 =	sor.u32 $0x280, s0;
	s17 =	sadd.s32 $0x10, s2;
	s18 =	sadd.s32 $0x30, s2;
	v8 =	vadd.f32 v9, v0  }
0x12b: {  	v6 =	vld.idx.msk [tilespmem:v11+s6+$0x0], $0xffff;
	[tilespmem:s10+$0x1A6A0] =	vst v10;
	s2 =	simm.s32 $0x19B90;
	s0 =	sor.u32 $0x280, s17;
	s10 =	sor.u32 $0x280, s18  }
.LBB2_15:
0x12c: {  	v9 =	vld [tilespmem:s2+$0x0];
	s30 =	sadd.s32 $0x4, s30;
	[tilespmem:s10+$0x1A6A0] =	vst v8  }
0x12d: {  	v4 =	vmul.f32 $1.732050900e+01, v4;
	p1 =	por !p1, !p1;
	s26 =	sadd.s32 $0x200, s26;
	v8 =	vld [tilespmem:s2+$0xFFFFFFD0];
	p2 =	slt.u32 s30, $0x3C  }
0x12e: {  	s25 =	sadd.s32 $0x2, s25;
	s10 =	simm.s32 $0x1;
	s28 =	sadd.s32 $0x4, s28;
	v7 =	vmul.f32 $1.732050900e+01, v7;
	v10 =	vld [tilespmem:s2+$0xFFFFFFE0]  }
0x12f: {  	s10 =	simm.s32 @!p1 $0x0;
	s17 =	sand.u32 $0x3, s25;
	s18 =	sand.u32 $0x7, s28;
	v12 =	vadd.f32 v4, v0;
	v5 =	vmul.f32 $1.732050900e+01, v5;
	v11 =	vld [tilespmem:s2+$0xFFFFFFF0]  }
.Ltmp10:
0x130: {  	s10 =	sshll.u32 s10, $0x6;
	s17 =	sshll.u32 s17, $0x5;
	v13 =	vadd.f32 v7, v0;
	v4 =	vld.idx.msk [tilespmem:v2+s6+$0x0], $0xffff;
	(pc) =	sbr.rel @p2 .LBB2_15-.Ltmp10, $4  }
0x131: {  	s29 =	sadd.s32 $0x200, s29;
	s18 =	sshll.u32 s18, $0x4;
	s17 =	sadd.s32 s17, s26;
	v14 =	vmul.f32 $1.732050900e+01, v6;
	v6 =	vadd.f32 v5, v0;
	v7 =	vld.idx.msk [tilespmem:v3+s6+$0x0], $0xffff;
	[tilespmem:s31+$0x1A6A0] =	vst v12  }
0x132: {  	s10 =	sadd.s32 s10, s29;
	s18 =	sadd.s32 s18, s29;
	v5 =	vld.idx.msk [tilespmem:v1+s6+$0x0], $0xffff;
	[tilespmem:s0+$0x1A6A0] =	vst v13;
	s0 =	sor.u32 $0x280, s17;
	v2 =	vmov v8  }
0x133: {  	s31 =	sor.u32 $0x280, s10;
	s10 =	sadd.s32 $0x10, s18;
	v8 =	vadd.f32 v14, v0;
	s17 =	sadd.s32 $0x30, s18;
	[tilespmem:s0+$0x1A6A0] =	vst v6;
	v3 =	vmov v10  }
0x134: {  	s2 =	sadd.s32 $0x40, s2;
	s0 =	sor.u32 $0x280, s10;
	s10 =	sor.u32 $0x280, s17;
	v6 =	vld.idx.msk [tilespmem:v9+s6+$0x0], $0xffff;
	v1 =	vmov v11  }
0x135: {  	_ =	sdelay $0x3  }
0x136: {  	v2 =	vld.idx.msk [tilespmem:v2+s6+$0x0], $0xffff  }
0x137: {  	v4 =	vmul.f32 $1.732050900e+01, v4;
	p1 =	por !p1, !p1;
	s2 =	sadd.s32 $0x200, s26;
	s17 =	simm.s32 $0x1;
	v3 =	vld.idx.msk [tilespmem:v3+s6+$0x0], $0xffff  }
0x138: {  	s18 =	sadd.s32 $0x2, s25;
	s25 =	sadd.s32 $0x4, s28;
	v1 =	vld.idx.msk [tilespmem:v1+s6+$0x0], $0xffff;
	v7 =	vmul.f32 $1.732050900e+01, v7;
	s17 =	simm.s32 @!p1 $0x0  }
0x139: {  	s26 =	sand.u32 $0x3, s18;
	s25 =	sand.u32 $0x7, s25;
	s18 =	sadd.s32 $0x2, s18;
	v4 =	vadd.f32 v4, v0;
	v5 =	vmul.f32 $1.732050900e+01, v5  }
0x13a: {  	[tilespmem:s10+$0x1A6A0] =	vst v8;
	s10 =	sshll.u32 s26, $0x5;
	s25 =	sshll.u32 s25, $0x4;
	s26 =	sadd.s32 $0x200, s29;
	v7 =	vadd.f32 v7, v0;
	v6 =	vmul.f32 $1.732050900e+01, v6  }
0x13b: {  	s17 =	sshll.u32 s17, $0x6;
	s10 =	sadd.s32 s10, s2;
	s25 =	sadd.s32 s25, s26;
	[tilespmem:s31+$0x1A6A0] =	vst v4;
	v4 =	vadd.f32 v5, v0;
	v2 =	vmul.f32 $1.732050900e+01, v2  }
0x13c: {  	s17 =	sadd.s32 s17, s26;
	s10 =	sor.u32 $0x280, s10;
	s26 =	sadd.s32 $0x30, s25;
	[tilespmem:s0+$0x1A6A0] =	vst v7;
	v3 =	vmul.f32 $1.732050900e+01, v3;
	v5 =	vadd.f32 v6, v0  }
0x13d: {  	s18 =	sand.u32 $0x3, s18;
	s2 =	sadd.s32 $0x200, s2;
	v1 =	vmul.f32 $1.732050900e+01, v1;
	[tilespmem:s10+$0x1A6A0] =	vst v4;
	s10 =	sor.u32 $0x280, s26;
	v2 =	vadd.f32 v2, v0  }
0x13e: {  	s17 =	sor.u32 $0x280, s17;
	s26 =	sadd.s32 $0x10, s25;
	s25 =	sshll.u32 s18, $0x5;
	v3 =	vadd.f32 v3, v0;
	[tilespmem:s10+$0x1A6A0] =	vst v5  }
0x13f: {  	s26 =	sor.u32 $0x280, s26;
	s0 =	sadd.s32 s25, s2;
	v0 =	vadd.f32 v1, v0;
	[tilespmem:s17+$0x1A6A0] =	vst v2  }
0x140: {  	s0 =	sor.u32 $0x280, s0;
	[tilespmem:s26+$0x1A6A0] =	vst v3  }
0x141: {  	s2 =	simm.s32 $0x19ED0;
	[tilespmem:s0+$0x1A6A0] =	vst v0  }
0x142: {  	v1 =	vld [tilespmem:s2+$0x0]  }
0x143: {  	v0 =	vld [tilespmem:s24+$0x1E700]  }
0x144: {  	v2 =	vld [tilespmem:s2+$0xFFFFFFD0]  }
0x145: {  	v3 =	vld [tilespmem:s2+$0xFFFFFFE0]  }
0x146: {  	s10 =	simm.s32 $0x19F10;
	v4 =	vld [tilespmem:s2+$0xFFFFFFF0]  }
0x147: {  	v5 =	vld [tilespmem:s10+$0x0]  }
0x148: {  	v6 =	vld [tilespmem:s10+$0xFFFFFFD0]  }
0x149: {  	v7 =	vld [tilespmem:s10+$0xFFFFFFE0]  }
0x14a: {  	v8 =	vld [tilespmem:s10+$0xFFFFFFF0]  }
0x14b: {  	v1 =	vld.idx.msk [tilespmem:v1+s6+$0x0], $0xffff  }
0x14c: {  	s10 =	simm.s32 $0x19F50;
	v9 =	vld.idx.msk [tilespmem:v2+s6+$0x0], $0xffff  }
0x14d: {  	s30 =	simm.s32 $0x8;
	s28 =	simm.s32 $0x4;
	s25 =	simm.s32 $0x0;
	v11 =	vld [tilespmem:s10+$0x0]  }
0x14e: {  	p1 =	por $0x0, $0x0;
	s29 =	sand.u32 $0x3, s25;
	s17 =	sand.u32 $0x7, s25;
	v10 =	vld.idx.msk [tilespmem:v3+s6+$0x0], $0xffff  }
0x14f: {  	s0 =	simm.s32 $0x1;
	s26 =	simm.s32 $0x20;
	s2 =	sshll.u32 s17, $0x4;
	v4 =	vld.idx.msk [tilespmem:v4+s6+$0x0], $0xffff  }
0x150: {  	s29 =	sshll.u32 s29, $0x5;
	s0 =	simm.s32 @!p1 $0x0;
	s2 =	sadd.s32 $0x0, s2;
	v5 =	vld.idx.msk [tilespmem:v5+s6+$0x0], $0xffff;
	v1 =	vmul.f32 $1.732050900e+01, v1  }
0x151: {  	p1 =	por !p1, !p1;
	s0 =	sshll.u32 s0, $0x6;
	s18 =	sadd.s32 $0x10, s2;
	v9 =	vmul.f32 $1.732050900e+01, v9  }
0x152: {  	s2 =	sadd.s32 $0x30, s2;
	s17 =	sor.u32 $0x300, s18;
	s18 =	simm.s32 $0x1;
	v2 =	vld [tilespmem:s10+$0xFFFFFFD0];
	v12 =	vadd.f32 v1, v0  }
0x153: {  	s0 =	sadd.s32 $0x0, s0;
	s2 =	sor.u32 $0x300, s2;
	s18 =	simm.s32 @!p1 $0x0;
	v3 =	vld [tilespmem:s10+$0xFFFFFFE0];
	v10 =	vmul.f32 $1.732050900e+01, v10;
	v9 =	vadd.f32 v9, v0  }
0x154: {  	s0 =	sor.u32 $0x300, s0;
	v13 =	vmul.f32 $1.732050900e+01, v4;
	v1 =	vld [tilespmem:s10+$0xFFFFFFF0];
	s10 =	sshll.u32 s18, $0x6;
	s18 =	sand.u32 $0x7, s28;
	[tilespmem:s2+$0x1A6A0] =	vst v12  }
0x155: {  	v4 =	vld.idx.msk [tilespmem:v6+s6+$0x0], $0xffff;
	v6 =	vadd.f32 v10, v0;
	s2 =	sshll.u32 s18, $0x4;
	s18 =	sadd.s32 $0x20, s29;
	s29 =	simm.s32 $0x200;
	[tilespmem:s0+$0x1A6A0] =	vst v9;
	v9 =	vmul.f32 $1.732050900e+01, v5  }
0x156: {  	v7 =	vld.idx.msk [tilespmem:v7+s6+$0x0], $0xffff;
	v10 =	vadd.f32 v13, v0;
	s0 =	sadd.s32 $0x200, s10;
	s2 =	sadd.s32 $0x200, s2;
	s10 =	sor.u32 $0x300, s18  }
0x157: {  	v5 =	vld.idx.msk [tilespmem:v8+s6+$0x0], $0xffff;
	[tilespmem:s17+$0x1A6A0] =	vst v6;
	s31 =	sor.u32 $0x300, s0;
	s17 =	sadd.s32 $0x10, s2;
	s18 =	sadd.s32 $0x30, s2;
	v8 =	vadd.f32 v9, v0  }
0x158: {  	v6 =	vld.idx.msk [tilespmem:v11+s6+$0x0], $0xffff;
	[tilespmem:s10+$0x1A6A0] =	vst v10;
	s2 =	simm.s32 $0x19F90;
	s0 =	sor.u32 $0x300, s17;
	s10 =	sor.u32 $0x300, s18  }
.LBB2_17:
0x159: {  	v9 =	vld [tilespmem:s2+$0x0];
	s30 =	sadd.s32 $0x4, s30;
	[tilespmem:s10+$0x1A6A0] =	vst v8  }
0x15a: {  	v4 =	vmul.f32 $1.732050900e+01, v4;
	p1 =	por !p1, !p1;
	s26 =	sadd.s32 $0x200, s26;
	v8 =	vld [tilespmem:s2+$0xFFFFFFD0];
	p2 =	slt.u32 s30, $0x3C  }
0x15b: {  	s25 =	sadd.s32 $0x2, s25;
	s10 =	simm.s32 $0x1;
	s28 =	sadd.s32 $0x4, s28;
	v7 =	vmul.f32 $1.732050900e+01, v7;
	v10 =	vld [tilespmem:s2+$0xFFFFFFE0]  }
0x15c: {  	s10 =	simm.s32 @!p1 $0x0;
	s17 =	sand.u32 $0x3, s25;
	s18 =	sand.u32 $0x7, s28;
	v12 =	vadd.f32 v4, v0;
	v5 =	vmul.f32 $1.732050900e+01, v5;
	v11 =	vld [tilespmem:s2+$0xFFFFFFF0]  }
.Ltmp11:
0x15d: {  	s10 =	sshll.u32 s10, $0x6;
	s17 =	sshll.u32 s17, $0x5;
	v13 =	vadd.f32 v7, v0;
	v4 =	vld.idx.msk [tilespmem:v2+s6+$0x0], $0xffff;
	(pc) =	sbr.rel @p2 .LBB2_17-.Ltmp11, $4  }
0x15e: {  	s29 =	sadd.s32 $0x200, s29;
	s18 =	sshll.u32 s18, $0x4;
	s17 =	sadd.s32 s17, s26;
	v14 =	vmul.f32 $1.732050900e+01, v6;
	v6 =	vadd.f32 v5, v0;
	v7 =	vld.idx.msk [tilespmem:v3+s6+$0x0], $0xffff;
	[tilespmem:s31+$0x1A6A0] =	vst v12  }
0x15f: {  	s10 =	sadd.s32 s10, s29;
	s18 =	sadd.s32 s18, s29;
	v5 =	vld.idx.msk [tilespmem:v1+s6+$0x0], $0xffff;
	[tilespmem:s0+$0x1A6A0] =	vst v13;
	s0 =	sor.u32 $0x300, s17;
	v2 =	vmov v8  }
0x160: {  	s31 =	sor.u32 $0x300, s10;
	s10 =	sadd.s32 $0x10, s18;
	v8 =	vadd.f32 v14, v0;
	s17 =	sadd.s32 $0x30, s18;
	[tilespmem:s0+$0x1A6A0] =	vst v6;
	v3 =	vmov v10  }
0x161: {  	s2 =	sadd.s32 $0x40, s2;
	s0 =	sor.u32 $0x300, s10;
	s10 =	sor.u32 $0x300, s17;
	v6 =	vld.idx.msk [tilespmem:v9+s6+$0x0], $0xffff;
	v1 =	vmov v11  }
0x162: {  	_ =	sdelay $0x3  }
0x163: {  	v2 =	vld.idx.msk [tilespmem:v2+s6+$0x0], $0xffff  }
0x164: {  	v4 =	vmul.f32 $1.732050900e+01, v4;
	p1 =	por !p1, !p1;
	s2 =	sadd.s32 $0x200, s26;
	s17 =	simm.s32 $0x1;
	v3 =	vld.idx.msk [tilespmem:v3+s6+$0x0], $0xffff  }
0x165: {  	s18 =	sadd.s32 $0x2, s25;
	s26 =	sadd.s32 $0x4, s28;
	v1 =	vld.idx.msk [tilespmem:v1+s6+$0x0], $0xffff;
	v7 =	vmul.f32 $1.732050900e+01, v7;
	s17 =	simm.s32 @!p1 $0x0  }
0x166: {  	s30 =	sand.u32 $0x3, s18;
	s25 =	sand.u32 $0x7, s26;
	s18 =	sadd.s32 $0x2, s18;
	v4 =	vadd.f32 v4, v0;
	v5 =	vmul.f32 $1.732050900e+01, v5  }
0x167: {  	[tilespmem:s10+$0x1A6A0] =	vst v8;
	s26 =	sshll.u32 s30, $0x5;
	s25 =	sshll.u32 s25, $0x4;
	s30 =	sadd.s32 $0x200, s29;
	v7 =	vadd.f32 v7, v0;
	v6 =	vmul.f32 $1.732050900e+01, v6  }
0x168: {  	s17 =	sshll.u32 s17, $0x6;
	s10 =	sadd.s32 s26, s2;
	s25 =	sadd.s32 s25, s30;
	[tilespmem:s31+$0x1A6A0] =	vst v4;
	v4 =	vadd.f32 v5, v0;
	v2 =	vmul.f32 $1.732050900e+01, v2  }
0x169: {  	s17 =	sadd.s32 s17, s30;
	s30 =	sor.u32 $0x300, s10;
	s31 =	sadd.s32 $0x30, s25;
	[tilespmem:s0+$0x1A6A0] =	vst v7;
	v3 =	vmul.f32 $1.732050900e+01, v3;
	v5 =	vadd.f32 v6, v0  }
0x16a: {  	s2 =	sadd.s32 $0x200, s2;
	s26 =	sor.u32 $0x300, s31;
	v1 =	vmul.f32 $1.732050900e+01, v1;
	[tilespmem:s30+$0x1A6A0] =	vst v4;
	s30 =	sand.u32 $0x3, s18;
	v2 =	vadd.f32 v2, v0  }
0x16b: {  	s17 =	sor.u32 $0x300, s17;
	s31 =	sadd.s32 $0x10, s25;
	s10 =	sshll.u32 s30, $0x5;
	v3 =	vadd.f32 v3, v0;
	[tilespmem:s26+$0x1A6A0] =	vst v5  }
0x16c: {  	s25 =	sor.u32 $0x300, s31;
	v0 =	vadd.f32 v1, v0;
	s0 =	sadd.s32 s10, s2;
	[tilespmem:s17+$0x1A6A0] =	vst v2  }
0x16d: {  	[tilespmem:s25+$0x1A6A0] =	vst v3;
	s0 =	sor.u32 $0x300, s0  }
0x16e: {  	s26 =	simm.s32 $0x1A2D0;
	[tilespmem:s0+$0x1A6A0] =	vst v0  }
0x16f: {  	v1 =	vld [tilespmem:s26+$0x0];
	_ =	sdelay $0x3  }
0x170: {  	v3 =	vld [tilespmem:s26+$0xFFFFFFD0]  }
0x171: {  	v5 =	vld [tilespmem:s26+$0xFFFFFFE0]  }
0x172: {  	s30 =	simm.s32 $0x1A310;
	v6 =	vld [tilespmem:s26+$0xFFFFFFF0]  }
0x173: {  	v9 =	vld [tilespmem:s30+$0x0]  }
0x174: {  	v8 =	vld.idx.msk [tilespmem:v1+s6+$0x0], $0xffff  }
0x175: {  	v0 =	vld [tilespmem:s24+$0x1E710]  }
0x176: {  	v2 =	vld [tilespmem:s30+$0xFFFFFFF0]  }
0x177: {  	v7 =	vld [tilespmem:s30+$0xFFFFFFD0]  }
0x178: {  	v1 =	vld [tilespmem:s30+$0xFFFFFFE0]  }
0x179: {  	v4 =	vld.idx.msk [tilespmem:v3+s6+$0x0], $0xffff;
	v8 =	vmul.f32 $1.732050900e+01, v8  }
0x17a: {  	s28 =	simm.s32 $0x0;
	s25 =	simm.s32 $0x30;
	s24 =	simm.s32 $0x0;
	v5 =	vld.idx.msk [tilespmem:v5+s6+$0x0], $0xffff  }
0x17b: {  	s29 =	simm.s32 $0x20;
	s2 =	simm.s32 $0x1A350;
	s31 =	sor.u32 s25, s24;
	v3 =	vld.idx.msk [tilespmem:v6+s6+$0x0], $0xffff;
	v8 =	vadd.f32 v8, v0  }
0x17c: {  	s0 =	simm.s32 $0x4;
	s26 =	simm.s32 $0x10;
	s10 =	sor.u32 $0x380, s31;
	v6 =	vld.idx.msk [tilespmem:v9+s6+$0x0], $0xffff  }
.LBB2_19:
0x17d: {  	v9 =	vld [tilespmem:s2+$0x0];
	s0 =	sadd.s32 $0x4, s0;
	s17 =	sor.u32 s28, s24;
	s18 =	sor.u32 s26, s24;
	[tilespmem:s10+$0x1A6A0] =	vst v8  }
0x17e: {  	v4 =	vmul.f32 $1.732050900e+01, v4;
	v8 =	vld [tilespmem:s2+$0xFFFFFFE0];
	p1 =	slt.u32 s0, $0x3C;
	s10 =	sor.u32 $0x380, s17;
	s17 =	sor.u32 s29, s24  }
0x17f: {  	v5 =	vmul.f32 $1.732050900e+01, v5;
	s18 =	sor.u32 $0x380, s18;
	v10 =	vld [tilespmem:s2+$0xFFFFFFF0];
	s17 =	sor.u32 $0x380, s17  }
0x180: {  	v12 =	vadd.f32 v4, v0;
	v3 =	vmul.f32 $1.732050900e+01, v3;
	v11 =	vld [tilespmem:s2+$0xFFFFFFD0]  }
.Ltmp12:
0x181: {  	v4 =	vld.idx.msk [tilespmem:v7+s6+$0x0], $0xffff;
	v7 =	vadd.f32 v5, v0;
	(pc) =	sbr.rel @p1 .LBB2_19-.Ltmp12, $4  }
0x182: {  	v6 =	vmul.f32 $1.732050900e+01, v6;
	v5 =	vld.idx.msk [tilespmem:v1+s6+$0x0], $0xffff;
	[tilespmem:s10+$0x1A6A0] =	vst v12;
	v12 =	vadd.f32 v3, v0  }
0x183: {  	s25 =	sadd.s32 $0x40, s25;
	s24 =	sadd.s32 $0x200, s24;
	v3 =	vld.idx.msk [tilespmem:v2+s6+$0x0], $0xffff;
	[tilespmem:s18+$0x1A6A0] =	vst v7;
	v1 =	vmov v8  }
0x184: {  	s28 =	sadd.s32 $0xFFFFFFD0, s25;
	s26 =	sadd.s32 $0xFFFFFFE0, s25;
	s10 =	sor.u32 s25, s24;
	v8 =	vadd.f32 v6, v0;
	[tilespmem:s17+$0x1A6A0] =	vst v12;
	v2 =	vmov v10  }
0x185: {  	s29 =	sadd.s32 $0xFFFFFFF0, s25;
	s2 =	sadd.s32 $0x40, s2;
	s10 =	sor.u32 $0x380, s10;
	v6 =	vld.idx.msk [tilespmem:v9+s6+$0x0], $0xffff;
	v7 =	vmov v11  }
0x186: {  	_ =	sdelay $0x3  }
0x187: {  	v7 =	vld.idx.msk [tilespmem:v7+s6+$0x0], $0xffff  }
0x188: {  	v4 =	vmul.f32 $1.732050900e+01, v4;
	v1 =	vld.idx.msk [tilespmem:v1+s6+$0x0], $0xffff  }
0x189: {  	v2 =	vld.idx.msk [tilespmem:v2+s6+$0x0], $0xffff;
	v5 =	vmul.f32 $1.732050900e+01, v5  }
0x18a: {  	s0 =	sor.u32 s28, s24;
	v4 =	vadd.f32 v4, v0;
	v3 =	vmul.f32 $1.732050900e+01, v3  }
0x18b: {  	s2 =	sor.u32 s26, s24;
	[tilespmem:s10+$0x1A6A0] =	vst v8;
	s30 =	sor.u32 s29, s24;
	s0 =	sor.u32 $0x380, s0;
	v5 =	vadd.f32 v5, v0;
	v6 =	vmul.f32 $1.732050900e+01, v6  }
0x18c: {  	s31 =	sadd.s32 $0x40, s25;
	s17 =	sadd.s32 $0x200, s24;
	s2 =	sor.u32 $0x380, s2;
	[tilespmem:s0+$0x1A6A0] =	vst v4;
	v3 =	vadd.f32 v3, v0;
	v4 =	vmul.f32 $1.732050900e+01, v7  }
0x18d: {  	s10 =	sor.u32 $0x380, s30;
	s25 =	sadd.s32 $0xFFFFFFD0, s31;
	s18 =	sor.u32 s31, s17;
	[tilespmem:s2+$0x1A6A0] =	vst v5;
	v1 =	vmul.f32 $1.732050900e+01, v1;
	v5 =	vadd.f32 v6, v0  }
0x18e: {  	s26 =	sadd.s32 $0xFFFFFFE0, s31;
	s29 =	sor.u32 $0x380, s18;
	s2 =	sor.u32 s25, s17;
	v2 =	vmul.f32 $1.732050900e+01, v2;
	[tilespmem:s10+$0x1A6A0] =	vst v3;
	v3 =	vadd.f32 v4, v0  }
0x18f: {  	s30 =	sor.u32 s26, s17;
	s0 =	sadd.s32 $0xFFFFFFF0, s31;
	s2 =	sor.u32 $0x380, s2;
	v1 =	vadd.f32 v1, v0;
	[tilespmem:s29+$0x1A6A0] =	vst v5  }
0x190: {  	s31 =	sor.u32 $0x380, s30;
	s0 =	sor.u32 s0, s17;
	v0 =	vadd.f32 v2, v0;
	[tilespmem:s2+$0x1A6A0] =	vst v3  }
0x191: {  	s0 =	sor.u32 $0x380, s0;
	s10 =	sshrl.u32 s23, $0x3;
	[tilespmem:s31+$0x1A6A0] =	vst v1  }
0x192: {  	s17 =	sadd.s32 s5, s10;
	[tilespmem:s0+$0x1A6A0] =	vst v0;
	s0 =	simm.s32 @!p0 $0x2  }
0x193: {  	[hbm4b:s17+s6] =	stream.linear.scatter [tilespmem:s15], [sflag:$0x1], $0x2000, $0x38;
	[tilespmem:$0x1F320] =	vst v63  }
0x194: {  	s18 =	sshllo.u32 s22, $0x1;
	_ =	swait.ge @!p0 [sflag:s0], $0x2000  }
0x195: {  	s23 =	sshll.u32 s18, $0xA;
	[sflag:s0] =	ssyncset.done @!p0 $0x0  }
0x196: {  	s25 =	simm.s32 $0x0;
	s24 =	sadd.s32 s1, s23;
	[sflag:s0] =	ssyncadd.s32 @!p0 $0xFFFFE000  }
0x197: {  	[tilespmem:s13], [sflag:$0x3] =	stream.linear.gather [hbm4b:s24+s25], $0x2000, $0x38;
	[tilespmem:$0x1F320] =	vst v63  }
0x198: {  	_ =	swait.ge [sflag:s11], $0x2000  }
0x199: {  	s26 =	sshll.u32 s18, $0x7;
	[sflag:s11] =	ssyncset.done $0x0  }
0x19a: {  	s24 =	sand.u32 $0x3FFFFF80, s26;
	[sflag:s11] =	ssyncadd.s32 $0xFFFFE000  }
0x19b: {  	s29 =	simm.s32 $0x186C0;
	v0 =	vld [tilespmem:s24+$0x1E6A0]  }
0x19c: {  	v1 =	vld [tilespmem:s29+$0xFFFFFFE0]  }
0x19d: {  	v2 =	vld [tilespmem:s29+$0x10]  }
0x19e: {  	v3 =	vld [tilespmem:s29+$0x0]  }
0x19f: {  	s30 =	simm.s32 $0x18700;
	v4 =	vld [tilespmem:s29+$0xFFFFFFF0]  }
0x1a0: {  	v5 =	vld [tilespmem:s30+$0xFFFFFFE0]  }
0x1a1: {  	v6 =	vld [tilespmem:s30+$0x10]  }
0x1a2: {  	v7 =	vld [tilespmem:s30+$0x0]  }
0x1a3: {  	v8 =	vld [tilespmem:s30+$0xFFFFFFF0]  }
0x1a4: {  	v1 =	vld.idx.msk [tilespmem:v1+s6+$0x0], $0xffff  }
0x1a5: {  	v9 =	vld.idx.msk [tilespmem:v2+s6+$0x0], $0xffff  }
0x1a6: {  	v10 =	vld.idx.msk [tilespmem:v3+s6+$0x0], $0xffff  }
0x1a7: {  	s31 =	simm.s32 $0x18740;
	v11 =	vld.idx.msk [tilespmem:v4+s6+$0x0], $0xffff  }
0x1a8: {  	v4 =	vld [tilespmem:s31+$0xFFFFFFE0]  }
0x1a9: {  	v3 =	vld [tilespmem:s31+$0x10]  }
0x1aa: {  	s28 =	simm.s32 $0x8;
	s10 =	sand.u32 $0x1C00, s25;
	s2 =	sshll.u32 s18, $0xD;
	v2 =	vld [tilespmem:s31+$0x0];
	v12 =	vmul.f32 $1.732050900e+01, v1  }
0x1ab: {  	s18 =	simm.s32 $0x10;
	s23 =	sadd.s32 s20, s2;
	s17 =	simm.s32 $0x0;
	v1 =	vld [tilespmem:s31+$0xFFFFFFF0];
	v9 =	vmul.f32 $1.732050900e+01, v9  }
0x1ac: {  	s2 =	sand.u32 $0x40, s17;
	s17 =	sadd.s32 $0x1C6A0, s10;
	s26 =	simm.s32 $0x30;
	v5 =	vld.idx.msk [tilespmem:v5+s6+$0x0], $0xffff;
	v10 =	vmul.f32 $1.732050900e+01, v10;
	v12 =	vadd.f32 v12, v0  }
0x1ad: {  	s2 =	sor.u32 s2, s17;
	s29 =	sand.u32 $0x70, s26;
	s30 =	simm.s32 $0x20;
	v6 =	vld.idx.msk [tilespmem:v6+s6+$0x0], $0xffff;
	v11 =	vmul.f32 $1.732050900e+01, v11;
	v13 =	vadd.f32 v9, v0  }
0x1ae: {  	s10 =	sand.u32 $0x50, s18;
	s18 =	sand.u32 $0x60, s30;
	v7 =	vld.idx.msk [tilespmem:v7+s6+$0x0], $0xffff;
	s31 =	sadd.s32 s29, s17;
	v10 =	vadd.f32 v10, v0;
	[tilespmem:s2+$0x0] =	vst v12  }
0x1af: {  	s0 =	simm.s32 $0x18780;
	v8 =	vld.idx.msk [tilespmem:v8+s6+$0x0], $0xffff;
	v9 =	vadd.f32 v11, v0;
	s2 =	sor.u32 s10, s17;
	s10 =	sadd.s32 s18, s17;
	[tilespmem:s31+$0x0] =	vst v13  }
.LBB2_21:
0x1b0: {  	v11 =	vld [tilespmem:s0+$0xFFFFFFE0];
	s28 =	sadd.s32 $0x4, s28;
	[tilespmem:s10+$0x0] =	vst v10;
	s26 =	sadd.s32 $0x40, s26;
	s25 =	sadd.s32 $0x200, s25;
	v12 =	vmov v1  }
0x1b1: {  	v13 =	vld [tilespmem:s0+$0x10];
	p0 =	slt.u32 s28, $0x3C;
	[tilespmem:s2+$0x0] =	vst v9  }
0x1b2: {  	v9 =	vmul.f32 $1.732050900e+01, v5;
	s2 =	sadd.s32 $0xFFFFFFE0, s26;
	s10 =	sand.u32 $0x70, s26;
	s17 =	sand.u32 $0x1C00, s25;
	v14 =	vld [tilespmem:s0+$0x0]  }
.Ltmp13:
0x1b3: {  	s18 =	sadd.s32 $0xFFFFFFD0, s26;
	v10 =	vmul.f32 $1.732050900e+01, v6;
	v1 =	vld [tilespmem:s0+$0xFFFFFFF0];
	(pc) =	sbr.rel @p0 .LBB2_21-.Ltmp13, $4  }
0x1b4: {  	s18 =	sand.u32 $0x40, s18;
	s17 =	sadd.s32 $0x1C6A0, s17;
	s2 =	sand.u32 $0x50, s2;
	v9 =	vadd.f32 v9, v0;
	v15 =	vmul.f32 $1.732050900e+01, v7;
	v5 =	vld.idx.msk [tilespmem:v4+s6+$0x0], $0xffff  }
0x1b5: {  	s29 =	sadd.s32 $0xFFFFFFF0, s26;
	s18 =	sor.u32 s18, s17;
	s2 =	sor.u32 s2, s17;
	v16 =	vmul.f32 $1.732050900e+01, v8;
	v17 =	vadd.f32 v10, v0;
	v6 =	vld.idx.msk [tilespmem:v3+s6+$0x0], $0xffff;
	v4 =	vmov v11  }
0x1b6: {  	v10 =	vadd.f32 v15, v0;
	v7 =	vld.idx.msk [tilespmem:v2+s6+$0x0], $0xffff;
	[tilespmem:s18+$0x0] =	vst v9;
	s18 =	sand.u32 $0x60, s29;
	s29 =	sadd.s32 s10, s17;
	v3 =	vmov v13  }
0x1b7: {  	s0 =	sadd.s32 $0x40, s0;
	v9 =	vadd.f32 v16, v0;
	v8 =	vld.idx.msk [tilespmem:v12+s6+$0x0], $0xffff;
	s10 =	sadd.s32 s18, s17;
	[tilespmem:s29+$0x0] =	vst v17;
	v2 =	vmov v14  }
0x1b8: {  	_ =	sdelay $0x3  }
0x1b9: {  	v4 =	vld.idx.msk [tilespmem:v4+s6+$0x0], $0xffff  }
0x1ba: {  	s0 =	sadd.s32 $0x40, s26;
	v3 =	vld.idx.msk [tilespmem:v3+s6+$0x0], $0xffff  }
0x1bb: {  	s17 =	sadd.s32 $0x200, s25;
	v2 =	vld.idx.msk [tilespmem:v2+s6+$0x0], $0xffff;
	v5 =	vmul.f32 $1.732050900e+01, v5;
	s18 =	sadd.s32 $0xFFFFFFE0, s0;
	s25 =	sand.u32 $0x70, s0  }
0x1bc: {  	v1 =	vld.idx.msk [tilespmem:v1+s6+$0x0], $0xffff;
	s30 =	sand.u32 $0x1C00, s17;
	s28 =	sadd.s32 $0xFFFFFFD0, s0;
	s17 =	sadd.s32 $0x200, s17;
	v6 =	vmul.f32 $1.732050900e+01, v6  }
0x1bd: {  	[tilespmem:s10+$0x0] =	vst v10;
	s31 =	sand.u32 $0x40, s28;
	s26 =	sadd.s32 $0x1C6A0, s30;
	s28 =	sadd.s32 $0xFFFFFFF0, s0;
	v5 =	vadd.f32 v5, v0;
	v7 =	vmul.f32 $1.732050900e+01, v7  }
0x1be: {  	[tilespmem:s2+$0x0] =	vst v9;
	s2 =	sand.u32 $0x50, s18;
	s0 =	sadd.s32 $0x40, s0;
	s10 =	sor.u32 s31, s26;
	v8 =	vmul.f32 $1.732050900e+01, v8;
	v6 =	vadd.f32 v6, v0  }
0x1bf: {  	s29 =	sand.u32 $0x60, s28;
	s30 =	sadd.s32 s25, s26;
	s31 =	sand.u32 $0x1C00, s17;
	[tilespmem:s10+$0x0] =	vst v5;
	v5 =	vadd.f32 v7, v0;
	v4 =	vmul.f32 $1.732050900e+01, v4  }
0x1c0: {  	s25 =	sadd.s32 $0xFFFFFFD0, s0;
	s2 =	sor.u32 s2, s26;
	s18 =	sadd.s32 s29, s26;
	v3 =	vmul.f32 $1.732050900e+01, v3;
	v7 =	vadd.f32 v8, v0;
	[tilespmem:s30+$0x0] =	vst v6  }
0x1c1: {  	s17 =	sand.u32 $0x40, s25;
	s26 =	sand.u32 $0x70, s0;
	s10 =	sadd.s32 $0x1C6A0, s31;
	v2 =	vmul.f32 $1.732050900e+01, v2;
	v1 =	vmul.f32 $1.732050900e+01, v1;
	[tilespmem:s18+$0x0] =	vst v5;
	v4 =	vadd.f32 v4, v0  }
0x1c2: {  	s29 =	sadd.s32 $0xFFFFFFF0, s0;
	s0 =	sadd.s32 $0xFFFFFFE0, s0;
	s17 =	sor.u32 s17, s10;
	v3 =	vadd.f32 v3, v0;
	[tilespmem:s2+$0x0] =	vst v7  }
0x1c3: {  	s0 =	sand.u32 $0x50, s0;
	v2 =	vadd.f32 v2, v0;
	v0 =	vadd.f32 v1, v0;
	s2 =	sadd.s32 s26, s10;
	[tilespmem:s17+$0x0] =	vst v4  }
0x1c4: {  	s30 =	sand.u32 $0x60, s29;
	s0 =	sor.u32 s0, s10;
	[tilespmem:s2+$0x0] =	vst v3  }
0x1c5: {  	s17 =	sadd.s32 s30, s10;
	[tilespmem:s0+$0x0] =	vst v0  }
0x1c6: {  	[tilespmem:s17+$0x0] =	vst v2  }
0x1c7: {  	s31 =	simm.s32 $0x18AD0;
	v0 =	vld [tilespmem:s24+$0x1E6B0]  }
0x1c8: {  	v1 =	vld [tilespmem:s31+$0xFFFFFFD0]  }
0x1c9: {  	v2 =	vld [tilespmem:s31+$0x0]  }
0x1ca: {  	v3 =	vld [tilespmem:s31+$0xFFFFFFF0]  }
0x1cb: {  	s2 =	simm.s32 $0x18B10;
	v4 =	vld [tilespmem:s31+$0xFFFFFFE0]  }
0x1cc: {  	v5 =	vld [tilespmem:s2+$0xFFFFFFD0]  }
0x1cd: {  	v6 =	vld [tilespmem:s2+$0x0]  }
0x1ce: {  	v7 =	vld [tilespmem:s2+$0xFFFFFFF0]  }
0x1cf: {  	v8 =	vld [tilespmem:s2+$0xFFFFFFE0]  }
0x1d0: {  	v1 =	vld.idx.msk [tilespmem:v1+s6+$0x0], $0xffff  }
0x1d1: {  	v9 =	vld.idx.msk [tilespmem:v2+s6+$0x0], $0xffff  }
0x1d2: {  	v10 =	vld.idx.msk [tilespmem:v3+s6+$0x0], $0xffff  }
0x1d3: {  	s10 =	simm.s32 $0x18B50;
	v11 =	vld.idx.msk [tilespmem:v4+s6+$0x0], $0xffff  }
0x1d4: {  	v4 =	vld [tilespmem:s10+$0xFFFFFFD0]  }
0x1d5: {  	v3 =	vld [tilespmem:s10+$0x0]  }
0x1d6: {  	s28 =	simm.s32 $0x8;
	s25 =	simm.s32 $0x0;
	v2 =	vld [tilespmem:s10+$0xFFFFFFF0];
	v12 =	vmul.f32 $1.732050900e+01, v1  }
0x1d7: {  	s29 =	simm.s32 $0x10;
	s18 =	sand.u32 $0x1C00, s25;
	s17 =	simm.s32 $0x0;
	v1 =	vld [tilespmem:s10+$0xFFFFFFE0];
	v9 =	vmul.f32 $1.732050900e+01, v9  }
0x1d8: {  	s26 =	simm.s32 $0x30;
	s2 =	sand.u32 $0x40, s17;
	s17 =	sadd.s32 $0x1C6A0, s18;
	v5 =	vld.idx.msk [tilespmem:v5+s6+$0x0], $0xffff;
	v10 =	vmul.f32 $1.732050900e+01, v10;
	v12 =	vadd.f32 v12, v0  }
0x1d9: {  	s30 =	sand.u32 $0x70, s26;
	s31 =	simm.s32 $0x20;
	s2 =	sor.u32 s2, s17;
	v6 =	vld.idx.msk [tilespmem:v6+s6+$0x0], $0xffff;
	v11 =	vmul.f32 $1.732050900e+01, v11;
	v13 =	vadd.f32 v9, v0  }
0x1da: {  	s18 =	sand.u32 $0x60, s31;
	v7 =	vld.idx.msk [tilespmem:v7+s6+$0x0], $0xffff;
	s10 =	sand.u32 $0x50, s29;
	s29 =	sadd.s32 s30, s17;
	v10 =	vadd.f32 v10, v0;
	[tilespmem:s2+$0x80] =	vst v12  }
0x1db: {  	s0 =	simm.s32 $0x18B90;
	v8 =	vld.idx.msk [tilespmem:v8+s6+$0x0], $0xffff;
	v9 =	vadd.f32 v11, v0;
	s2 =	sor.u32 s10, s17;
	s10 =	sadd.s32 s18, s17;
	[tilespmem:s29+$0x80] =	vst v13  }
.LBB2_23:
0x1dc: {  	v11 =	vld [tilespmem:s0+$0xFFFFFFD0];
	s28 =	sadd.s32 $0x4, s28;
	[tilespmem:s10+$0x80] =	vst v10;
	s26 =	sadd.s32 $0x40, s26;
	s25 =	sadd.s32 $0x200, s25;
	v12 =	vmov v1  }
0x1dd: {  	v13 =	vld [tilespmem:s0+$0x0];
	p0 =	slt.u32 s28, $0x3C;
	[tilespmem:s2+$0x80] =	vst v9;
	s2 =	sadd.s32 $0xFFFFFFD0, s26  }
0x1de: {  	v9 =	vmul.f32 $1.732050900e+01, v5;
	s10 =	sadd.s32 $0xFFFFFFE0, s26;
	s17 =	sand.u32 $0x1C00, s25;
	v14 =	vld [tilespmem:s0+$0xFFFFFFF0]  }
.Ltmp14:
0x1df: {  	s10 =	sand.u32 $0x50, s10;
	v10 =	vmul.f32 $1.732050900e+01, v6;
	v1 =	vld [tilespmem:s0+$0xFFFFFFE0];
	(pc) =	sbr.rel @p0 .LBB2_23-.Ltmp14, $4  }
0x1e0: {  	s18 =	sand.u32 $0x70, s26;
	s2 =	sand.u32 $0x40, s2;
	s17 =	sadd.s32 $0x1C6A0, s17;
	v9 =	vadd.f32 v9, v0;
	v15 =	vmul.f32 $1.732050900e+01, v7;
	v5 =	vld.idx.msk [tilespmem:v4+s6+$0x0], $0xffff  }
0x1e1: {  	s29 =	sor.u32 s2, s17;
	s2 =	sor.u32 s10, s17;
	s10 =	sadd.s32 $0xFFFFFFF0, s26;
	v16 =	vmul.f32 $1.732050900e+01, v8;
	v17 =	vadd.f32 v10, v0;
	v6 =	vld.idx.msk [tilespmem:v3+s6+$0x0], $0xffff;
	v4 =	vmov v11  }
0x1e2: {  	s18 =	sadd.s32 s18, s17;
	s10 =	sand.u32 $0x60, s10;
	v10 =	vadd.f32 v15, v0;
	v7 =	vld.idx.msk [tilespmem:v2+s6+$0x0], $0xffff;
	[tilespmem:s29+$0x80] =	vst v9;
	v3 =	vmov v13  }
0x1e3: {  	s0 =	sadd.s32 $0x40, s0;
	s10 =	sadd.s32 s10, s17;
	v9 =	vadd.f32 v16, v0;
	v8 =	vld.idx.msk [tilespmem:v12+s6+$0x0], $0xffff;
	[tilespmem:s18+$0x80] =	vst v17;
	v2 =	vmov v14  }
0x1e4: {  	_ =	sdelay $0x3  }
0x1e5: {  	v4 =	vld.idx.msk [tilespmem:v4+s6+$0x0], $0xffff  }
0x1e6: {  	s0 =	sadd.s32 $0x40, s26;
	v3 =	vld.idx.msk [tilespmem:v3+s6+$0x0], $0xffff  }
0x1e7: {  	s17 =	sadd.s32 $0x200, s25;
	v2 =	vld.idx.msk [tilespmem:v2+s6+$0x0], $0xffff;
	v5 =	vmul.f32 $1.732050900e+01, v5;
	s18 =	sadd.s32 $0xFFFFFFE0, s0;
	s30 =	sadd.s32 $0xFFFFFFD0, s0  }
0x1e8: {  	v1 =	vld.idx.msk [tilespmem:v1+s6+$0x0], $0xffff;
	s31 =	sand.u32 $0x1C00, s17;
	s18 =	sand.u32 $0x50, s18;
	v6 =	vmul.f32 $1.732050900e+01, v6;
	s29 =	sand.u32 $0x40, s30  }
0x1e9: {  	[tilespmem:s10+$0x80] =	vst v10;
	s25 =	sadd.s32 $0x1C6A0, s31;
	s30 =	sadd.s32 $0xFFFFFFF0, s0;
	s31 =	sand.u32 $0x70, s0;
	v5 =	vadd.f32 v5, v0;
	v7 =	vmul.f32 $1.732050900e+01, v7  }
0x1ea: {  	[tilespmem:s2+$0x80] =	vst v9;
	s0 =	sadd.s32 $0x40, s0;
	s10 =	sor.u32 s29, s25;
	s26 =	sand.u32 $0x60, s30;
	v8 =	vmul.f32 $1.732050900e+01, v8;
	v6 =	vadd.f32 v6, v0  }
0x1eb: {  	s2 =	sadd.s32 s31, s25;
	s29 =	sadd.s32 $0x200, s17;
	s31 =	sadd.s32 $0xFFFFFFD0, s0;
	[tilespmem:s10+$0x80] =	vst v5;
	v5 =	vadd.f32 v7, v0;
	v4 =	vmul.f32 $1.732050900e+01, v4  }
0x1ec: {  	s18 =	sor.u32 s18, s25;
	s30 =	sadd.s32 s26, s25;
	s10 =	sand.u32 $0x1C00, s29;
	v3 =	vmul.f32 $1.732050900e+01, v3;
	v7 =	vadd.f32 v8, v0;
	[tilespmem:s2+$0x80] =	vst v6  }
0x1ed: {  	s26 =	sand.u32 $0x70, s0;
	v2 =	vmul.f32 $1.732050900e+01, v2;
	v1 =	vmul.f32 $1.732050900e+01, v1;
	s2 =	sand.u32 $0x40, s31;
	s10 =	sadd.s32 $0x1C6A0, s10;
	[tilespmem:s30+$0x80] =	vst v5;
	v4 =	vadd.f32 v4, v0  }
0x1ee: {  	s29 =	sadd.s32 $0xFFFFFFF0, s0;
	s0 =	sadd.s32 $0xFFFFFFE0, s0;
	s2 =	sor.u32 s2, s10;
	v3 =	vadd.f32 v3, v0;
	[tilespmem:s18+$0x80] =	vst v7  }
0x1ef: {  	s0 =	sand.u32 $0x50, s0;
	v2 =	vadd.f32 v2, v0;
	s17 =	sadd.s32 s26, s10;
	v0 =	vadd.f32 v1, v0;
	[tilespmem:s2+$0x80] =	vst v4  }
0x1f0: {  	s30 =	sand.u32 $0x60, s29;
	s0 =	sor.u32 s0, s10;
	[tilespmem:s17+$0x80] =	vst v3  }
0x1f1: {  	s2 =	sadd.s32 s30, s10;
	[tilespmem:s0+$0x80] =	vst v0  }
0x1f2: {  	[tilespmem:s2+$0x80] =	vst v2  }
0x1f3: {  	s31 =	simm.s32 $0x18ED0;
	v0 =	vld [tilespmem:s24+$0x1E6C0]  }
0x1f4: {  	v1 =	vld [tilespmem:s31+$0xFFFFFFD0]  }
0x1f5: {  	v2 =	vld [tilespmem:s31+$0x0]  }
0x1f6: {  	v3 =	vld [tilespmem:s31+$0xFFFFFFF0]  }
0x1f7: {  	s2 =	simm.s32 $0x18F10;
	v4 =	vld [tilespmem:s31+$0xFFFFFFE0]  }
0x1f8: {  	v5 =	vld [tilespmem:s2+$0xFFFFFFD0]  }
0x1f9: {  	v6 =	vld [tilespmem:s2+$0x0]  }
0x1fa: {  	v7 =	vld [tilespmem:s2+$0xFFFFFFF0]  }
0x1fb: {  	v8 =	vld [tilespmem:s2+$0xFFFFFFE0]  }
0x1fc: {  	v1 =	vld.idx.msk [tilespmem:v1+s6+$0x0], $0xffff  }
0x1fd: {  	v9 =	vld.idx.msk [tilespmem:v2+s6+$0x0], $0xffff  }
0x1fe: {  	v10 =	vld.idx.msk [tilespmem:v3+s6+$0x0], $0xffff  }
0x1ff: {  	s10 =	simm.s32 $0x18F50;
	v11 =	vld.idx.msk [tilespmem:v4+s6+$0x0], $0xffff  }
0x200: {  	v4 =	vld [tilespmem:s10+$0xFFFFFFD0]  }
0x201: {  	v3 =	vld [tilespmem:s10+$0x0]  }
0x202: {  	s28 =	simm.s32 $0x8;
	s25 =	simm.s32 $0x0;
	v2 =	vld [tilespmem:s10+$0xFFFFFFF0];
	v12 =	vmul.f32 $1.732050900e+01, v1  }
0x203: {  	s26 =	simm.s32 $0x30;
	s18 =	sand.u32 $0x1C00, s25;
	s17 =	simm.s32 $0x0;
	v1 =	vld [tilespmem:s10+$0xFFFFFFE0];
	v9 =	vmul.f32 $1.732050900e+01, v9  }
0x204: {  	s29 =	simm.s32 $0x10;
	s2 =	sand.u32 $0x40, s17;
	s17 =	sadd.s32 $0x1C6A0, s18;
	v5 =	vld.idx.msk [tilespmem:v5+s6+$0x0], $0xffff;
	v10 =	vmul.f32 $1.732050900e+01, v10;
	v12 =	vadd.f32 v12, v0  }
0x205: {  	s30 =	sand.u32 $0x70, s26;
	s31 =	simm.s32 $0x20;
	s2 =	sor.u32 s2, s17;
	v6 =	vld.idx.msk [tilespmem:v6+s6+$0x0], $0xffff;
	v11 =	vmul.f32 $1.732050900e+01, v11;
	v13 =	vadd.f32 v9, v0  }
0x206: {  	s18 =	sand.u32 $0x60, s31;
	v7 =	vld.idx.msk [tilespmem:v7+s6+$0x0], $0xffff;
	s10 =	sand.u32 $0x50, s29;
	s29 =	sadd.s32 s30, s17;
	v10 =	vadd.f32 v10, v0;
	[tilespmem:s2+$0x100] =	vst v12  }
0x207: {  	s0 =	simm.s32 $0x18F90;
	v8 =	vld.idx.msk [tilespmem:v8+s6+$0x0], $0xffff;
	v9 =	vadd.f32 v11, v0;
	s2 =	sor.u32 s10, s17;
	s10 =	sadd.s32 s18, s17;
	[tilespmem:s29+$0x100] =	vst v13  }
.LBB2_25:
0x208: {  	v11 =	vld [tilespmem:s0+$0xFFFFFFD0];
	s28 =	sadd.s32 $0x4, s28;
	[tilespmem:s10+$0x100] =	vst v10;
	s26 =	sadd.s32 $0x40, s26;
	s25 =	sadd.s32 $0x200, s25;
	v12 =	vmov v1  }
0x209: {  	v13 =	vld [tilespmem:s0+$0x0];
	p0 =	slt.u32 s28, $0x3C;
	[tilespmem:s2+$0x100] =	vst v9;
	s2 =	sadd.s32 $0xFFFFFFD0, s26  }
0x20a: {  	v9 =	vmul.f32 $1.732050900e+01, v5;
	s10 =	sadd.s32 $0xFFFFFFE0, s26;
	s17 =	sand.u32 $0x1C00, s25;
	v14 =	vld [tilespmem:s0+$0xFFFFFFF0]  }
.Ltmp15:
0x20b: {  	s10 =	sand.u32 $0x50, s10;
	v10 =	vmul.f32 $1.732050900e+01, v6;
	v1 =	vld [tilespmem:s0+$0xFFFFFFE0];
	(pc) =	sbr.rel @p0 .LBB2_25-.Ltmp15, $4  }
0x20c: {  	s18 =	sand.u32 $0x70, s26;
	s2 =	sand.u32 $0x40, s2;
	s17 =	sadd.s32 $0x1C6A0, s17;
	v9 =	vadd.f32 v9, v0;
	v15 =	vmul.f32 $1.732050900e+01, v7;
	v5 =	vld.idx.msk [tilespmem:v4+s6+$0x0], $0xffff  }
0x20d: {  	s29 =	sor.u32 s2, s17;
	s2 =	sor.u32 s10, s17;
	s10 =	sadd.s32 $0xFFFFFFF0, s26;
	v16 =	vmul.f32 $1.732050900e+01, v8;
	v17 =	vadd.f32 v10, v0;
	v6 =	vld.idx.msk [tilespmem:v3+s6+$0x0], $0xffff;
	v4 =	vmov v11  }
0x20e: {  	s18 =	sadd.s32 s18, s17;
	s10 =	sand.u32 $0x60, s10;
	v10 =	vadd.f32 v15, v0;
	v7 =	vld.idx.msk [tilespmem:v2+s6+$0x0], $0xffff;
	[tilespmem:s29+$0x100] =	vst v9;
	v3 =	vmov v13  }
0x20f: {  	s0 =	sadd.s32 $0x40, s0;
	s10 =	sadd.s32 s10, s17;
	v9 =	vadd.f32 v16, v0;
	v8 =	vld.idx.msk [tilespmem:v12+s6+$0x0], $0xffff;
	[tilespmem:s18+$0x100] =	vst v17;
	v2 =	vmov v14  }
0x210: {  	_ =	sdelay $0x3  }
0x211: {  	v4 =	vld.idx.msk [tilespmem:v4+s6+$0x0], $0xffff  }
0x212: {  	s0 =	sadd.s32 $0x40, s26;
	v3 =	vld.idx.msk [tilespmem:v3+s6+$0x0], $0xffff  }
0x213: {  	s17 =	sadd.s32 $0x200, s25;
	v2 =	vld.idx.msk [tilespmem:v2+s6+$0x0], $0xffff;
	v5 =	vmul.f32 $1.732050900e+01, v5;
	s18 =	sadd.s32 $0xFFFFFFE0, s0;
	s30 =	sadd.s32 $0xFFFFFFD0, s0  }
0x214: {  	v1 =	vld.idx.msk [tilespmem:v1+s6+$0x0], $0xffff;
	s31 =	sand.u32 $0x1C00, s17;
	s18 =	sand.u32 $0x50, s18;
	v6 =	vmul.f32 $1.732050900e+01, v6;
	s29 =	sand.u32 $0x40, s30  }
0x215: {  	[tilespmem:s10+$0x100] =	vst v10;
	s25 =	sadd.s32 $0x1C6A0, s31;
	s30 =	sadd.s32 $0xFFFFFFF0, s0;
	s31 =	sand.u32 $0x70, s0;
	v5 =	vadd.f32 v5, v0;
	v7 =	vmul.f32 $1.732050900e+01, v7  }
0x216: {  	[tilespmem:s2+$0x100] =	vst v9;
	s0 =	sadd.s32 $0x40, s0;
	s10 =	sor.u32 s29, s25;
	s26 =	sand.u32 $0x60, s30;
	v8 =	vmul.f32 $1.732050900e+01, v8;
	v6 =	vadd.f32 v6, v0  }
0x217: {  	s2 =	sadd.s32 s31, s25;
	s29 =	sadd.s32 $0x200, s17;
	s31 =	sadd.s32 $0xFFFFFFD0, s0;
	[tilespmem:s10+$0x100] =	vst v5;
	v5 =	vadd.f32 v7, v0;
	v4 =	vmul.f32 $1.732050900e+01, v4  }
0x218: {  	s18 =	sor.u32 s18, s25;
	s30 =	sadd.s32 s26, s25;
	s10 =	sand.u32 $0x1C00, s29;
	v3 =	vmul.f32 $1.732050900e+01, v3;
	v7 =	vadd.f32 v8, v0;
	[tilespmem:s2+$0x100] =	vst v6  }
0x219: {  	s26 =	sand.u32 $0x70, s0;
	v2 =	vmul.f32 $1.732050900e+01, v2;
	v1 =	vmul.f32 $1.732050900e+01, v1;
	s2 =	sand.u32 $0x40, s31;
	s10 =	sadd.s32 $0x1C6A0, s10;
	[tilespmem:s30+$0x100] =	vst v5;
	v4 =	vadd.f32 v4, v0  }
0x21a: {  	s29 =	sadd.s32 $0xFFFFFFF0, s0;
	s0 =	sadd.s32 $0xFFFFFFE0, s0;
	s2 =	sor.u32 s2, s10;
	v3 =	vadd.f32 v3, v0;
	[tilespmem:s18+$0x100] =	vst v7  }
0x21b: {  	s0 =	sand.u32 $0x50, s0;
	v2 =	vadd.f32 v2, v0;
	s17 =	sadd.s32 s26, s10;
	v0 =	vadd.f32 v1, v0;
	[tilespmem:s2+$0x100] =	vst v4  }
0x21c: {  	s30 =	sand.u32 $0x60, s29;
	s0 =	sor.u32 s0, s10;
	[tilespmem:s17+$0x100] =	vst v3  }
0x21d: {  	s2 =	sadd.s32 s30, s10;
	[tilespmem:s0+$0x100] =	vst v0  }
0x21e: {  	[tilespmem:s2+$0x100] =	vst v2  }
0x21f: {  	s31 =	simm.s32 $0x192D0;
	v0 =	vld [tilespmem:s24+$0x1E6D0]  }
0x220: {  	v1 =	vld [tilespmem:s31+$0xFFFFFFD0]  }
0x221: {  	v2 =	vld [tilespmem:s31+$0x0]  }
0x222: {  	v3 =	vld [tilespmem:s31+$0xFFFFFFF0]  }
0x223: {  	s2 =	simm.s32 $0x19310;
	v4 =	vld [tilespmem:s31+$0xFFFFFFE0]  }
0x224: {  	v5 =	vld [tilespmem:s2+$0xFFFFFFD0]  }
0x225: {  	v6 =	vld [tilespmem:s2+$0x0]  }
0x226: {  	v7 =	vld [tilespmem:s2+$0xFFFFFFF0]  }
0x227: {  	v8 =	vld [tilespmem:s2+$0xFFFFFFE0]  }
0x228: {  	v1 =	vld.idx.msk [tilespmem:v1+s6+$0x0], $0xffff  }
0x229: {  	v9 =	vld.idx.msk [tilespmem:v2+s6+$0x0], $0xffff  }
0x22a: {  	v10 =	vld.idx.msk [tilespmem:v3+s6+$0x0], $0xffff  }
0x22b: {  	s10 =	simm.s32 $0x19350;
	v11 =	vld.idx.msk [tilespmem:v4+s6+$0x0], $0xffff  }
0x22c: {  	v4 =	vld [tilespmem:s10+$0xFFFFFFD0]  }
0x22d: {  	v3 =	vld [tilespmem:s10+$0x0]  }
0x22e: {  	s28 =	simm.s32 $0x8;
	s25 =	simm.s32 $0x0;
	v2 =	vld [tilespmem:s10+$0xFFFFFFF0];
	v12 =	vmul.f32 $1.732050900e+01, v1  }
0x22f: {  	s26 =	simm.s32 $0x30;
	s18 =	sand.u32 $0x1C00, s25;
	s17 =	simm.s32 $0x0;
	v1 =	vld [tilespmem:s10+$0xFFFFFFE0];
	v9 =	vmul.f32 $1.732050900e+01, v9  }
0x230: {  	s29 =	simm.s32 $0x10;
	s2 =	sand.u32 $0x40, s17;
	s17 =	sadd.s32 $0x1C6A0, s18;
	v5 =	vld.idx.msk [tilespmem:v5+s6+$0x0], $0xffff;
	v10 =	vmul.f32 $1.732050900e+01, v10;
	v12 =	vadd.f32 v12, v0  }
0x231: {  	s30 =	sand.u32 $0x70, s26;
	s31 =	simm.s32 $0x20;
	s2 =	sor.u32 s2, s17;
	v6 =	vld.idx.msk [tilespmem:v6+s6+$0x0], $0xffff;
	v11 =	vmul.f32 $1.732050900e+01, v11;
	v13 =	vadd.f32 v9, v0  }
0x232: {  	s18 =	sand.u32 $0x60, s31;
	v7 =	vld.idx.msk [tilespmem:v7+s6+$0x0], $0xffff;
	s10 =	sand.u32 $0x50, s29;
	s29 =	sadd.s32 s30, s17;
	v10 =	vadd.f32 v10, v0;
	[tilespmem:s2+$0x180] =	vst v12  }
0x233: {  	s0 =	simm.s32 $0x19390;
	v8 =	vld.idx.msk [tilespmem:v8+s6+$0x0], $0xffff;
	v9 =	vadd.f32 v11, v0;
	s2 =	sor.u32 s10, s17;
	s10 =	sadd.s32 s18, s17;
	[tilespmem:s29+$0x180] =	vst v13  }
.LBB2_27:
0x234: {  	v11 =	vld [tilespmem:s0+$0xFFFFFFD0];
	s28 =	sadd.s32 $0x4, s28;
	[tilespmem:s10+$0x180] =	vst v10;
	s26 =	sadd.s32 $0x40, s26;
	s25 =	sadd.s32 $0x200, s25;
	v12 =	vmov v1  }
0x235: {  	v13 =	vld [tilespmem:s0+$0x0];
	p0 =	slt.u32 s28, $0x3C;
	[tilespmem:s2+$0x180] =	vst v9;
	s2 =	sadd.s32 $0xFFFFFFD0, s26  }
0x236: {  	v9 =	vmul.f32 $1.732050900e+01, v5;
	s10 =	sadd.s32 $0xFFFFFFE0, s26;
	s17 =	sand.u32 $0x1C00, s25;
	v14 =	vld [tilespmem:s0+$0xFFFFFFF0]  }
.Ltmp16:
0x237: {  	s10 =	sand.u32 $0x50, s10;
	v10 =	vmul.f32 $1.732050900e+01, v6;
	v1 =	vld [tilespmem:s0+$0xFFFFFFE0];
	(pc) =	sbr.rel @p0 .LBB2_27-.Ltmp16, $4  }
0x238: {  	s18 =	sand.u32 $0x70, s26;
	s2 =	sand.u32 $0x40, s2;
	s17 =	sadd.s32 $0x1C6A0, s17;
	v9 =	vadd.f32 v9, v0;
	v15 =	vmul.f32 $1.732050900e+01, v7;
	v5 =	vld.idx.msk [tilespmem:v4+s6+$0x0], $0xffff  }
0x239: {  	s29 =	sor.u32 s2, s17;
	s2 =	sor.u32 s10, s17;
	s10 =	sadd.s32 $0xFFFFFFF0, s26;
	v16 =	vmul.f32 $1.732050900e+01, v8;
	v17 =	vadd.f32 v10, v0;
	v6 =	vld.idx.msk [tilespmem:v3+s6+$0x0], $0xffff;
	v4 =	vmov v11  }
0x23a: {  	s18 =	sadd.s32 s18, s17;
	s10 =	sand.u32 $0x60, s10;
	v10 =	vadd.f32 v15, v0;
	v7 =	vld.idx.msk [tilespmem:v2+s6+$0x0], $0xffff;
	[tilespmem:s29+$0x180] =	vst v9;
	v3 =	vmov v13  }
0x23b: {  	s0 =	sadd.s32 $0x40, s0;
	s10 =	sadd.s32 s10, s17;
	v9 =	vadd.f32 v16, v0;
	v8 =	vld.idx.msk [tilespmem:v12+s6+$0x0], $0xffff;
	[tilespmem:s18+$0x180] =	vst v17;
	v2 =	vmov v14  }
0x23c: {  	_ =	sdelay $0x3  }
0x23d: {  	s0 =	sadd.s32 $0x40, s26;
	v4 =	vld.idx.msk [tilespmem:v4+s6+$0x0], $0xffff  }
0x23e: {  	s17 =	sadd.s32 $0x200, s25;
	v3 =	vld.idx.msk [tilespmem:v3+s6+$0x0], $0xffff;
	v5 =	vmul.f32 $1.732050900e+01, v5;
	s18 =	sadd.s32 $0xFFFFFFE0, s0  }
0x23f: {  	v2 =	vld.idx.msk [tilespmem:v2+s6+$0x0], $0xffff;
	s25 =	sadd.s32 $0xFFFFFFD0, s0;
	s26 =	sand.u32 $0x1C00, s17;
	[tilespmem:s2+$0x180] =	vst v9;
	s2 =	sand.u32 $0x70, s0;
	v6 =	vmul.f32 $1.732050900e+01, v6  }
0x240: {  	[tilespmem:s10+$0x180] =	vst v10;
	v1 =	vld.idx.msk [tilespmem:v1+s6+$0x0], $0xffff;
	s18 =	sand.u32 $0x50, s18;
	s10 =	sand.u32 $0x40, s25;
	s25 =	sadd.s32 $0x1C6A0, s26;
	v5 =	vadd.f32 v5, v0;
	v7 =	vmul.f32 $1.732050900e+01, v7  }
0x241: {  	s26 =	sadd.s32 $0xFFFFFFF0, s0;
	s0 =	sadd.s32 $0x40, s0;
	s10 =	sor.u32 s10, s25;
	v8 =	vmul.f32 $1.732050900e+01, v8;
	v6 =	vadd.f32 v6, v0  }
0x242: {  	s26 =	sand.u32 $0x60, s26;
	s2 =	sadd.s32 s2, s25;
	[tilespmem:s10+$0x180] =	vst v5;
	v5 =	vadd.f32 v7, v0;
	s10 =	sadd.s32 $0x200, s17;
	v4 =	vmul.f32 $1.732050900e+01, v4  }
0x243: {  	s17 =	sadd.s32 s26, s25;
	s26 =	sadd.s32 $0xFFFFFFD0, s0;
	v3 =	vmul.f32 $1.732050900e+01, v3;
	v7 =	vadd.f32 v8, v0;
	[tilespmem:s2+$0x180] =	vst v6;
	s10 =	sand.u32 $0x1C00, s10  }
0x244: {  	s18 =	sor.u32 s18, s25;
	v2 =	vmul.f32 $1.732050900e+01, v2;
	s2 =	sand.u32 $0x40, s26;
	[tilespmem:s17+$0x180] =	vst v5;
	v4 =	vadd.f32 v4, v0;
	s10 =	sadd.s32 $0x1C6A0, s10  }
0x245: {  	v1 =	vmul.f32 $1.732050900e+01, v1;
	s25 =	sadd.s32 $0xFFFFFFF0, s0;
	s17 =	sand.u32 $0x70, s0;
	v3 =	vadd.f32 v3, v0;
	[tilespmem:s18+$0x180] =	vst v7;
	s2 =	sor.u32 s2, s10  }
0x246: {  	s26 =	sand.u32 $0x60, s25;
	s0 =	sadd.s32 $0xFFFFFFE0, s0;
	v2 =	vadd.f32 v2, v0;
	s17 =	sadd.s32 s17, s10;
	[tilespmem:s2+$0x180] =	vst v4  }
0x247: {  	v0 =	vadd.f32 v1, v0;
	s0 =	sand.u32 $0x50, s0;
	s2 =	sadd.s32 s26, s10;
	[tilespmem:s17+$0x180] =	vst v3  }
0x248: {  	s0 =	sor.u32 s0, s10;
	[tilespmem:s2+$0x180] =	vst v2  }
0x249: {  	[tilespmem:s0+$0x180] =	vst v0;
	s2 =	simm.s32 $0x196D0  }
0x24a: {  	v1 =	vld [tilespmem:s2+$0x0]  }
0x24b: {  	v0 =	vld [tilespmem:s24+$0x1E6E0]  }
0x24c: {  	v2 =	vld [tilespmem:s2+$0xFFFFFFD0]  }
0x24d: {  	v3 =	vld [tilespmem:s2+$0xFFFFFFE0]  }
0x24e: {  	s10 =	simm.s32 $0x19710;
	v4 =	vld [tilespmem:s2+$0xFFFFFFF0]  }
0x24f: {  	v5 =	vld [tilespmem:s10+$0x0]  }
0x250: {  	v6 =	vld [tilespmem:s10+$0xFFFFFFD0]  }
0x251: {  	v7 =	vld [tilespmem:s10+$0xFFFFFFE0]  }
0x252: {  	v8 =	vld [tilespmem:s10+$0xFFFFFFF0]  }
0x253: {  	v1 =	vld.idx.msk [tilespmem:v1+s6+$0x0], $0xffff  }
0x254: {  	s10 =	simm.s32 $0x19750;
	v9 =	vld.idx.msk [tilespmem:v2+s6+$0x0], $0xffff  }
0x255: {  	p0 =	por $0x0, $0x0;
	s30 =	simm.s32 $0x8;
	s25 =	simm.s32 $0x0;
	v11 =	vld [tilespmem:s10+$0x0]  }
0x256: {  	s28 =	simm.s32 $0x4;
	s29 =	sand.u32 $0x3, s25;
	s17 =	sand.u32 $0x7, s25;
	v10 =	vld.idx.msk [tilespmem:v3+s6+$0x0], $0xffff  }
0x257: {  	s29 =	sshll.u32 s29, $0x5;
	s0 =	simm.s32 $0x1;
	s2 =	sshll.u32 s17, $0x4;
	v4 =	vld.idx.msk [tilespmem:v4+s6+$0x0], $0xffff  }
0x258: {  	s26 =	simm.s32 $0x20;
	s0 =	simm.s32 @!p0 $0x0;
	s2 =	sadd.s32 $0x0, s2;
	v5 =	vld.idx.msk [tilespmem:v5+s6+$0x0], $0xffff;
	v1 =	vmul.f32 $1.732050900e+01, v1  }
0x259: {  	p0 =	por !p0, !p0;
	s0 =	sshll.u32 s0, $0x6;
	s18 =	sadd.s32 $0x10, s2;
	v9 =	vmul.f32 $1.732050900e+01, v9  }
0x25a: {  	s2 =	sadd.s32 $0x30, s2;
	s17 =	sor.u32 $0x200, s18;
	s18 =	simm.s32 $0x1;
	v2 =	vld [tilespmem:s10+$0xFFFFFFD0];
	v12 =	vadd.f32 v1, v0  }
0x25b: {  	s0 =	sadd.s32 $0x0, s0;
	s2 =	sor.u32 $0x200, s2;
	s18 =	simm.s32 @!p0 $0x0;
	v3 =	vld [tilespmem:s10+$0xFFFFFFE0];
	v10 =	vmul.f32 $1.732050900e+01, v10;
	v9 =	vadd.f32 v9, v0  }
0x25c: {  	s0 =	sor.u32 $0x200, s0;
	v13 =	vmul.f32 $1.732050900e+01, v4;
	v1 =	vld [tilespmem:s10+$0xFFFFFFF0];
	s10 =	sshll.u32 s18, $0x6;
	s18 =	sand.u32 $0x7, s28;
	[tilespmem:s2+$0x1C6A0] =	vst v12  }
0x25d: {  	v4 =	vld.idx.msk [tilespmem:v6+s6+$0x0], $0xffff;
	v6 =	vadd.f32 v10, v0;
	s2 =	sshll.u32 s18, $0x4;
	s18 =	sadd.s32 $0x20, s29;
	s29 =	simm.s32 $0x200;
	[tilespmem:s0+$0x1C6A0] =	vst v9;
	v9 =	vmul.f32 $1.732050900e+01, v5  }
0x25e: {  	v7 =	vld.idx.msk [tilespmem:v7+s6+$0x0], $0xffff;
	v10 =	vadd.f32 v13, v0;
	s0 =	sadd.s32 $0x200, s10;
	s2 =	sadd.s32 $0x200, s2;
	s10 =	sor.u32 $0x200, s18  }
0x25f: {  	v5 =	vld.idx.msk [tilespmem:v8+s6+$0x0], $0xffff;
	[tilespmem:s17+$0x1C6A0] =	vst v6;
	s31 =	sor.u32 $0x200, s0;
	s17 =	sadd.s32 $0x10, s2;
	s18 =	sadd.s32 $0x30, s2;
	v8 =	vadd.f32 v9, v0  }
0x260: {  	v6 =	vld.idx.msk [tilespmem:v11+s6+$0x0], $0xffff;
	[tilespmem:s10+$0x1C6A0] =	vst v10;
	s2 =	simm.s32 $0x19790;
	s0 =	sor.u32 $0x200, s17;
	s10 =	sor.u32 $0x200, s18  }
.LBB2_29:
0x261: {  	v9 =	vld [tilespmem:s2+$0x0];
	s30 =	sadd.s32 $0x4, s30;
	[tilespmem:s10+$0x1C6A0] =	vst v8  }
0x262: {  	v4 =	vmul.f32 $1.732050900e+01, v4;
	p0 =	por !p0, !p0;
	s26 =	sadd.s32 $0x200, s26;
	v8 =	vld [tilespmem:s2+$0xFFFFFFD0];
	p1 =	slt.u32 s30, $0x3C  }
0x263: {  	s25 =	sadd.s32 $0x2, s25;
	s10 =	simm.s32 $0x1;
	s28 =	sadd.s32 $0x4, s28;
	v7 =	vmul.f32 $1.732050900e+01, v7;
	v10 =	vld [tilespmem:s2+$0xFFFFFFE0]  }
0x264: {  	s10 =	simm.s32 @!p0 $0x0;
	s17 =	sand.u32 $0x3, s25;
	s18 =	sand.u32 $0x7, s28;
	v12 =	vadd.f32 v4, v0;
	v5 =	vmul.f32 $1.732050900e+01, v5;
	v11 =	vld [tilespmem:s2+$0xFFFFFFF0]  }
.Ltmp17:
0x265: {  	s10 =	sshll.u32 s10, $0x6;
	s17 =	sshll.u32 s17, $0x5;
	v13 =	vadd.f32 v7, v0;
	v4 =	vld.idx.msk [tilespmem:v2+s6+$0x0], $0xffff;
	(pc) =	sbr.rel @p1 .LBB2_29-.Ltmp17, $4  }
0x266: {  	s29 =	sadd.s32 $0x200, s29;
	s18 =	sshll.u32 s18, $0x4;
	s17 =	sadd.s32 s17, s26;
	v14 =	vmul.f32 $1.732050900e+01, v6;
	v6 =	vadd.f32 v5, v0;
	v7 =	vld.idx.msk [tilespmem:v3+s6+$0x0], $0xffff;
	[tilespmem:s31+$0x1C6A0] =	vst v12  }
0x267: {  	s10 =	sadd.s32 s10, s29;
	s18 =	sadd.s32 s18, s29;
	v5 =	vld.idx.msk [tilespmem:v1+s6+$0x0], $0xffff;
	[tilespmem:s0+$0x1C6A0] =	vst v13;
	s0 =	sor.u32 $0x200, s17;
	v2 =	vmov v8  }
0x268: {  	s31 =	sor.u32 $0x200, s10;
	s10 =	sadd.s32 $0x10, s18;
	v8 =	vadd.f32 v14, v0;
	s17 =	sadd.s32 $0x30, s18;
	[tilespmem:s0+$0x1C6A0] =	vst v6;
	v3 =	vmov v10  }
0x269: {  	s2 =	sadd.s32 $0x40, s2;
	s0 =	sor.u32 $0x200, s10;
	s10 =	sor.u32 $0x200, s17;
	v6 =	vld.idx.msk [tilespmem:v9+s6+$0x0], $0xffff;
	v1 =	vmov v11  }
0x26a: {  	_ =	sdelay $0x3  }
0x26b: {  	v2 =	vld.idx.msk [tilespmem:v2+s6+$0x0], $0xffff  }
0x26c: {  	v4 =	vmul.f32 $1.732050900e+01, v4;
	p0 =	por !p0, !p0;
	s2 =	sadd.s32 $0x200, s26;
	s17 =	simm.s32 $0x1;
	v3 =	vld.idx.msk [tilespmem:v3+s6+$0x0], $0xffff  }
0x26d: {  	s18 =	sadd.s32 $0x2, s25;
	s25 =	sadd.s32 $0x4, s28;
	v1 =	vld.idx.msk [tilespmem:v1+s6+$0x0], $0xffff;
	v7 =	vmul.f32 $1.732050900e+01, v7;
	s17 =	simm.s32 @!p0 $0x0  }
0x26e: {  	s26 =	sand.u32 $0x3, s18;
	s25 =	sand.u32 $0x7, s25;
	s18 =	sadd.s32 $0x2, s18;
	v4 =	vadd.f32 v4, v0;
	v5 =	vmul.f32 $1.732050900e+01, v5  }
0x26f: {  	[tilespmem:s10+$0x1C6A0] =	vst v8;
	s10 =	sshll.u32 s26, $0x5;
	s25 =	sshll.u32 s25, $0x4;
	s26 =	sadd.s32 $0x200, s29;
	v7 =	vadd.f32 v7, v0;
	v6 =	vmul.f32 $1.732050900e+01, v6  }
0x270: {  	s17 =	sshll.u32 s17, $0x6;
	s10 =	sadd.s32 s10, s2;
	s25 =	sadd.s32 s25, s26;
	[tilespmem:s31+$0x1C6A0] =	vst v4;
	v4 =	vadd.f32 v5, v0;
	v2 =	vmul.f32 $1.732050900e+01, v2  }
0x271: {  	s17 =	sadd.s32 s17, s26;
	s10 =	sor.u32 $0x200, s10;
	s26 =	sadd.s32 $0x30, s25;
	[tilespmem:s0+$0x1C6A0] =	vst v7;
	v3 =	vmul.f32 $1.732050900e+01, v3;
	v5 =	vadd.f32 v6, v0  }
0x272: {  	s18 =	sand.u32 $0x3, s18;
	s2 =	sadd.s32 $0x200, s2;
	v1 =	vmul.f32 $1.732050900e+01, v1;
	[tilespmem:s10+$0x1C6A0] =	vst v4;
	s10 =	sor.u32 $0x200, s26;
	v2 =	vadd.f32 v2, v0  }
0x273: {  	s17 =	sor.u32 $0x200, s17;
	s26 =	sadd.s32 $0x10, s25;
	s25 =	sshll.u32 s18, $0x5;
	v3 =	vadd.f32 v3, v0;
	[tilespmem:s10+$0x1C6A0] =	vst v5  }
0x274: {  	s26 =	sor.u32 $0x200, s26;
	s0 =	sadd.s32 s25, s2;
	v0 =	vadd.f32 v1, v0;
	[tilespmem:s17+$0x1C6A0] =	vst v2  }
0x275: {  	s0 =	sor.u32 $0x200, s0;
	[tilespmem:s26+$0x1C6A0] =	vst v3  }
0x276: {  	s2 =	simm.s32 $0x19AD0;
	[tilespmem:s0+$0x1C6A0] =	vst v0  }
0x277: {  	v1 =	vld [tilespmem:s2+$0x0]  }
0x278: {  	v0 =	vld [tilespmem:s24+$0x1E6F0]  }
0x279: {  	v2 =	vld [tilespmem:s2+$0xFFFFFFD0]  }
0x27a: {  	v3 =	vld [tilespmem:s2+$0xFFFFFFE0]  }
0x27b: {  	s10 =	simm.s32 $0x19B10;
	v4 =	vld [tilespmem:s2+$0xFFFFFFF0]  }
0x27c: {  	v5 =	vld [tilespmem:s10+$0x0]  }
0x27d: {  	v6 =	vld [tilespmem:s10+$0xFFFFFFD0]  }
0x27e: {  	v7 =	vld [tilespmem:s10+$0xFFFFFFE0]  }
0x27f: {  	v8 =	vld [tilespmem:s10+$0xFFFFFFF0]  }
0x280: {  	v1 =	vld.idx.msk [tilespmem:v1+s6+$0x0], $0xffff  }
0x281: {  	s10 =	simm.s32 $0x19B50;
	v9 =	vld.idx.msk [tilespmem:v2+s6+$0x0], $0xffff  }
0x282: {  	s30 =	simm.s32 $0x8;
	s28 =	simm.s32 $0x4;
	s25 =	simm.s32 $0x0;
	v11 =	vld [tilespmem:s10+$0x0]  }
0x283: {  	p0 =	por $0x0, $0x0;
	s29 =	sand.u32 $0x3, s25;
	s17 =	sand.u32 $0x7, s25;
	v10 =	vld.idx.msk [tilespmem:v3+s6+$0x0], $0xffff  }
0x284: {  	s0 =	simm.s32 $0x1;
	s26 =	simm.s32 $0x20;
	s2 =	sshll.u32 s17, $0x4;
	v4 =	vld.idx.msk [tilespmem:v4+s6+$0x0], $0xffff  }
0x285: {  	s29 =	sshll.u32 s29, $0x5;
	s0 =	simm.s32 @!p0 $0x0;
	s2 =	sadd.s32 $0x0, s2;
	v5 =	vld.idx.msk [tilespmem:v5+s6+$0x0], $0xffff;
	v1 =	vmul.f32 $1.732050900e+01, v1  }
0x286: {  	p0 =	por !p0, !p0;
	s0 =	sshll.u32 s0, $0x6;
	s18 =	sadd.s32 $0x10, s2;
	v9 =	vmul.f32 $1.732050900e+01, v9  }
0x287: {  	s2 =	sadd.s32 $0x30, s2;
	s17 =	sor.u32 $0x280, s18;
	s18 =	simm.s32 $0x1;
	v2 =	vld [tilespmem:s10+$0xFFFFFFD0];
	v12 =	vadd.f32 v1, v0  }
0x288: {  	s0 =	sadd.s32 $0x0, s0;
	s2 =	sor.u32 $0x280, s2;
	s18 =	simm.s32 @!p0 $0x0;
	v3 =	vld [tilespmem:s10+$0xFFFFFFE0];
	v10 =	vmul.f32 $1.732050900e+01, v10;
	v9 =	vadd.f32 v9, v0  }
0x289: {  	s0 =	sor.u32 $0x280, s0;
	v13 =	vmul.f32 $1.732050900e+01, v4;
	v1 =	vld [tilespmem:s10+$0xFFFFFFF0];
	s10 =	sshll.u32 s18, $0x6;
	s18 =	sand.u32 $0x7, s28;
	[tilespmem:s2+$0x1C6A0] =	vst v12  }
0x28a: {  	v4 =	vld.idx.msk [tilespmem:v6+s6+$0x0], $0xffff;
	v6 =	vadd.f32 v10, v0;
	s2 =	sshll.u32 s18, $0x4;
	s18 =	sadd.s32 $0x20, s29;
	s29 =	simm.s32 $0x200;
	[tilespmem:s0+$0x1C6A0] =	vst v9;
	v9 =	vmul.f32 $1.732050900e+01, v5  }
0x28b: {  	v7 =	vld.idx.msk [tilespmem:v7+s6+$0x0], $0xffff;
	v10 =	vadd.f32 v13, v0;
	s0 =	sadd.s32 $0x200, s10;
	s2 =	sadd.s32 $0x200, s2;
	s10 =	sor.u32 $0x280, s18  }
0x28c: {  	v5 =	vld.idx.msk [tilespmem:v8+s6+$0x0], $0xffff;
	[tilespmem:s17+$0x1C6A0] =	vst v6;
	s31 =	sor.u32 $0x280, s0;
	s17 =	sadd.s32 $0x10, s2;
	s18 =	sadd.s32 $0x30, s2;
	v8 =	vadd.f32 v9, v0  }
0x28d: {  	v6 =	vld.idx.msk [tilespmem:v11+s6+$0x0], $0xffff;
	[tilespmem:s10+$0x1C6A0] =	vst v10;
	s2 =	simm.s32 $0x19B90;
	s0 =	sor.u32 $0x280, s17;
	s10 =	sor.u32 $0x280, s18  }
.LBB2_31:
0x28e: {  	v9 =	vld [tilespmem:s2+$0x0];
	s30 =	sadd.s32 $0x4, s30;
	[tilespmem:s10+$0x1C6A0] =	vst v8  }
0x28f: {  	v4 =	vmul.f32 $1.732050900e+01, v4;
	p0 =	por !p0, !p0;
	s26 =	sadd.s32 $0x200, s26;
	v8 =	vld [tilespmem:s2+$0xFFFFFFD0];
	p1 =	slt.u32 s30, $0x3C  }
0x290: {  	s25 =	sadd.s32 $0x2, s25;
	s10 =	simm.s32 $0x1;
	s28 =	sadd.s32 $0x4, s28;
	v7 =	vmul.f32 $1.732050900e+01, v7;
	v10 =	vld [tilespmem:s2+$0xFFFFFFE0]  }
0x291: {  	s10 =	simm.s32 @!p0 $0x0;
	s17 =	sand.u32 $0x3, s25;
	s18 =	sand.u32 $0x7, s28;
	v12 =	vadd.f32 v4, v0;
	v5 =	vmul.f32 $1.732050900e+01, v5;
	v11 =	vld [tilespmem:s2+$0xFFFFFFF0]  }
.Ltmp18:
0x292: {  	s10 =	sshll.u32 s10, $0x6;
	s17 =	sshll.u32 s17, $0x5;
	v13 =	vadd.f32 v7, v0;
	v4 =	vld.idx.msk [tilespmem:v2+s6+$0x0], $0xffff;
	(pc) =	sbr.rel @p1 .LBB2_31-.Ltmp18, $4  }
0x293: {  	s29 =	sadd.s32 $0x200, s29;
	s18 =	sshll.u32 s18, $0x4;
	s17 =	sadd.s32 s17, s26;
	v14 =	vmul.f32 $1.732050900e+01, v6;
	v6 =	vadd.f32 v5, v0;
	v7 =	vld.idx.msk [tilespmem:v3+s6+$0x0], $0xffff;
	[tilespmem:s31+$0x1C6A0] =	vst v12  }
0x294: {  	s10 =	sadd.s32 s10, s29;
	s18 =	sadd.s32 s18, s29;
	v5 =	vld.idx.msk [tilespmem:v1+s6+$0x0], $0xffff;
	[tilespmem:s0+$0x1C6A0] =	vst v13;
	s0 =	sor.u32 $0x280, s17;
	v2 =	vmov v8  }
0x295: {  	s31 =	sor.u32 $0x280, s10;
	s10 =	sadd.s32 $0x10, s18;
	v8 =	vadd.f32 v14, v0;
	s17 =	sadd.s32 $0x30, s18;
	[tilespmem:s0+$0x1C6A0] =	vst v6;
	v3 =	vmov v10  }
0x296: {  	s2 =	sadd.s32 $0x40, s2;
	s0 =	sor.u32 $0x280, s10;
	s10 =	sor.u32 $0x280, s17;
	v6 =	vld.idx.msk [tilespmem:v9+s6+$0x0], $0xffff;
	v1 =	vmov v11  }
0x297: {  	_ =	sdelay $0x3  }
0x298: {  	v2 =	vld.idx.msk [tilespmem:v2+s6+$0x0], $0xffff  }
0x299: {  	v4 =	vmul.f32 $1.732050900e+01, v4;
	p0 =	por !p0, !p0;
	s2 =	sadd.s32 $0x200, s26;
	s17 =	simm.s32 $0x1;
	v3 =	vld.idx.msk [tilespmem:v3+s6+$0x0], $0xffff  }
0x29a: {  	s18 =	sadd.s32 $0x2, s25;
	s25 =	sadd.s32 $0x4, s28;
	v1 =	vld.idx.msk [tilespmem:v1+s6+$0x0], $0xffff;
	v7 =	vmul.f32 $1.732050900e+01, v7;
	s17 =	simm.s32 @!p0 $0x0  }
0x29b: {  	s26 =	sand.u32 $0x3, s18;
	s25 =	sand.u32 $0x7, s25;
	s18 =	sadd.s32 $0x2, s18;
	v4 =	vadd.f32 v4, v0;
	v5 =	vmul.f32 $1.732050900e+01, v5  }
0x29c: {  	[tilespmem:s10+$0x1C6A0] =	vst v8;
	s10 =	sshll.u32 s26, $0x5;
	s25 =	sshll.u32 s25, $0x4;
	s26 =	sadd.s32 $0x200, s29;
	v7 =	vadd.f32 v7, v0;
	v6 =	vmul.f32 $1.732050900e+01, v6  }
0x29d: {  	s17 =	sshll.u32 s17, $0x6;
	s10 =	sadd.s32 s10, s2;
	s25 =	sadd.s32 s25, s26;
	[tilespmem:s31+$0x1C6A0] =	vst v4;
	v4 =	vadd.f32 v5, v0;
	v2 =	vmul.f32 $1.732050900e+01, v2  }
0x29e: {  	s17 =	sadd.s32 s17, s26;
	s10 =	sor.u32 $0x280, s10;
	s26 =	sadd.s32 $0x30, s25;
	[tilespmem:s0+$0x1C6A0] =	vst v7;
	v3 =	vmul.f32 $1.732050900e+01, v3;
	v5 =	vadd.f32 v6, v0  }
0x29f: {  	s18 =	sand.u32 $0x3, s18;
	s2 =	sadd.s32 $0x200, s2;
	v1 =	vmul.f32 $1.732050900e+01, v1;
	[tilespmem:s10+$0x1C6A0] =	vst v4;
	s10 =	sor.u32 $0x280, s26;
	v2 =	vadd.f32 v2, v0  }
0x2a0: {  	s17 =	sor.u32 $0x280, s17;
	s26 =	sadd.s32 $0x10, s25;
	s25 =	sshll.u32 s18, $0x5;
	v3 =	vadd.f32 v3, v0;
	[tilespmem:s10+$0x1C6A0] =	vst v5  }
0x2a1: {  	s26 =	sor.u32 $0x280, s26;
	s0 =	sadd.s32 s25, s2;
	v0 =	vadd.f32 v1, v0;
	[tilespmem:s17+$0x1C6A0] =	vst v2  }
0x2a2: {  	s0 =	sor.u32 $0x280, s0;
	[tilespmem:s26+$0x1C6A0] =	vst v3  }
0x2a3: {  	s2 =	simm.s32 $0x19ED0;
	[tilespmem:s0+$0x1C6A0] =	vst v0  }
0x2a4: {  	v1 =	vld [tilespmem:s2+$0x0]  }
0x2a5: {  	v0 =	vld [tilespmem:s24+$0x1E700]  }
0x2a6: {  	v2 =	vld [tilespmem:s2+$0xFFFFFFD0]  }
0x2a7: {  	v3 =	vld [tilespmem:s2+$0xFFFFFFE0]  }
0x2a8: {  	s10 =	simm.s32 $0x19F10;
	v4 =	vld [tilespmem:s2+$0xFFFFFFF0]  }
0x2a9: {  	v5 =	vld [tilespmem:s10+$0x0]  }
0x2aa: {  	v6 =	vld [tilespmem:s10+$0xFFFFFFD0]  }
0x2ab: {  	v7 =	vld [tilespmem:s10+$0xFFFFFFE0]  }
0x2ac: {  	v8 =	vld [tilespmem:s10+$0xFFFFFFF0]  }
0x2ad: {  	v1 =	vld.idx.msk [tilespmem:v1+s6+$0x0], $0xffff  }
0x2ae: {  	s10 =	simm.s32 $0x19F50;
	v9 =	vld.idx.msk [tilespmem:v2+s6+$0x0], $0xffff  }
0x2af: {  	s30 =	simm.s32 $0x8;
	s28 =	simm.s32 $0x4;
	s25 =	simm.s32 $0x0;
	v11 =	vld [tilespmem:s10+$0x0]  }
0x2b0: {  	p0 =	por $0x0, $0x0;
	s29 =	sand.u32 $0x3, s25;
	s17 =	sand.u32 $0x7, s25;
	v10 =	vld.idx.msk [tilespmem:v3+s6+$0x0], $0xffff  }
0x2b1: {  	s0 =	simm.s32 $0x1;
	s26 =	simm.s32 $0x20;
	s2 =	sshll.u32 s17, $0x4;
	v4 =	vld.idx.msk [tilespmem:v4+s6+$0x0], $0xffff  }
0x2b2: {  	s29 =	sshll.u32 s29, $0x5;
	s0 =	simm.s32 @!p0 $0x0;
	s2 =	sadd.s32 $0x0, s2;
	v5 =	vld.idx.msk [tilespmem:v5+s6+$0x0], $0xffff;
	v1 =	vmul.f32 $1.732050900e+01, v1  }
0x2b3: {  	p0 =	por !p0, !p0;
	s0 =	sshll.u32 s0, $0x6;
	s18 =	sadd.s32 $0x10, s2;
	v9 =	vmul.f32 $1.732050900e+01, v9  }
0x2b4: {  	s2 =	sadd.s32 $0x30, s2;
	s17 =	sor.u32 $0x300, s18;
	s18 =	simm.s32 $0x1;
	v2 =	vld [tilespmem:s10+$0xFFFFFFD0];
	v12 =	vadd.f32 v1, v0  }
0x2b5: {  	s0 =	sadd.s32 $0x0, s0;
	s2 =	sor.u32 $0x300, s2;
	s18 =	simm.s32 @!p0 $0x0;
	v3 =	vld [tilespmem:s10+$0xFFFFFFE0];
	v10 =	vmul.f32 $1.732050900e+01, v10;
	v9 =	vadd.f32 v9, v0  }
0x2b6: {  	s0 =	sor.u32 $0x300, s0;
	v13 =	vmul.f32 $1.732050900e+01, v4;
	v1 =	vld [tilespmem:s10+$0xFFFFFFF0];
	s10 =	sshll.u32 s18, $0x6;
	s18 =	sand.u32 $0x7, s28;
	[tilespmem:s2+$0x1C6A0] =	vst v12  }
0x2b7: {  	v4 =	vld.idx.msk [tilespmem:v6+s6+$0x0], $0xffff;
	v6 =	vadd.f32 v10, v0;
	s2 =	sshll.u32 s18, $0x4;
	s18 =	sadd.s32 $0x20, s29;
	s29 =	simm.s32 $0x200;
	[tilespmem:s0+$0x1C6A0] =	vst v9;
	v9 =	vmul.f32 $1.732050900e+01, v5  }
0x2b8: {  	v7 =	vld.idx.msk [tilespmem:v7+s6+$0x0], $0xffff;
	v10 =	vadd.f32 v13, v0;
	s0 =	sadd.s32 $0x200, s10;
	s2 =	sadd.s32 $0x200, s2;
	s10 =	sor.u32 $0x300, s18  }
0x2b9: {  	v5 =	vld.idx.msk [tilespmem:v8+s6+$0x0], $0xffff;
	[tilespmem:s17+$0x1C6A0] =	vst v6;
	s31 =	sor.u32 $0x300, s0;
	s17 =	sadd.s32 $0x10, s2;
	s18 =	sadd.s32 $0x30, s2;
	v8 =	vadd.f32 v9, v0  }
0x2ba: {  	v6 =	vld.idx.msk [tilespmem:v11+s6+$0x0], $0xffff;
	[tilespmem:s10+$0x1C6A0] =	vst v10;
	s2 =	simm.s32 $0x19F90;
	s0 =	sor.u32 $0x300, s17;
	s10 =	sor.u32 $0x300, s18  }
.LBB2_33:
0x2bb: {  	v9 =	vld [tilespmem:s2+$0x0];
	s30 =	sadd.s32 $0x4, s30;
	[tilespmem:s10+$0x1C6A0] =	vst v8  }
0x2bc: {  	v4 =	vmul.f32 $1.732050900e+01, v4;
	p0 =	por !p0, !p0;
	s26 =	sadd.s32 $0x200, s26;
	v8 =	vld [tilespmem:s2+$0xFFFFFFD0];
	p1 =	slt.u32 s30, $0x3C  }
0x2bd: {  	s25 =	sadd.s32 $0x2, s25;
	s10 =	simm.s32 $0x1;
	s28 =	sadd.s32 $0x4, s28;
	v7 =	vmul.f32 $1.732050900e+01, v7;
	v10 =	vld [tilespmem:s2+$0xFFFFFFE0]  }
0x2be: {  	s10 =	simm.s32 @!p0 $0x0;
	s17 =	sand.u32 $0x3, s25;
	s18 =	sand.u32 $0x7, s28;
	v12 =	vadd.f32 v4, v0;
	v5 =	vmul.f32 $1.732050900e+01, v5;
	v11 =	vld [tilespmem:s2+$0xFFFFFFF0]  }
.Ltmp19:
0x2bf: {  	s10 =	sshll.u32 s10, $0x6;
	s17 =	sshll.u32 s17, $0x5;
	v13 =	vadd.f32 v7, v0;
	v4 =	vld.idx.msk [tilespmem:v2+s6+$0x0], $0xffff;
	(pc) =	sbr.rel @p1 .LBB2_33-.Ltmp19, $4  }
0x2c0: {  	s29 =	sadd.s32 $0x200, s29;
	s18 =	sshll.u32 s18, $0x4;
	s17 =	sadd.s32 s17, s26;
	v14 =	vmul.f32 $1.732050900e+01, v6;
	v6 =	vadd.f32 v5, v0;
	v7 =	vld.idx.msk [tilespmem:v3+s6+$0x0], $0xffff;
	[tilespmem:s31+$0x1C6A0] =	vst v12  }
0x2c1: {  	s10 =	sadd.s32 s10, s29;
	s18 =	sadd.s32 s18, s29;
	v5 =	vld.idx.msk [tilespmem:v1+s6+$0x0], $0xffff;
	[tilespmem:s0+$0x1C6A0] =	vst v13;
	s0 =	sor.u32 $0x300, s17;
	v2 =	vmov v8  }
0x2c2: {  	s31 =	sor.u32 $0x300, s10;
	s10 =	sadd.s32 $0x10, s18;
	v8 =	vadd.f32 v14, v0;
	s17 =	sadd.s32 $0x30, s18;
	[tilespmem:s0+$0x1C6A0] =	vst v6;
	v3 =	vmov v10  }
0x2c3: {  	s2 =	sadd.s32 $0x40, s2;
	s0 =	sor.u32 $0x300, s10;
	s10 =	sor.u32 $0x300, s17;
	v6 =	vld.idx.msk [tilespmem:v9+s6+$0x0], $0xffff;
	v1 =	vmov v11  }
0x2c4: {  	_ =	sdelay $0x3  }
0x2c5: {  	v2 =	vld.idx.msk [tilespmem:v2+s6+$0x0], $0xffff  }
0x2c6: {  	v4 =	vmul.f32 $1.732050900e+01, v4;
	p0 =	por !p0, !p0;
	s2 =	sadd.s32 $0x200, s26;
	s17 =	simm.s32 $0x1;
	v3 =	vld.idx.msk [tilespmem:v3+s6+$0x0], $0xffff  }
0x2c7: {  	s18 =	sadd.s32 $0x2, s25;
	s26 =	sadd.s32 $0x4, s28;
	v1 =	vld.idx.msk [tilespmem:v1+s6+$0x0], $0xffff;
	v7 =	vmul.f32 $1.732050900e+01, v7;
	s17 =	simm.s32 @!p0 $0x0  }
0x2c8: {  	s30 =	sand.u32 $0x3, s18;
	s25 =	sand.u32 $0x7, s26;
	s18 =	sadd.s32 $0x2, s18;
	v4 =	vadd.f32 v4, v0;
	v5 =	vmul.f32 $1.732050900e+01, v5  }
0x2c9: {  	[tilespmem:s10+$0x1C6A0] =	vst v8;
	s26 =	sshll.u32 s30, $0x5;
	s25 =	sshll.u32 s25, $0x4;
	s30 =	sadd.s32 $0x200, s29;
	v7 =	vadd.f32 v7, v0;
	v6 =	vmul.f32 $1.732050900e+01, v6  }
0x2ca: {  	s17 =	sshll.u32 s17, $0x6;
	s10 =	sadd.s32 s26, s2;
	s25 =	sadd.s32 s25, s30;
	[tilespmem:s31+$0x1C6A0] =	vst v4;
	v4 =	vadd.f32 v5, v0;
	v2 =	vmul.f32 $1.732050900e+01, v2  }
0x2cb: {  	s17 =	sadd.s32 s17, s30;
	s30 =	sor.u32 $0x300, s10;
	s31 =	sadd.s32 $0x30, s25;
	[tilespmem:s0+$0x1C6A0] =	vst v7;
	v3 =	vmul.f32 $1.732050900e+01, v3;
	v5 =	vadd.f32 v6, v0  }
0x2cc: {  	s2 =	sadd.s32 $0x200, s2;
	s26 =	sor.u32 $0x300, s31;
	v1 =	vmul.f32 $1.732050900e+01, v1;
	[tilespmem:s30+$0x1C6A0] =	vst v4;
	s30 =	sand.u32 $0x3, s18;
	v2 =	vadd.f32 v2, v0  }
0x2cd: {  	s17 =	sor.u32 $0x300, s17;
	s31 =	sadd.s32 $0x10, s25;
	s10 =	sshll.u32 s30, $0x5;
	v3 =	vadd.f32 v3, v0;
	[tilespmem:s26+$0x1C6A0] =	vst v5  }
0x2ce: {  	s25 =	sor.u32 $0x300, s31;
	v0 =	vadd.f32 v1, v0;
	s0 =	sadd.s32 s10, s2;
	[tilespmem:s17+$0x1C6A0] =	vst v2  }
0x2cf: {  	[tilespmem:s25+$0x1C6A0] =	vst v3;
	s0 =	sor.u32 $0x300, s0  }
0x2d0: {  	s26 =	simm.s32 $0x1A2D0;
	[tilespmem:s0+$0x1C6A0] =	vst v0  }
0x2d1: {  	v1 =	vld [tilespmem:s26+$0x0];
	_ =	sdelay $0x3  }
0x2d2: {  	v3 =	vld [tilespmem:s26+$0xFFFFFFD0]  }
0x2d3: {  	v5 =	vld [tilespmem:s26+$0xFFFFFFE0]  }
0x2d4: {  	s30 =	simm.s32 $0x1A310;
	v6 =	vld [tilespmem:s26+$0xFFFFFFF0]  }
0x2d5: {  	v9 =	vld [tilespmem:s30+$0x0]  }
0x2d6: {  	v8 =	vld.idx.msk [tilespmem:v1+s6+$0x0], $0xffff  }
0x2d7: {  	v0 =	vld [tilespmem:s24+$0x1E710]  }
0x2d8: {  	v2 =	vld [tilespmem:s30+$0xFFFFFFF0]  }
0x2d9: {  	v7 =	vld [tilespmem:s30+$0xFFFFFFD0]  }
0x2da: {  	v1 =	vld [tilespmem:s30+$0xFFFFFFE0]  }
0x2db: {  	v4 =	vld.idx.msk [tilespmem:v3+s6+$0x0], $0xffff;
	v8 =	vmul.f32 $1.732050900e+01, v8  }
0x2dc: {  	s28 =	simm.s32 $0x0;
	s25 =	simm.s32 $0x30;
	s24 =	simm.s32 $0x0;
	v5 =	vld.idx.msk [tilespmem:v5+s6+$0x0], $0xffff  }
0x2dd: {  	s29 =	simm.s32 $0x20;
	s2 =	simm.s32 $0x1A350;
	s31 =	sor.u32 s25, s24;
	v3 =	vld.idx.msk [tilespmem:v6+s6+$0x0], $0xffff;
	v8 =	vadd.f32 v8, v0  }
0x2de: {  	s0 =	simm.s32 $0x4;
	s26 =	simm.s32 $0x10;
	s10 =	sor.u32 $0x380, s31;
	v6 =	vld.idx.msk [tilespmem:v9+s6+$0x0], $0xffff  }
.LBB2_35:
0x2df: {  	v9 =	vld [tilespmem:s2+$0x0];
	s0 =	sadd.s32 $0x4, s0;
	s17 =	sor.u32 s28, s24;
	s18 =	sor.u32 s26, s24;
	[tilespmem:s10+$0x1C6A0] =	vst v8  }
0x2e0: {  	v4 =	vmul.f32 $1.732050900e+01, v4;
	v8 =	vld [tilespmem:s2+$0xFFFFFFE0];
	p0 =	slt.u32 s0, $0x3C;
	s10 =	sor.u32 $0x380, s17;
	s17 =	sor.u32 s29, s24  }
0x2e1: {  	v5 =	vmul.f32 $1.732050900e+01, v5;
	s18 =	sor.u32 $0x380, s18;
	v10 =	vld [tilespmem:s2+$0xFFFFFFF0];
	s17 =	sor.u32 $0x380, s17  }
0x2e2: {  	v12 =	vadd.f32 v4, v0;
	v3 =	vmul.f32 $1.732050900e+01, v3;
	v11 =	vld [tilespmem:s2+$0xFFFFFFD0]  }
.Ltmp20:
0x2e3: {  	v4 =	vld.idx.msk [tilespmem:v7+s6+$0x0], $0xffff;
	v7 =	vadd.f32 v5, v0;
	(pc) =	sbr.rel @p0 .LBB2_35-.Ltmp20, $4  }
0x2e4: {  	v6 =	vmul.f32 $1.732050900e+01, v6;
	v5 =	vld.idx.msk [tilespmem:v1+s6+$0x0], $0xffff;
	[tilespmem:s10+$0x1C6A0] =	vst v12;
	v12 =	vadd.f32 v3, v0  }
0x2e5: {  	s25 =	sadd.s32 $0x40, s25;
	s24 =	sadd.s32 $0x200, s24;
	v3 =	vld.idx.msk [tilespmem:v2+s6+$0x0], $0xffff;
	[tilespmem:s18+$0x1C6A0] =	vst v7;
	v1 =	vmov v8  }
0x2e6: {  	s28 =	sadd.s32 $0xFFFFFFD0, s25;
	s26 =	sadd.s32 $0xFFFFFFE0, s25;
	s10 =	sor.u32 s25, s24;
	v8 =	vadd.f32 v6, v0;
	[tilespmem:s17+$0x1C6A0] =	vst v12;
	v2 =	vmov v10  }
0x2e7: {  	s29 =	sadd.s32 $0xFFFFFFF0, s25;
	s2 =	sadd.s32 $0x40, s2;
	s10 =	sor.u32 $0x380, s10;
	v6 =	vld.idx.msk [tilespmem:v9+s6+$0x0], $0xffff;
	v7 =	vmov v11  }
0x2e8: {  	_ =	sdelay $0x3  }
0x2e9: {  	v7 =	vld.idx.msk [tilespmem:v7+s6+$0x0], $0xffff  }
0x2ea: {  	v4 =	vmul.f32 $1.732050900e+01, v4;
	v1 =	vld.idx.msk [tilespmem:v1+s6+$0x0], $0xffff  }
0x2eb: {  	v2 =	vld.idx.msk [tilespmem:v2+s6+$0x0], $0xffff;
	s0 =	sor.u32 s28, s24;
	v5 =	vmul.f32 $1.732050900e+01, v5  }
0x2ec: {  	s2 =	sor.u32 s26, s24;
	s30 =	sor.u32 s29, s24;
	s31 =	sadd.s32 $0x40, s25;
	v4 =	vadd.f32 v4, v0;
	v3 =	vmul.f32 $1.732050900e+01, v3  }
0x2ed: {  	[tilespmem:s10+$0x1C6A0] =	vst v8;
	s17 =	sadd.s32 $0x200, s24;
	s22 =	sadd.s32 $0x1, s22;
	s0 =	sor.u32 $0x380, s0;
	v5 =	vadd.f32 v5, v0;
	v6 =	vmul.f32 $1.732050900e+01, v6  }
0x2ee: {  	s2 =	sor.u32 $0x380, s2;
	s10 =	sor.u32 $0x380, s30;
	s24 =	sadd.s32 $0xFFFFFFD0, s31;
	[tilespmem:s0+$0x1C6A0] =	vst v4;
	v3 =	vadd.f32 v3, v0;
	v60 =	vmul.f32 $1.732050900e+01, v7  }
0x2ef: {  	s18 =	sor.u32 s31, s17;
	s25 =	sadd.s32 $0xFFFFFFE0, s31;
	p0 =	sne.s32 s22, $0xC;
	[tilespmem:s2+$0x1C6A0] =	vst v5;
	v1 =	vmul.f32 $1.732050900e+01, v1;
	v61 =	vadd.f32 v6, v0  }
0x2f0: {  	s26 =	sor.u32 $0x380, s18;
	s28 =	sor.u32 s25, s17;
	s2 =	sor.u32 s24, s17;
	v2 =	vmul.f32 $1.732050900e+01, v2;
	[tilespmem:s10+$0x1C6A0] =	vst v3;
	v62 =	vadd.f32 v60, v0  }
.Ltmp21:
0x2f1: {  	s0 =	sadd.s32 $0xFFFFFFF0, s31;
	s2 =	sor.u32 $0x380, s2;
	v1 =	vadd.f32 v1, v0;
	[tilespmem:s26+$0x1C6A0] =	vst v61;
	(pc) =	sbr.rel @p0 .LBB2_4-.Ltmp21, $4  }
0x2f2: {  	s29 =	sor.u32 $0x380, s28;
	s0 =	sor.u32 s0, s17;
	v63 =	vadd.f32 v2, v0;
	[tilespmem:s2+$0x1C6A0] =	vst v62  }
0x2f3: {  	s30 =	sshrl.u32 s23, $0x3;
	s0 =	sor.u32 $0x380, s0;
	[tilespmem:s29+$0x1C6A0] =	vst v1  }
0x2f4: {  	s31 =	sadd.s32 s5, s30;
	[tilespmem:s0+$0x1C6A0] =	vst v63  }
0x2f5: {  	[hbm4b:s31+s6] =	stream.linear.scatter [tilespmem:s16], [sflag:$0x2], $0x2000, $0x38;
	[tilespmem:$0x1F320] =	vst v63  }
0x2f6: {  	_ =	swait.ge [sflag:s14], $0x2000  }
0x2f7: {  	[sflag:s14] =	ssyncset.done $0x0  }
0x2f8: {  	s21 =	simm.s32 $0x0;
	[sflag:s14] =	ssyncadd.s32 $0xFFFFE000  }
0x2f9: {  	[tilespmem:s13], [sflag:$0x3] =	stream.linear.gather [hbm4b:s9+s21], $0x2000, $0x38;
	[tilespmem:$0x1F320] =	vst v63  }
0x2fa: {  	_ =	swait.ge [sflag:s11], $0x2000  }
0x2fb: {  	[sflag:s11] =	ssyncset.done $0x0  }
0x2fc: {  	[sflag:s11] =	ssyncadd.s32 $0xFFFFE000  }
0x2fd: {  	s0 =	simm.s32 $0x186C0;
	v0 =	vld [tilespmem:$0x1F2A0]  }
0x2fe: {  	v1 =	vld [tilespmem:s0+$0xFFFFFFE0]  }
0x2ff: {  	v2 =	vld [tilespmem:s0+$0x10]  }
0x300: {  	v3 =	vld [tilespmem:s0+$0x0]  }
0x301: {  	s26 =	simm.s32 $0x18700;
	v4 =	vld [tilespmem:s0+$0xFFFFFFF0]  }
0x302: {  	v5 =	vld [tilespmem:s26+$0xFFFFFFE0]  }
0x303: {  	v6 =	vld [tilespmem:s26+$0x10]  }
0x304: {  	v7 =	vld [tilespmem:s26+$0x0]  }
0x305: {  	v8 =	vld [tilespmem:s26+$0xFFFFFFF0]  }
0x306: {  	v1 =	vld.idx.msk [tilespmem:v1+s6+$0x0], $0xffff  }
0x307: {  	v9 =	vld.idx.msk [tilespmem:v2+s6+$0x0], $0xffff  }
0x308: {  	v10 =	vld.idx.msk [tilespmem:v3+s6+$0x0], $0xffff  }
0x309: {  	s28 =	simm.s32 $0x18740;
	v11 =	vld.idx.msk [tilespmem:v4+s6+$0x0], $0xffff  }
0x30a: {  	v4 =	vld [tilespmem:s28+$0xFFFFFFE0]  }
0x30b: {  	s2 =	sshrl.u32 s20, $0x3;
	v3 =	vld [tilespmem:s28+$0x10]  }
0x30c: {  	s22 =	simm.s32 $0x30;
	s23 =	simm.s32 $0x8;
	s30 =	simm.s32 $0x0;
	v2 =	vld [tilespmem:s28+$0x0];
	v12 =	vmul.f32 $1.732050900e+01, v1  }
0x30d: {  	s10 =	simm.s32 $0x10;
	s2 =	sadd.s32 s5, s2;
	s29 =	sand.u32 $0x1C00, s21;
	v1 =	vld [tilespmem:s28+$0xFFFFFFF0];
	v9 =	vmul.f32 $1.732050900e+01, v9  }
0x30e: {  	s20 =	sadd.s32 $0x6000, s2;
	s2 =	sand.u32 $0x40, s30;
	s17 =	sadd.s32 $0x1A6A0, s29;
	v5 =	vld.idx.msk [tilespmem:v5+s6+$0x0], $0xffff;
	v10 =	vmul.f32 $1.732050900e+01, v10;
	v12 =	vadd.f32 v12, v0  }
0x30f: {  	s18 =	simm.s32 $0x20;
	s31 =	sand.u32 $0x70, s22;
	s2 =	sor.u32 s2, s17;
	v6 =	vld.idx.msk [tilespmem:v6+s6+$0x0], $0xffff;
	v11 =	vmul.f32 $1.732050900e+01, v11;
	v13 =	vadd.f32 v9, v0  }
0x310: {  	s10 =	sand.u32 $0x50, s10;
	s18 =	sand.u32 $0x60, s18;
	s24 =	sadd.s32 s31, s17;
	v7 =	vld.idx.msk [tilespmem:v7+s6+$0x0], $0xffff;
	v10 =	vadd.f32 v10, v0;
	[tilespmem:s2+$0x0] =	vst v12  }
0x311: {  	s0 =	simm.s32 $0x18780;
	v8 =	vld.idx.msk [tilespmem:v8+s6+$0x0], $0xffff;
	v9 =	vadd.f32 v11, v0;
	s2 =	sor.u32 s10, s17;
	s10 =	sadd.s32 s18, s17;
	[tilespmem:s24+$0x0] =	vst v13  }
.LBB2_38:
0x312: {  	v11 =	vld [tilespmem:s0+$0xFFFFFFE0];
	s23 =	sadd.s32 $0x4, s23;
	[tilespmem:s10+$0x0] =	vst v10;
	s22 =	sadd.s32 $0x40, s22;
	s21 =	sadd.s32 $0x200, s21;
	v12 =	vmov v1  }
0x313: {  	v13 =	vld [tilespmem:s0+$0x10];
	p0 =	slt.u32 s23, $0x3C;
	[tilespmem:s2+$0x0] =	vst v9  }
0x314: {  	v9 =	vmul.f32 $1.732050900e+01, v5;
	s2 =	sadd.s32 $0xFFFFFFE0, s22;
	s10 =	sand.u32 $0x70, s22;
	s17 =	sand.u32 $0x1C00, s21;
	v14 =	vld [tilespmem:s0+$0x0]  }
.Ltmp22:
0x315: {  	s18 =	sadd.s32 $0xFFFFFFD0, s22;
	v10 =	vmul.f32 $1.732050900e+01, v6;
	v1 =	vld [tilespmem:s0+$0xFFFFFFF0];
	(pc) =	sbr.rel @p0 .LBB2_38-.Ltmp22, $4  }
0x316: {  	s18 =	sand.u32 $0x40, s18;
	s17 =	sadd.s32 $0x1A6A0, s17;
	s2 =	sand.u32 $0x50, s2;
	v9 =	vadd.f32 v9, v0;
	v15 =	vmul.f32 $1.732050900e+01, v7;
	v5 =	vld.idx.msk [tilespmem:v4+s6+$0x0], $0xffff  }
0x317: {  	s24 =	sadd.s32 $0xFFFFFFF0, s22;
	s18 =	sor.u32 s18, s17;
	s2 =	sor.u32 s2, s17;
	v16 =	vmul.f32 $1.732050900e+01, v8;
	v17 =	vadd.f32 v10, v0;
	v6 =	vld.idx.msk [tilespmem:v3+s6+$0x0], $0xffff;
	v4 =	vmov v11  }
0x318: {  	v10 =	vadd.f32 v15, v0;
	v7 =	vld.idx.msk [tilespmem:v2+s6+$0x0], $0xffff;
	[tilespmem:s18+$0x0] =	vst v9;
	s18 =	sand.u32 $0x60, s24;
	s24 =	sadd.s32 s10, s17;
	v3 =	vmov v13  }
0x319: {  	s0 =	sadd.s32 $0x40, s0;
	v9 =	vadd.f32 v16, v0;
	v8 =	vld.idx.msk [tilespmem:v12+s6+$0x0], $0xffff;
	s10 =	sadd.s32 s18, s17;
	[tilespmem:s24+$0x0] =	vst v17;
	v2 =	vmov v14  }
0x31a: {  	_ =	sdelay $0x3  }
0x31b: {  	v4 =	vld.idx.msk [tilespmem:v4+s6+$0x0], $0xffff  }
0x31c: {  	s0 =	sadd.s32 $0x40, s22;
	v3 =	vld.idx.msk [tilespmem:v3+s6+$0x0], $0xffff  }
0x31d: {  	s17 =	sadd.s32 $0x200, s21;
	v2 =	vld.idx.msk [tilespmem:v2+s6+$0x0], $0xffff;
	v5 =	vmul.f32 $1.732050900e+01, v5;
	s18 =	sadd.s32 $0xFFFFFFE0, s0;
	s28 =	sand.u32 $0x70, s0  }
0x31e: {  	v1 =	vld.idx.msk [tilespmem:v1+s6+$0x0], $0xffff;
	s29 =	sand.u32 $0x1C00, s17;
	s23 =	sadd.s32 $0xFFFFFFD0, s0;
	s31 =	sadd.s32 $0xFFFFFFF0, s0;
	v6 =	vmul.f32 $1.732050900e+01, v6  }
0x31f: {  	[tilespmem:s10+$0x0] =	vst v10;
	s0 =	sadd.s32 $0x40, s0;
	s30 =	sand.u32 $0x40, s23;
	s22 =	sadd.s32 $0x1A6A0, s29;
	v5 =	vadd.f32 v5, v0;
	v7 =	vmul.f32 $1.732050900e+01, v7  }
0x320: {  	[tilespmem:s2+$0x0] =	vst v9;
	s17 =	sadd.s32 $0x200, s17;
	s24 =	sand.u32 $0x50, s18;
	s10 =	sor.u32 s30, s22;
	v8 =	vmul.f32 $1.732050900e+01, v8;
	v6 =	vadd.f32 v6, v0  }
0x321: {  	s25 =	sand.u32 $0x60, s31;
	s29 =	sadd.s32 $0xFFFFFFD0, s0;
	s26 =	sadd.s32 s28, s22;
	[tilespmem:s10+$0x0] =	vst v5;
	v5 =	vadd.f32 v7, v0;
	v4 =	vmul.f32 $1.732050900e+01, v4  }
0x322: {  	s31 =	sadd.s32 $0xFFFFFFF0, s0;
	s18 =	sadd.s32 s25, s22;
	s28 =	sand.u32 $0x1C00, s17;
	v3 =	vmul.f32 $1.732050900e+01, v3;
	v7 =	vadd.f32 v8, v0;
	[tilespmem:s26+$0x0] =	vst v6  }
0x323: {  	s2 =	sor.u32 s24, s22;
	s17 =	sand.u32 $0x40, s29;
	s10 =	sadd.s32 $0x1A6A0, s28;
	v2 =	vmul.f32 $1.732050900e+01, v2;
	v1 =	vmul.f32 $1.732050900e+01, v1;
	[tilespmem:s18+$0x0] =	vst v5;
	v4 =	vadd.f32 v4, v0  }
0x324: {  	s30 =	sand.u32 $0x70, s0;
	s0 =	sadd.s32 $0xFFFFFFE0, s0;
	s17 =	sor.u32 s17, s10;
	v3 =	vadd.f32 v3, v0;
	[tilespmem:s2+$0x0] =	vst v7  }
0x325: {  	s0 =	sand.u32 $0x50, s0;
	v2 =	vadd.f32 v2, v0;
	v0 =	vadd.f32 v1, v0;
	s2 =	sadd.s32 s30, s10;
	[tilespmem:s17+$0x0] =	vst v4  }
0x326: {  	s21 =	sand.u32 $0x60, s31;
	s0 =	sor.u32 s0, s10;
	[tilespmem:s2+$0x0] =	vst v3  }
0x327: {  	s17 =	sadd.s32 s21, s10;
	[tilespmem:s0+$0x0] =	vst v0  }
0x328: {  	[tilespmem:s17+$0x0] =	vst v2  }
0x329: {  	s22 =	simm.s32 $0x18AD0;
	v0 =	vld [tilespmem:$0x1F2B0]  }
0x32a: {  	v1 =	vld [tilespmem:s22+$0xFFFFFFD0]  }
0x32b: {  	v2 =	vld [tilespmem:s22+$0x0]  }
0x32c: {  	v3 =	vld [tilespmem:s22+$0xFFFFFFF0]  }
0x32d: {  	s23 =	simm.s32 $0x18B10;
	v4 =	vld [tilespmem:s22+$0xFFFFFFE0]  }
0x32e: {  	v5 =	vld [tilespmem:s23+$0xFFFFFFD0]  }
0x32f: {  	v6 =	vld [tilespmem:s23+$0x0]  }
0x330: {  	v7 =	vld [tilespmem:s23+$0xFFFFFFF0]  }
0x331: {  	v8 =	vld [tilespmem:s23+$0xFFFFFFE0]  }
0x332: {  	v1 =	vld.idx.msk [tilespmem:v1+s6+$0x0], $0xffff  }
0x333: {  	v9 =	vld.idx.msk [tilespmem:v2+s6+$0x0], $0xffff  }
0x334: {  	v10 =	vld.idx.msk [tilespmem:v3+s6+$0x0], $0xffff  }
0x335: {  	s24 =	simm.s32 $0x18B50;
	v11 =	vld.idx.msk [tilespmem:v4+s6+$0x0], $0xffff  }
0x336: {  	v4 =	vld [tilespmem:s24+$0xFFFFFFD0]  }
0x337: {  	v3 =	vld [tilespmem:s24+$0x0]  }
0x338: {  	s25 =	simm.s32 $0x0;
	s21 =	simm.s32 $0x0;
	v2 =	vld [tilespmem:s24+$0xFFFFFFF0];
	v12 =	vmul.f32 $1.732050900e+01, v1  }
0x339: {  	s31 =	simm.s32 $0x20;
	s28 =	simm.s32 $0x10;
	s26 =	sand.u32 $0x1C00, s21;
	v1 =	vld [tilespmem:s24+$0xFFFFFFE0];
	v9 =	vmul.f32 $1.732050900e+01, v9  }
0x33a: {  	s2 =	sand.u32 $0x40, s25;
	s22 =	simm.s32 $0x30;
	s29 =	sadd.s32 $0x1A6A0, s26;
	v5 =	vld.idx.msk [tilespmem:v5+s6+$0x0], $0xffff;
	v10 =	vmul.f32 $1.732050900e+01, v10;
	v12 =	vadd.f32 v12, v0  }
0x33b: {  	s18 =	sand.u32 $0x60, s31;
	s30 =	sand.u32 $0x70, s22;
	s2 =	sor.u32 s2, s29;
	v6 =	vld.idx.msk [tilespmem:v6+s6+$0x0], $0xffff;
	v11 =	vmul.f32 $1.732050900e+01, v11;
	v13 =	vadd.f32 v9, v0  }
0x33c: {  	s10 =	sand.u32 $0x50, s28;
	s0 =	simm.s32 $0x18B90;
	v7 =	vld.idx.msk [tilespmem:v7+s6+$0x0], $0xffff;
	s24 =	sadd.s32 s30, s29;
	v10 =	vadd.f32 v10, v0;
	[tilespmem:s2+$0x80] =	vst v12  }
0x33d: {  	s23 =	simm.s32 $0x8;
	v8 =	vld.idx.msk [tilespmem:v8+s6+$0x0], $0xffff;
	v9 =	vadd.f32 v11, v0;
	s2 =	sor.u32 s10, s29;
	s10 =	sadd.s32 s18, s29;
	[tilespmem:s24+$0x80] =	vst v13  }
.LBB2_40:
0x33e: {  	v11 =	vld [tilespmem:s0+$0xFFFFFFD0];
	s23 =	sadd.s32 $0x4, s23;
	[tilespmem:s10+$0x80] =	vst v10;
	s22 =	sadd.s32 $0x40, s22;
	s21 =	sadd.s32 $0x200, s21;
	v12 =	vmov v1  }
0x33f: {  	v13 =	vld [tilespmem:s0+$0x0];
	p0 =	slt.u32 s23, $0x3C;
	[tilespmem:s2+$0x80] =	vst v9;
	s2 =	sadd.s32 $0xFFFFFFD0, s22  }
0x340: {  	v9 =	vmul.f32 $1.732050900e+01, v5;
	s10 =	sadd.s32 $0xFFFFFFE0, s22;
	s17 =	sand.u32 $0x1C00, s21;
	v14 =	vld [tilespmem:s0+$0xFFFFFFF0]  }
.Ltmp23:
0x341: {  	s10 =	sand.u32 $0x50, s10;
	v10 =	vmul.f32 $1.732050900e+01, v6;
	v1 =	vld [tilespmem:s0+$0xFFFFFFE0];
	(pc) =	sbr.rel @p0 .LBB2_40-.Ltmp23, $4  }
0x342: {  	s18 =	sand.u32 $0x70, s22;
	s2 =	sand.u32 $0x40, s2;
	s17 =	sadd.s32 $0x1A6A0, s17;
	v9 =	vadd.f32 v9, v0;
	v15 =	vmul.f32 $1.732050900e+01, v7;
	v5 =	vld.idx.msk [tilespmem:v4+s6+$0x0], $0xffff  }
0x343: {  	s24 =	sor.u32 s2, s17;
	s2 =	sor.u32 s10, s17;
	s10 =	sadd.s32 $0xFFFFFFF0, s22;
	v16 =	vmul.f32 $1.732050900e+01, v8;
	v17 =	vadd.f32 v10, v0;
	v6 =	vld.idx.msk [tilespmem:v3+s6+$0x0], $0xffff;
	v4 =	vmov v11  }
0x344: {  	s18 =	sadd.s32 s18, s17;
	s10 =	sand.u32 $0x60, s10;
	v10 =	vadd.f32 v15, v0;
	v7 =	vld.idx.msk [tilespmem:v2+s6+$0x0], $0xffff;
	[tilespmem:s24+$0x80] =	vst v9;
	v3 =	vmov v13  }
0x345: {  	s0 =	sadd.s32 $0x40, s0;
	s10 =	sadd.s32 s10, s17;
	v9 =	vadd.f32 v16, v0;
	v8 =	vld.idx.msk [tilespmem:v12+s6+$0x0], $0xffff;
	[tilespmem:s18+$0x80] =	vst v17;
	v2 =	vmov v14  }
0x346: {  	_ =	sdelay $0x3  }
0x347: {  	v4 =	vld.idx.msk [tilespmem:v4+s6+$0x0], $0xffff  }
0x348: {  	s0 =	sadd.s32 $0x40, s22;
	v3 =	vld.idx.msk [tilespmem:v3+s6+$0x0], $0xffff  }
0x349: {  	s17 =	sadd.s32 $0x200, s21;
	v2 =	vld.idx.msk [tilespmem:v2+s6+$0x0], $0xffff;
	v5 =	vmul.f32 $1.732050900e+01, v5;
	s18 =	sadd.s32 $0xFFFFFFE0, s0;
	s30 =	sadd.s32 $0xFFFFFFD0, s0  }
0x34a: {  	v1 =	vld.idx.msk [tilespmem:v1+s6+$0x0], $0xffff;
	s31 =	sand.u32 $0x1C00, s17;
	s24 =	sadd.s32 $0xFFFFFFF0, s0;
	s25 =	sand.u32 $0x70, s0;
	v6 =	vmul.f32 $1.732050900e+01, v6  }
0x34b: {  	[tilespmem:s10+$0x80] =	vst v10;
	s0 =	sadd.s32 $0x40, s0;
	s21 =	sand.u32 $0x40, s30;
	s23 =	sadd.s32 $0x1A6A0, s31;
	v5 =	vadd.f32 v5, v0;
	v7 =	vmul.f32 $1.732050900e+01, v7  }
0x34c: {  	[tilespmem:s2+$0x80] =	vst v9;
	s26 =	sadd.s32 $0x200, s17;
	s18 =	sand.u32 $0x50, s18;
	s10 =	sor.u32 s21, s23;
	v8 =	vmul.f32 $1.732050900e+01, v8;
	v6 =	vadd.f32 v6, v0  }
0x34d: {  	s22 =	sand.u32 $0x60, s24;
	s29 =	sadd.s32 $0xFFFFFFD0, s0;
	s2 =	sadd.s32 s25, s23;
	[tilespmem:s10+$0x80] =	vst v5;
	v5 =	vadd.f32 v7, v0;
	v4 =	vmul.f32 $1.732050900e+01, v4  }
0x34e: {  	s30 =	sand.u32 $0x70, s0;
	s28 =	sadd.s32 s22, s23;
	s10 =	sand.u32 $0x1C00, s26;
	v3 =	vmul.f32 $1.732050900e+01, v3;
	v7 =	vadd.f32 v8, v0;
	[tilespmem:s2+$0x80] =	vst v6  }
0x34f: {  	s18 =	sor.u32 s18, s23;
	v2 =	vmul.f32 $1.732050900e+01, v2;
	v1 =	vmul.f32 $1.732050900e+01, v1;
	s2 =	sand.u32 $0x40, s29;
	s10 =	sadd.s32 $0x1A6A0, s10;
	[tilespmem:s28+$0x80] =	vst v5;
	v4 =	vadd.f32 v4, v0  }
0x350: {  	s31 =	sadd.s32 $0xFFFFFFF0, s0;
	s0 =	sadd.s32 $0xFFFFFFE0, s0;
	s2 =	sor.u32 s2, s10;
	v3 =	vadd.f32 v3, v0;
	[tilespmem:s18+$0x80] =	vst v7  }
0x351: {  	s0 =	sand.u32 $0x50, s0;
	v2 =	vadd.f32 v2, v0;
	s17 =	sadd.s32 s30, s10;
	v0 =	vadd.f32 v1, v0;
	[tilespmem:s2+$0x80] =	vst v4  }
0x352: {  	s21 =	sand.u32 $0x60, s31;
	s0 =	sor.u32 s0, s10;
	[tilespmem:s17+$0x80] =	vst v3  }
0x353: {  	s2 =	sadd.s32 s21, s10;
	[tilespmem:s0+$0x80] =	vst v0  }
0x354: {  	[tilespmem:s2+$0x80] =	vst v2  }
0x355: {  	s22 =	simm.s32 $0x18ED0;
	v0 =	vld [tilespmem:$0x1F2C0]  }
0x356: {  	v1 =	vld [tilespmem:s22+$0xFFFFFFD0]  }
0x357: {  	v2 =	vld [tilespmem:s22+$0x0]  }
0x358: {  	v3 =	vld [tilespmem:s22+$0xFFFFFFF0]  }
0x359: {  	s23 =	simm.s32 $0x18F10;
	v4 =	vld [tilespmem:s22+$0xFFFFFFE0]  }
0x35a: {  	v5 =	vld [tilespmem:s23+$0xFFFFFFD0]  }
0x35b: {  	v6 =	vld [tilespmem:s23+$0x0]  }
0x35c: {  	v7 =	vld [tilespmem:s23+$0xFFFFFFF0]  }
0x35d: {  	v8 =	vld [tilespmem:s23+$0xFFFFFFE0]  }
0x35e: {  	v1 =	vld.idx.msk [tilespmem:v1+s6+$0x0], $0xffff  }
0x35f: {  	v9 =	vld.idx.msk [tilespmem:v2+s6+$0x0], $0xffff  }
0x360: {  	v10 =	vld.idx.msk [tilespmem:v3+s6+$0x0], $0xffff  }
0x361: {  	s24 =	simm.s32 $0x18F50;
	v11 =	vld.idx.msk [tilespmem:v4+s6+$0x0], $0xffff  }
0x362: {  	v4 =	vld [tilespmem:s24+$0xFFFFFFD0]  }
0x363: {  	v3 =	vld [tilespmem:s24+$0x0]  }
0x364: {  	s25 =	simm.s32 $0x0;
	s21 =	simm.s32 $0x0;
	v2 =	vld [tilespmem:s24+$0xFFFFFFF0];
	v12 =	vmul.f32 $1.732050900e+01, v1  }
0x365: {  	s31 =	simm.s32 $0x20;
	s28 =	simm.s32 $0x10;
	s26 =	sand.u32 $0x1C00, s21;
	v1 =	vld [tilespmem:s24+$0xFFFFFFE0];
	v9 =	vmul.f32 $1.732050900e+01, v9  }
0x366: {  	s2 =	sand.u32 $0x40, s25;
	s22 =	simm.s32 $0x30;
	s29 =	sadd.s32 $0x1A6A0, s26;
	v5 =	vld.idx.msk [tilespmem:v5+s6+$0x0], $0xffff;
	v10 =	vmul.f32 $1.732050900e+01, v10;
	v12 =	vadd.f32 v12, v0  }
0x367: {  	s18 =	sand.u32 $0x60, s31;
	s30 =	sand.u32 $0x70, s22;
	s2 =	sor.u32 s2, s29;
	v6 =	vld.idx.msk [tilespmem:v6+s6+$0x0], $0xffff;
	v11 =	vmul.f32 $1.732050900e+01, v11;
	v13 =	vadd.f32 v9, v0  }
0x368: {  	s10 =	sand.u32 $0x50, s28;
	s0 =	simm.s32 $0x18F90;
	v7 =	vld.idx.msk [tilespmem:v7+s6+$0x0], $0xffff;
	s24 =	sadd.s32 s30, s29;
	v10 =	vadd.f32 v10, v0;
	[tilespmem:s2+$0x100] =	vst v12  }
0x369: {  	s23 =	simm.s32 $0x8;
	v8 =	vld.idx.msk [tilespmem:v8+s6+$0x0], $0xffff;
	v9 =	vadd.f32 v11, v0;
	s2 =	sor.u32 s10, s29;
	s10 =	sadd.s32 s18, s29;
	[tilespmem:s24+$0x100] =	vst v13  }
.LBB2_42:
0x36a: {  	v11 =	vld [tilespmem:s0+$0xFFFFFFD0];
	s23 =	sadd.s32 $0x4, s23;
	[tilespmem:s10+$0x100] =	vst v10;
	s22 =	sadd.s32 $0x40, s22;
	s21 =	sadd.s32 $0x200, s21;
	v12 =	vmov v1  }
0x36b: {  	v13 =	vld [tilespmem:s0+$0x0];
	p0 =	slt.u32 s23, $0x3C;
	[tilespmem:s2+$0x100] =	vst v9;
	s2 =	sadd.s32 $0xFFFFFFD0, s22  }
0x36c: {  	v9 =	vmul.f32 $1.732050900e+01, v5;
	s10 =	sadd.s32 $0xFFFFFFE0, s22;
	s17 =	sand.u32 $0x1C00, s21;
	v14 =	vld [tilespmem:s0+$0xFFFFFFF0]  }
.Ltmp24:
0x36d: {  	s10 =	sand.u32 $0x50, s10;
	v10 =	vmul.f32 $1.732050900e+01, v6;
	v1 =	vld [tilespmem:s0+$0xFFFFFFE0];
	(pc) =	sbr.rel @p0 .LBB2_42-.Ltmp24, $4  }
0x36e: {  	s18 =	sand.u32 $0x70, s22;
	s2 =	sand.u32 $0x40, s2;
	s17 =	sadd.s32 $0x1A6A0, s17;
	v9 =	vadd.f32 v9, v0;
	v15 =	vmul.f32 $1.732050900e+01, v7;
	v5 =	vld.idx.msk [tilespmem:v4+s6+$0x0], $0xffff  }
0x36f: {  	s24 =	sor.u32 s2, s17;
	s2 =	sor.u32 s10, s17;
	s10 =	sadd.s32 $0xFFFFFFF0, s22;
	v16 =	vmul.f32 $1.732050900e+01, v8;
	v17 =	vadd.f32 v10, v0;
	v6 =	vld.idx.msk [tilespmem:v3+s6+$0x0], $0xffff;
	v4 =	vmov v11  }
0x370: {  	s18 =	sadd.s32 s18, s17;
	s10 =	sand.u32 $0x60, s10;
	v10 =	vadd.f32 v15, v0;
	v7 =	vld.idx.msk [tilespmem:v2+s6+$0x0], $0xffff;
	[tilespmem:s24+$0x100] =	vst v9;
	v3 =	vmov v13  }
0x371: {  	s0 =	sadd.s32 $0x40, s0;
	s10 =	sadd.s32 s10, s17;
	v9 =	vadd.f32 v16, v0;
	v8 =	vld.idx.msk [tilespmem:v12+s6+$0x0], $0xffff;
	[tilespmem:s18+$0x100] =	vst v17;
	v2 =	vmov v14  }
0x372: {  	_ =	sdelay $0x3  }
0x373: {  	v4 =	vld.idx.msk [tilespmem:v4+s6+$0x0], $0xffff  }
0x374: {  	s0 =	sadd.s32 $0x40, s22;
	v3 =	vld.idx.msk [tilespmem:v3+s6+$0x0], $0xffff  }
0x375: {  	s17 =	sadd.s32 $0x200, s21;
	v2 =	vld.idx.msk [tilespmem:v2+s6+$0x0], $0xffff;
	v5 =	vmul.f32 $1.732050900e+01, v5;
	s18 =	sadd.s32 $0xFFFFFFE0, s0;
	s30 =	sadd.s32 $0xFFFFFFD0, s0  }
0x376: {  	v1 =	vld.idx.msk [tilespmem:v1+s6+$0x0], $0xffff;
	s31 =	sand.u32 $0x1C00, s17;
	s24 =	sadd.s32 $0xFFFFFFF0, s0;
	s25 =	sand.u32 $0x70, s0;
	v6 =	vmul.f32 $1.732050900e+01, v6  }
0x377: {  	[tilespmem:s10+$0x100] =	vst v10;
	s0 =	sadd.s32 $0x40, s0;
	s21 =	sand.u32 $0x40, s30;
	s23 =	sadd.s32 $0x1A6A0, s31;
	v5 =	vadd.f32 v5, v0;
	v7 =	vmul.f32 $1.732050900e+01, v7  }
0x378: {  	[tilespmem:s2+$0x100] =	vst v9;
	s26 =	sadd.s32 $0x200, s17;
	s18 =	sand.u32 $0x50, s18;
	s10 =	sor.u32 s21, s23;
	v8 =	vmul.f32 $1.732050900e+01, v8;
	v6 =	vadd.f32 v6, v0  }
0x379: {  	s22 =	sand.u32 $0x60, s24;
	s29 =	sadd.s32 $0xFFFFFFD0, s0;
	s2 =	sadd.s32 s25, s23;
	[tilespmem:s10+$0x100] =	vst v5;
	v5 =	vadd.f32 v7, v0;
	v4 =	vmul.f32 $1.732050900e+01, v4  }
0x37a: {  	s30 =	sand.u32 $0x70, s0;
	s28 =	sadd.s32 s22, s23;
	s10 =	sand.u32 $0x1C00, s26;
	v3 =	vmul.f32 $1.732050900e+01, v3;
	v7 =	vadd.f32 v8, v0;
	[tilespmem:s2+$0x100] =	vst v6  }
0x37b: {  	s18 =	sor.u32 s18, s23;
	v2 =	vmul.f32 $1.732050900e+01, v2;
	v1 =	vmul.f32 $1.732050900e+01, v1;
	s2 =	sand.u32 $0x40, s29;
	s10 =	sadd.s32 $0x1A6A0, s10;
	[tilespmem:s28+$0x100] =	vst v5;
	v4 =	vadd.f32 v4, v0  }
0x37c: {  	s31 =	sadd.s32 $0xFFFFFFF0, s0;
	s0 =	sadd.s32 $0xFFFFFFE0, s0;
	s2 =	sor.u32 s2, s10;
	v3 =	vadd.f32 v3, v0;
	[tilespmem:s18+$0x100] =	vst v7  }
0x37d: {  	s0 =	sand.u32 $0x50, s0;
	v2 =	vadd.f32 v2, v0;
	s17 =	sadd.s32 s30, s10;
	v0 =	vadd.f32 v1, v0;
	[tilespmem:s2+$0x100] =	vst v4  }
0x37e: {  	s21 =	sand.u32 $0x60, s31;
	s0 =	sor.u32 s0, s10;
	[tilespmem:s17+$0x100] =	vst v3  }
0x37f: {  	s2 =	sadd.s32 s21, s10;
	[tilespmem:s0+$0x100] =	vst v0  }
0x380: {  	[tilespmem:s2+$0x100] =	vst v2  }
0x381: {  	s22 =	simm.s32 $0x192D0;
	v0 =	vld [tilespmem:$0x1F2D0]  }
0x382: {  	v1 =	vld [tilespmem:s22+$0xFFFFFFD0]  }
0x383: {  	v2 =	vld [tilespmem:s22+$0x0]  }
0x384: {  	v3 =	vld [tilespmem:s22+$0xFFFFFFF0]  }
0x385: {  	s23 =	simm.s32 $0x19310;
	v4 =	vld [tilespmem:s22+$0xFFFFFFE0]  }
0x386: {  	v5 =	vld [tilespmem:s23+$0xFFFFFFD0]  }
0x387: {  	v6 =	vld [tilespmem:s23+$0x0]  }
0x388: {  	v7 =	vld [tilespmem:s23+$0xFFFFFFF0]  }
0x389: {  	v8 =	vld [tilespmem:s23+$0xFFFFFFE0]  }
0x38a: {  	v1 =	vld.idx.msk [tilespmem:v1+s6+$0x0], $0xffff  }
0x38b: {  	v9 =	vld.idx.msk [tilespmem:v2+s6+$0x0], $0xffff  }
0x38c: {  	v10 =	vld.idx.msk [tilespmem:v3+s6+$0x0], $0xffff  }
0x38d: {  	s24 =	simm.s32 $0x19350;
	v11 =	vld.idx.msk [tilespmem:v4+s6+$0x0], $0xffff  }
0x38e: {  	v4 =	vld [tilespmem:s24+$0xFFFFFFD0]  }
0x38f: {  	v3 =	vld [tilespmem:s24+$0x0]  }
0x390: {  	s25 =	simm.s32 $0x0;
	s21 =	simm.s32 $0x0;
	v2 =	vld [tilespmem:s24+$0xFFFFFFF0];
	v12 =	vmul.f32 $1.732050900e+01, v1  }
0x391: {  	s31 =	simm.s32 $0x20;
	s28 =	simm.s32 $0x10;
	s26 =	sand.u32 $0x1C00, s21;
	v1 =	vld [tilespmem:s24+$0xFFFFFFE0];
	v9 =	vmul.f32 $1.732050900e+01, v9  }
0x392: {  	s2 =	sand.u32 $0x40, s25;
	s22 =	simm.s32 $0x30;
	s29 =	sadd.s32 $0x1A6A0, s26;
	v5 =	vld.idx.msk [tilespmem:v5+s6+$0x0], $0xffff;
	v10 =	vmul.f32 $1.732050900e+01, v10;
	v12 =	vadd.f32 v12, v0  }
0x393: {  	s18 =	sand.u32 $0x60, s31;
	s30 =	sand.u32 $0x70, s22;
	s2 =	sor.u32 s2, s29;
	v6 =	vld.idx.msk [tilespmem:v6+s6+$0x0], $0xffff;
	v11 =	vmul.f32 $1.732050900e+01, v11;
	v13 =	vadd.f32 v9, v0  }
0x394: {  	s10 =	sand.u32 $0x50, s28;
	s0 =	simm.s32 $0x19390;
	v7 =	vld.idx.msk [tilespmem:v7+s6+$0x0], $0xffff;
	s24 =	sadd.s32 s30, s29;
	v10 =	vadd.f32 v10, v0;
	[tilespmem:s2+$0x180] =	vst v12  }
0x395: {  	s23 =	simm.s32 $0x8;
	v8 =	vld.idx.msk [tilespmem:v8+s6+$0x0], $0xffff;
	v9 =	vadd.f32 v11, v0;
	s2 =	sor.u32 s10, s29;
	s10 =	sadd.s32 s18, s29;
	[tilespmem:s24+$0x180] =	vst v13  }
.LBB2_44:
0x396: {  	v11 =	vld [tilespmem:s0+$0xFFFFFFD0];
	s23 =	sadd.s32 $0x4, s23;
	[tilespmem:s10+$0x180] =	vst v10;
	s22 =	sadd.s32 $0x40, s22;
	s21 =	sadd.s32 $0x200, s21;
	v12 =	vmov v1  }
0x397: {  	v13 =	vld [tilespmem:s0+$0x0];
	p0 =	slt.u32 s23, $0x3C;
	[tilespmem:s2+$0x180] =	vst v9;
	s2 =	sadd.s32 $0xFFFFFFD0, s22  }
0x398: {  	v9 =	vmul.f32 $1.732050900e+01, v5;
	s10 =	sadd.s32 $0xFFFFFFE0, s22;
	s17 =	sand.u32 $0x1C00, s21;
	v14 =	vld [tilespmem:s0+$0xFFFFFFF0]  }
.Ltmp25:
0x399: {  	s10 =	sand.u32 $0x50, s10;
	v10 =	vmul.f32 $1.732050900e+01, v6;
	v1 =	vld [tilespmem:s0+$0xFFFFFFE0];
	(pc) =	sbr.rel @p0 .LBB2_44-.Ltmp25, $4  }
0x39a: {  	s18 =	sand.u32 $0x70, s22;
	s2 =	sand.u32 $0x40, s2;
	s17 =	sadd.s32 $0x1A6A0, s17;
	v9 =	vadd.f32 v9, v0;
	v15 =	vmul.f32 $1.732050900e+01, v7;
	v5 =	vld.idx.msk [tilespmem:v4+s6+$0x0], $0xffff  }
0x39b: {  	s24 =	sor.u32 s2, s17;
	s2 =	sor.u32 s10, s17;
	s10 =	sadd.s32 $0xFFFFFFF0, s22;
	v16 =	vmul.f32 $1.732050900e+01, v8;
	v17 =	vadd.f32 v10, v0;
	v6 =	vld.idx.msk [tilespmem:v3+s6+$0x0], $0xffff;
	v4 =	vmov v11  }
0x39c: {  	s18 =	sadd.s32 s18, s17;
	s10 =	sand.u32 $0x60, s10;
	v10 =	vadd.f32 v15, v0;
	v7 =	vld.idx.msk [tilespmem:v2+s6+$0x0], $0xffff;
	[tilespmem:s24+$0x180] =	vst v9;
	v3 =	vmov v13  }
0x39d: {  	s0 =	sadd.s32 $0x40, s0;
	s10 =	sadd.s32 s10, s17;
	v9 =	vadd.f32 v16, v0;
	v8 =	vld.idx.msk [tilespmem:v12+s6+$0x0], $0xffff;
	[tilespmem:s18+$0x180] =	vst v17;
	v2 =	vmov v14  }
0x39e: {  	_ =	sdelay $0x3  }
0x39f: {  	v4 =	vld.idx.msk [tilespmem:v4+s6+$0x0], $0xffff  }
0x3a0: {  	s0 =	sadd.s32 $0x40, s22;
	v3 =	vld.idx.msk [tilespmem:v3+s6+$0x0], $0xffff  }
0x3a1: {  	s17 =	sadd.s32 $0x200, s21;
	v2 =	vld.idx.msk [tilespmem:v2+s6+$0x0], $0xffff;
	v5 =	vmul.f32 $1.732050900e+01, v5;
	s18 =	sadd.s32 $0xFFFFFFE0, s0;
	s22 =	sadd.s32 $0xFFFFFFD0, s0  }
0x3a2: {  	v1 =	vld.idx.msk [tilespmem:v1+s6+$0x0], $0xffff;
	s23 =	sand.u32 $0x1C00, s17;
	s26 =	sadd.s32 $0xFFFFFFF0, s0;
	s28 =	sand.u32 $0x70, s0;
	v6 =	vmul.f32 $1.732050900e+01, v6  }
0x3a3: {  	[tilespmem:s10+$0x180] =	vst v10;
	s0 =	sadd.s32 $0x40, s0;
	s24 =	sand.u32 $0x40, s22;
	s25 =	sadd.s32 $0x1A6A0, s23;
	v5 =	vadd.f32 v5, v0;
	v7 =	vmul.f32 $1.732050900e+01, v7  }
0x3a4: {  	[tilespmem:s2+$0x180] =	vst v9;
	s29 =	sadd.s32 $0x200, s17;
	s18 =	sand.u32 $0x50, s18;
	s10 =	sor.u32 s24, s25;
	v8 =	vmul.f32 $1.732050900e+01, v8;
	v6 =	vadd.f32 v6, v0  }
0x3a5: {  	s22 =	sand.u32 $0x60, s26;
	s31 =	sadd.s32 $0xFFFFFFD0, s0;
	s2 =	sadd.s32 s28, s25;
	[tilespmem:s10+$0x180] =	vst v5;
	v5 =	vadd.f32 v7, v0;
	v4 =	vmul.f32 $1.732050900e+01, v4  }
0x3a6: {  	s21 =	sand.u32 $0x70, s0;
	s30 =	sadd.s32 s22, s25;
	s10 =	sand.u32 $0x1C00, s29;
	v3 =	vmul.f32 $1.732050900e+01, v3;
	v7 =	vadd.f32 v8, v0;
	[tilespmem:s2+$0x180] =	vst v6  }
0x3a7: {  	s18 =	sor.u32 s18, s25;
	v2 =	vmul.f32 $1.732050900e+01, v2;
	v1 =	vmul.f32 $1.732050900e+01, v1;
	s2 =	sand.u32 $0x40, s31;
	s10 =	sadd.s32 $0x1A6A0, s10;
	[tilespmem:s30+$0x180] =	vst v5;
	v4 =	vadd.f32 v4, v0  }
0x3a8: {  	s22 =	sadd.s32 $0xFFFFFFF0, s0;
	s0 =	sadd.s32 $0xFFFFFFE0, s0;
	s2 =	sor.u32 s2, s10;
	v3 =	vadd.f32 v3, v0;
	[tilespmem:s18+$0x180] =	vst v7  }
0x3a9: {  	s0 =	sand.u32 $0x50, s0;
	v2 =	vadd.f32 v2, v0;
	s17 =	sadd.s32 s21, s10;
	v0 =	vadd.f32 v1, v0;
	[tilespmem:s2+$0x180] =	vst v4  }
0x3aa: {  	s23 =	sand.u32 $0x60, s22;
	s0 =	sor.u32 s0, s10;
	[tilespmem:s17+$0x180] =	vst v3  }
0x3ab: {  	s2 =	sadd.s32 s23, s10;
	[tilespmem:s0+$0x180] =	vst v0  }
0x3ac: {  	s24 =	simm.s32 $0x196D0;
	[tilespmem:s2+$0x180] =	vst v2  }
0x3ad: {  	v1 =	vld [tilespmem:s24+$0x0]  }
0x3ae: {  	v0 =	vld [tilespmem:$0x1F2E0]  }
0x3af: {  	v2 =	vld [tilespmem:s24+$0xFFFFFFD0]  }
0x3b0: {  	v3 =	vld [tilespmem:s24+$0xFFFFFFE0]  }
0x3b1: {  	s25 =	simm.s32 $0x19710;
	v4 =	vld [tilespmem:s24+$0xFFFFFFF0]  }
0x3b2: {  	v5 =	vld [tilespmem:s25+$0x0]  }
0x3b3: {  	v6 =	vld [tilespmem:s25+$0xFFFFFFD0]  }
0x3b4: {  	v7 =	vld [tilespmem:s25+$0xFFFFFFE0]  }
0x3b5: {  	s28 =	simm.s32 $0x19750;
	v8 =	vld [tilespmem:s25+$0xFFFFFFF0]  }
0x3b6: {  	v11 =	vld [tilespmem:s28+$0x0]  }
0x3b7: {  	v9 =	vld.idx.msk [tilespmem:v2+s6+$0x0], $0xffff  }
0x3b8: {  	p0 =	por $0x0, $0x0;
	s22 =	simm.s32 $0x20;
	s21 =	simm.s32 $0x0;
	v1 =	vld.idx.msk [tilespmem:v1+s6+$0x0], $0xffff  }
0x3b9: {  	s26 =	sand.u32 $0x7, s21;
	s18 =	simm.s32 $0x1;
	s0 =	simm.s32 $0x1;
	v10 =	vld.idx.msk [tilespmem:v3+s6+$0x0], $0xffff  }
0x3ba: {  	s23 =	simm.s32 $0x4;
	s0 =	simm.s32 @!p0 $0x0;
	s2 =	sshll.u32 s26, $0x4;
	v4 =	vld.idx.msk [tilespmem:v4+s6+$0x0], $0xffff  }
0x3bb: {  	p0 =	por !p0, !p0;
	s31 =	sand.u32 $0x7, s23;
	s0 =	sshll.u32 s0, $0x6;
	v5 =	vld.idx.msk [tilespmem:v5+s6+$0x0], $0xffff  }
0x3bc: {  	s2 =	sadd.s32 $0x0, s2;
	s25 =	simm.s32 $0x8;
	s18 =	simm.s32 @!p0 $0x0;
	v9 =	vmul.f32 $1.732050900e+01, v9  }
0x3bd: {  	s24 =	sand.u32 $0x3, s21;
	s0 =	sadd.s32 $0x0, s0;
	s29 =	sadd.s32 $0x10, s2;
	v2 =	vld [tilespmem:s28+$0xFFFFFFD0];
	v1 =	vmul.f32 $1.732050900e+01, v1  }
0x3be: {  	s2 =	sadd.s32 $0x30, s2;
	s30 =	sshll.u32 s18, $0x6;
	s24 =	sshll.u32 s24, $0x5;
	v3 =	vld [tilespmem:s28+$0xFFFFFFE0];
	v10 =	vmul.f32 $1.732050900e+01, v10;
	v9 =	vadd.f32 v9, v0  }
0x3bf: {  	s18 =	sshll.u32 s31, $0x4;
	s0 =	sor.u32 $0x200, s0;
	s17 =	sor.u32 $0x200, s29;
	v7 =	vld.idx.msk [tilespmem:v7+s6+$0x0], $0xffff;
	v13 =	vmul.f32 $1.732050900e+01, v4;
	v12 =	vadd.f32 v1, v0  }
0x3c0: {  	s2 =	sor.u32 $0x200, s2;
	s26 =	sadd.s32 $0x20, s24;
	s24 =	simm.s32 $0x200;
	v4 =	vld.idx.msk [tilespmem:v6+s6+$0x0], $0xffff;
	v6 =	vadd.f32 v10, v0;
	[tilespmem:s0+$0x1A6A0] =	vst v9;
	v9 =	vmul.f32 $1.732050900e+01, v5  }
0x3c1: {  	s29 =	sor.u32 $0x200, s26;
	v1 =	vld [tilespmem:s28+$0xFFFFFFF0];
	v10 =	vadd.f32 v13, v0;
	s28 =	sadd.s32 $0x200, s30;
	[tilespmem:s2+$0x1A6A0] =	vst v12;
	s2 =	sadd.s32 $0x200, s18  }
0x3c2: {  	s26 =	sor.u32 $0x200, s28;
	v5 =	vld.idx.msk [tilespmem:v8+s6+$0x0], $0xffff;
	[tilespmem:s17+$0x1A6A0] =	vst v6;
	s30 =	sadd.s32 $0x10, s2;
	s31 =	sadd.s32 $0x30, s2;
	v8 =	vadd.f32 v9, v0  }
0x3c3: {  	[tilespmem:s29+$0x1A6A0] =	vst v10;
	v6 =	vld.idx.msk [tilespmem:v11+s6+$0x0], $0xffff;
	s2 =	simm.s32 $0x19790;
	s0 =	sor.u32 $0x200, s30;
	s10 =	sor.u32 $0x200, s31  }
.LBB2_46:
0x3c4: {  	v9 =	vld [tilespmem:s2+$0x0];
	s25 =	sadd.s32 $0x4, s25;
	[tilespmem:s10+$0x1A6A0] =	vst v8  }
0x3c5: {  	v4 =	vmul.f32 $1.732050900e+01, v4;
	p0 =	por !p0, !p0;
	s22 =	sadd.s32 $0x200, s22;
	v8 =	vld [tilespmem:s2+$0xFFFFFFD0];
	p1 =	slt.u32 s25, $0x3C  }
0x3c6: {  	s21 =	sadd.s32 $0x2, s21;
	s10 =	simm.s32 $0x1;
	s23 =	sadd.s32 $0x4, s23;
	v7 =	vmul.f32 $1.732050900e+01, v7;
	v10 =	vld [tilespmem:s2+$0xFFFFFFE0]  }
0x3c7: {  	s10 =	simm.s32 @!p0 $0x0;
	s17 =	sand.u32 $0x3, s21;
	s18 =	sand.u32 $0x7, s23;
	v12 =	vadd.f32 v4, v0;
	v5 =	vmul.f32 $1.732050900e+01, v5;
	v11 =	vld [tilespmem:s2+$0xFFFFFFF0]  }
.Ltmp26:
0x3c8: {  	s10 =	sshll.u32 s10, $0x6;
	s17 =	sshll.u32 s17, $0x5;
	v13 =	vadd.f32 v7, v0;
	v4 =	vld.idx.msk [tilespmem:v2+s6+$0x0], $0xffff;
	(pc) =	sbr.rel @p1 .LBB2_46-.Ltmp26, $4  }
0x3c9: {  	s24 =	sadd.s32 $0x200, s24;
	s18 =	sshll.u32 s18, $0x4;
	s17 =	sadd.s32 s17, s22;
	v14 =	vmul.f32 $1.732050900e+01, v6;
	v6 =	vadd.f32 v5, v0;
	v7 =	vld.idx.msk [tilespmem:v3+s6+$0x0], $0xffff;
	[tilespmem:s26+$0x1A6A0] =	vst v12  }
0x3ca: {  	s10 =	sadd.s32 s10, s24;
	s18 =	sadd.s32 s18, s24;
	v5 =	vld.idx.msk [tilespmem:v1+s6+$0x0], $0xffff;
	[tilespmem:s0+$0x1A6A0] =	vst v13;
	s0 =	sor.u32 $0x200, s17;
	v2 =	vmov v8  }
0x3cb: {  	s26 =	sor.u32 $0x200, s10;
	s10 =	sadd.s32 $0x10, s18;
	v8 =	vadd.f32 v14, v0;
	s17 =	sadd.s32 $0x30, s18;
	[tilespmem:s0+$0x1A6A0] =	vst v6;
	v3 =	vmov v10  }
0x3cc: {  	s2 =	sadd.s32 $0x40, s2;
	s0 =	sor.u32 $0x200, s10;
	s10 =	sor.u32 $0x200, s17;
	v6 =	vld.idx.msk [tilespmem:v9+s6+$0x0], $0xffff;
	v1 =	vmov v11  }
0x3cd: {  	_ =	sdelay $0x3  }
0x3ce: {  	v2 =	vld.idx.msk [tilespmem:v2+s6+$0x0], $0xffff  }
0x3cf: {  	v4 =	vmul.f32 $1.732050900e+01, v4;
	p0 =	por !p0, !p0;
	s2 =	sadd.s32 $0x200, s22;
	s17 =	simm.s32 $0x1;
	v3 =	vld.idx.msk [tilespmem:v3+s6+$0x0], $0xffff  }
0x3d0: {  	s18 =	sadd.s32 $0x2, s21;
	s30 =	sadd.s32 $0x4, s23;
	v1 =	vld.idx.msk [tilespmem:v1+s6+$0x0], $0xffff;
	s25 =	sadd.s32 $0x200, s24;
	v7 =	vmul.f32 $1.732050900e+01, v7  }
0x3d1: {  	s17 =	simm.s32 @!p0 $0x0;
	s31 =	sand.u32 $0x3, s18;
	s21 =	sand.u32 $0x7, s30;
	v4 =	vadd.f32 v4, v0;
	v5 =	vmul.f32 $1.732050900e+01, v5  }
0x3d2: {  	[tilespmem:s10+$0x1A6A0] =	vst v8;
	s18 =	sadd.s32 $0x2, s18;
	s23 =	sshll.u32 s31, $0x5;
	s21 =	sshll.u32 s21, $0x4;
	v7 =	vadd.f32 v7, v0;
	v6 =	vmul.f32 $1.732050900e+01, v6  }
0x3d3: {  	s17 =	sshll.u32 s17, $0x6;
	s10 =	sadd.s32 s23, s2;
	s21 =	sadd.s32 s21, s25;
	[tilespmem:s26+$0x1A6A0] =	vst v4;
	v4 =	vadd.f32 v5, v0;
	v2 =	vmul.f32 $1.732050900e+01, v2  }
0x3d4: {  	s30 =	sand.u32 $0x3, s18;
	s26 =	sor.u32 $0x200, s10;
	s28 =	sadd.s32 $0x30, s21;
	[tilespmem:s0+$0x1A6A0] =	vst v7;
	v3 =	vmul.f32 $1.732050900e+01, v3;
	v5 =	vadd.f32 v6, v0  }
0x3d5: {  	s17 =	sadd.s32 s17, s25;
	s2 =	sadd.s32 $0x200, s2;
	s29 =	sor.u32 $0x200, s28;
	v1 =	vmul.f32 $1.732050900e+01, v1;
	[tilespmem:s26+$0x1A6A0] =	vst v4;
	v2 =	vadd.f32 v2, v0  }
0x3d6: {  	s17 =	sor.u32 $0x200, s17;
	s31 =	sadd.s32 $0x10, s21;
	s21 =	sshll.u32 s30, $0x5;
	v3 =	vadd.f32 v3, v0;
	[tilespmem:s29+$0x1A6A0] =	vst v5  }
0x3d7: {  	s22 =	sor.u32 $0x200, s31;
	s0 =	sadd.s32 s21, s2;
	v0 =	vadd.f32 v1, v0;
	[tilespmem:s17+$0x1A6A0] =	vst v2  }
0x3d8: {  	s0 =	sor.u32 $0x200, s0;
	[tilespmem:s22+$0x1A6A0] =	vst v3  }
0x3d9: {  	s23 =	simm.s32 $0x19AD0;
	[tilespmem:s0+$0x1A6A0] =	vst v0  }
0x3da: {  	v1 =	vld [tilespmem:s23+$0x0]  }
0x3db: {  	v0 =	vld [tilespmem:$0x1F2F0]  }
0x3dc: {  	v2 =	vld [tilespmem:s23+$0xFFFFFFD0]  }
0x3dd: {  	v3 =	vld [tilespmem:s23+$0xFFFFFFE0]  }
0x3de: {  	s24 =	simm.s32 $0x19B10;
	v4 =	vld [tilespmem:s23+$0xFFFFFFF0]  }
0x3df: {  	v5 =	vld [tilespmem:s24+$0x0]  }
0x3e0: {  	v6 =	vld [tilespmem:s24+$0xFFFFFFD0]  }
0x3e1: {  	v7 =	vld [tilespmem:s24+$0xFFFFFFE0]  }
0x3e2: {  	s26 =	simm.s32 $0x19B50;
	v8 =	vld [tilespmem:s24+$0xFFFFFFF0]  }
0x3e3: {  	v11 =	vld [tilespmem:s26+$0x0]  }
0x3e4: {  	s21 =	simm.s32 $0x0;
	v9 =	vld.idx.msk [tilespmem:v2+s6+$0x0], $0xffff  }
0x3e5: {  	p0 =	por $0x0, $0x0;
	s25 =	sand.u32 $0x7, s21;
	v1 =	vld.idx.msk [tilespmem:v1+s6+$0x0], $0xffff  }
0x3e6: {  	s18 =	simm.s32 $0x1;
	s2 =	sshll.u32 s25, $0x4;
	s25 =	simm.s32 $0x8;
	v10 =	vld.idx.msk [tilespmem:v3+s6+$0x0], $0xffff  }
0x3e7: {  	s2 =	sadd.s32 $0x0, s2;
	s29 =	sand.u32 $0x3, s21;
	s0 =	simm.s32 $0x1;
	v4 =	vld.idx.msk [tilespmem:v4+s6+$0x0], $0xffff  }
0x3e8: {  	s22 =	simm.s32 $0x20;
	s28 =	sadd.s32 $0x10, s2;
	s2 =	sadd.s32 $0x30, s2;
	v5 =	vld.idx.msk [tilespmem:v5+s6+$0x0], $0xffff  }
0x3e9: {  	s0 =	simm.s32 @!p0 $0x0;
	s17 =	sor.u32 $0x280, s28;
	s2 =	sor.u32 $0x280, s2;
	v9 =	vmul.f32 $1.732050900e+01, v9  }
0x3ea: {  	p0 =	por !p0, !p0;
	s23 =	simm.s32 $0x4;
	s0 =	sshll.u32 s0, $0x6;
	v2 =	vld [tilespmem:s26+$0xFFFFFFD0];
	v1 =	vmul.f32 $1.732050900e+01, v1  }
0x3eb: {  	s24 =	sshll.u32 s29, $0x5;
	s18 =	simm.s32 @!p0 $0x0;
	s0 =	sadd.s32 $0x0, s0;
	v3 =	vld [tilespmem:s26+$0xFFFFFFE0];
	v10 =	vmul.f32 $1.732050900e+01, v10;
	v9 =	vadd.f32 v9, v0  }
0x3ec: {  	s31 =	sand.u32 $0x7, s23;
	s30 =	sshll.u32 s18, $0x6;
	s0 =	sor.u32 $0x280, s0;
	v13 =	vmul.f32 $1.732050900e+01, v4;
	v4 =	vld.idx.msk [tilespmem:v6+s6+$0x0], $0xffff;
	v12 =	vadd.f32 v1, v0  }
0x3ed: {  	s18 =	sshll.u32 s31, $0x4;
	s28 =	sadd.s32 $0x200, s30;
	v1 =	vld [tilespmem:s26+$0xFFFFFFF0];
	v6 =	vadd.f32 v10, v0;
	s26 =	sadd.s32 $0x20, s24;
	[tilespmem:s0+$0x1A6A0] =	vst v9;
	v9 =	vmul.f32 $1.732050900e+01, v5  }
0x3ee: {  	v7 =	vld.idx.msk [tilespmem:v7+s6+$0x0], $0xffff;
	s24 =	simm.s32 $0x200;
	v10 =	vadd.f32 v13, v0;
	s29 =	sor.u32 $0x280, s26;
	[tilespmem:s2+$0x1A6A0] =	vst v12;
	s2 =	sadd.s32 $0x200, s18  }
0x3ef: {  	s26 =	sor.u32 $0x280, s28;
	v5 =	vld.idx.msk [tilespmem:v8+s6+$0x0], $0xffff;
	[tilespmem:s17+$0x1A6A0] =	vst v6;
	s30 =	sadd.s32 $0x10, s2;
	s31 =	sadd.s32 $0x30, s2;
	v8 =	vadd.f32 v9, v0  }
0x3f0: {  	[tilespmem:s29+$0x1A6A0] =	vst v10;
	v6 =	vld.idx.msk [tilespmem:v11+s6+$0x0], $0xffff;
	s2 =	simm.s32 $0x19B90;
	s0 =	sor.u32 $0x280, s30;
	s10 =	sor.u32 $0x280, s31  }
.LBB2_48:
0x3f1: {  	v9 =	vld [tilespmem:s2+$0x0];
	s25 =	sadd.s32 $0x4, s25;
	[tilespmem:s10+$0x1A6A0] =	vst v8  }
0x3f2: {  	v4 =	vmul.f32 $1.732050900e+01, v4;
	p0 =	por !p0, !p0;
	s22 =	sadd.s32 $0x200, s22;
	v8 =	vld [tilespmem:s2+$0xFFFFFFD0];
	p1 =	slt.u32 s25, $0x3C  }
0x3f3: {  	s21 =	sadd.s32 $0x2, s21;
	s10 =	simm.s32 $0x1;
	s23 =	sadd.s32 $0x4, s23;
	v7 =	vmul.f32 $1.732050900e+01, v7;
	v10 =	vld [tilespmem:s2+$0xFFFFFFE0]  }
0x3f4: {  	s10 =	simm.s32 @!p0 $0x0;
	s17 =	sand.u32 $0x3, s21;
	s18 =	sand.u32 $0x7, s23;
	v12 =	vadd.f32 v4, v0;
	v5 =	vmul.f32 $1.732050900e+01, v5;
	v11 =	vld [tilespmem:s2+$0xFFFFFFF0]  }
.Ltmp27:
0x3f5: {  	s10 =	sshll.u32 s10, $0x6;
	s17 =	sshll.u32 s17, $0x5;
	v13 =	vadd.f32 v7, v0;
	v4 =	vld.idx.msk [tilespmem:v2+s6+$0x0], $0xffff;
	(pc) =	sbr.rel @p1 .LBB2_48-.Ltmp27, $4  }
0x3f6: {  	s24 =	sadd.s32 $0x200, s24;
	s18 =	sshll.u32 s18, $0x4;
	s17 =	sadd.s32 s17, s22;
	v14 =	vmul.f32 $1.732050900e+01, v6;
	v6 =	vadd.f32 v5, v0;
	v7 =	vld.idx.msk [tilespmem:v3+s6+$0x0], $0xffff;
	[tilespmem:s26+$0x1A6A0] =	vst v12  }
0x3f7: {  	s10 =	sadd.s32 s10, s24;
	s18 =	sadd.s32 s18, s24;
	v5 =	vld.idx.msk [tilespmem:v1+s6+$0x0], $0xffff;
	[tilespmem:s0+$0x1A6A0] =	vst v13;
	s0 =	sor.u32 $0x280, s17;
	v2 =	vmov v8  }
0x3f8: {  	s26 =	sor.u32 $0x280, s10;
	s10 =	sadd.s32 $0x10, s18;
	v8 =	vadd.f32 v14, v0;
	s17 =	sadd.s32 $0x30, s18;
	[tilespmem:s0+$0x1A6A0] =	vst v6;
	v3 =	vmov v10  }
0x3f9: {  	s2 =	sadd.s32 $0x40, s2;
	s0 =	sor.u32 $0x280, s10;
	s10 =	sor.u32 $0x280, s17;
	v6 =	vld.idx.msk [tilespmem:v9+s6+$0x0], $0xffff;
	v1 =	vmov v11  }
0x3fa: {  	_ =	sdelay $0x3  }
0x3fb: {  	v2 =	vld.idx.msk [tilespmem:v2+s6+$0x0], $0xffff  }
0x3fc: {  	v4 =	vmul.f32 $1.732050900e+01, v4;
	p0 =	por !p0, !p0;
	s2 =	sadd.s32 $0x200, s22;
	s17 =	simm.s32 $0x1;
	v3 =	vld.idx.msk [tilespmem:v3+s6+$0x0], $0xffff  }
0x3fd: {  	s18 =	sadd.s32 $0x2, s21;
	s30 =	sadd.s32 $0x4, s23;
	v1 =	vld.idx.msk [tilespmem:v1+s6+$0x0], $0xffff;
	s25 =	sadd.s32 $0x200, s24;
	v7 =	vmul.f32 $1.732050900e+01, v7  }
0x3fe: {  	s17 =	simm.s32 @!p0 $0x0;
	s31 =	sand.u32 $0x3, s18;
	s21 =	sand.u32 $0x7, s30;
	v4 =	vadd.f32 v4, v0;
	v5 =	vmul.f32 $1.732050900e+01, v5  }
0x3ff: {  	[tilespmem:s10+$0x1A6A0] =	vst v8;
	s18 =	sadd.s32 $0x2, s18;
	s23 =	sshll.u32 s31, $0x5;
	s21 =	sshll.u32 s21, $0x4;
	v7 =	vadd.f32 v7, v0;
	v6 =	vmul.f32 $1.732050900e+01, v6  }
0x400: {  	s17 =	sshll.u32 s17, $0x6;
	s10 =	sadd.s32 s23, s2;
	s21 =	sadd.s32 s21, s25;
	[tilespmem:s26+$0x1A6A0] =	vst v4;
	v4 =	vadd.f32 v5, v0;
	v2 =	vmul.f32 $1.732050900e+01, v2  }
0x401: {  	s30 =	sand.u32 $0x3, s18;
	s26 =	sor.u32 $0x280, s10;
	s28 =	sadd.s32 $0x30, s21;
	[tilespmem:s0+$0x1A6A0] =	vst v7;
	v3 =	vmul.f32 $1.732050900e+01, v3;
	v5 =	vadd.f32 v6, v0  }
0x402: {  	s17 =	sadd.s32 s17, s25;
	s2 =	sadd.s32 $0x200, s2;
	s29 =	sor.u32 $0x280, s28;
	v1 =	vmul.f32 $1.732050900e+01, v1;
	[tilespmem:s26+$0x1A6A0] =	vst v4;
	v2 =	vadd.f32 v2, v0  }
0x403: {  	s17 =	sor.u32 $0x280, s17;
	s31 =	sadd.s32 $0x10, s21;
	s21 =	sshll.u32 s30, $0x5;
	v3 =	vadd.f32 v3, v0;
	[tilespmem:s29+$0x1A6A0] =	vst v5  }
0x404: {  	s22 =	sor.u32 $0x280, s31;
	s0 =	sadd.s32 s21, s2;
	v0 =	vadd.f32 v1, v0;
	[tilespmem:s17+$0x1A6A0] =	vst v2  }
0x405: {  	s0 =	sor.u32 $0x280, s0;
	[tilespmem:s22+$0x1A6A0] =	vst v3  }
0x406: {  	s23 =	simm.s32 $0x19ED0;
	[tilespmem:s0+$0x1A6A0] =	vst v0  }
0x407: {  	v1 =	vld [tilespmem:s23+$0x0]  }
0x408: {  	v0 =	vld [tilespmem:$0x1F300]  }
0x409: {  	v2 =	vld [tilespmem:s23+$0xFFFFFFD0]  }
0x40a: {  	v3 =	vld [tilespmem:s23+$0xFFFFFFE0]  }
0x40b: {  	s24 =	simm.s32 $0x19F10;
	v4 =	vld [tilespmem:s23+$0xFFFFFFF0]  }
0x40c: {  	v5 =	vld [tilespmem:s24+$0x0]  }
0x40d: {  	v6 =	vld [tilespmem:s24+$0xFFFFFFD0]  }
0x40e: {  	v7 =	vld [tilespmem:s24+$0xFFFFFFE0]  }
0x40f: {  	s26 =	simm.s32 $0x19F50;
	v8 =	vld [tilespmem:s24+$0xFFFFFFF0]  }
0x410: {  	v11 =	vld [tilespmem:s26+$0x0]  }
0x411: {  	s21 =	simm.s32 $0x0;
	v9 =	vld.idx.msk [tilespmem:v2+s6+$0x0], $0xffff  }
0x412: {  	p0 =	por $0x0, $0x0;
	s25 =	sand.u32 $0x7, s21;
	v1 =	vld.idx.msk [tilespmem:v1+s6+$0x0], $0xffff  }
0x413: {  	s18 =	simm.s32 $0x1;
	s2 =	sshll.u32 s25, $0x4;
	s25 =	simm.s32 $0x8;
	v10 =	vld.idx.msk [tilespmem:v3+s6+$0x0], $0xffff  }
0x414: {  	s2 =	sadd.s32 $0x0, s2;
	s29 =	sand.u32 $0x3, s21;
	s0 =	simm.s32 $0x1;
	v4 =	vld.idx.msk [tilespmem:v4+s6+$0x0], $0xffff  }
0x415: {  	s22 =	simm.s32 $0x20;
	s28 =	sadd.s32 $0x10, s2;
	s2 =	sadd.s32 $0x30, s2;
	v5 =	vld.idx.msk [tilespmem:v5+s6+$0x0], $0xffff  }
0x416: {  	s0 =	simm.s32 @!p0 $0x0;
	s17 =	sor.u32 $0x300, s28;
	s2 =	sor.u32 $0x300, s2;
	v9 =	vmul.f32 $1.732050900e+01, v9  }
0x417: {  	p0 =	por !p0, !p0;
	s23 =	simm.s32 $0x4;
	s0 =	sshll.u32 s0, $0x6;
	v2 =	vld [tilespmem:s26+$0xFFFFFFD0];
	v1 =	vmul.f32 $1.732050900e+01, v1  }
0x418: {  	s24 =	sshll.u32 s29, $0x5;
	s18 =	simm.s32 @!p0 $0x0;
	s0 =	sadd.s32 $0x0, s0;
	v3 =	vld [tilespmem:s26+$0xFFFFFFE0];
	v10 =	vmul.f32 $1.732050900e+01, v10;
	v9 =	vadd.f32 v9, v0  }
0x419: {  	s31 =	sand.u32 $0x7, s23;
	s30 =	sshll.u32 s18, $0x6;
	s0 =	sor.u32 $0x300, s0;
	v13 =	vmul.f32 $1.732050900e+01, v4;
	v4 =	vld.idx.msk [tilespmem:v6+s6+$0x0], $0xffff;
	v12 =	vadd.f32 v1, v0  }
0x41a: {  	s18 =	sshll.u32 s31, $0x4;
	s28 =	sadd.s32 $0x200, s30;
	v1 =	vld [tilespmem:s26+$0xFFFFFFF0];
	v6 =	vadd.f32 v10, v0;
	s26 =	sadd.s32 $0x20, s24;
	[tilespmem:s0+$0x1A6A0] =	vst v9;
	v9 =	vmul.f32 $1.732050900e+01, v5  }
0x41b: {  	v7 =	vld.idx.msk [tilespmem:v7+s6+$0x0], $0xffff;
	s24 =	simm.s32 $0x200;
	v10 =	vadd.f32 v13, v0;
	s29 =	sor.u32 $0x300, s26;
	[tilespmem:s2+$0x1A6A0] =	vst v12;
	s2 =	sadd.s32 $0x200, s18  }
0x41c: {  	s26 =	sor.u32 $0x300, s28;
	v5 =	vld.idx.msk [tilespmem:v8+s6+$0x0], $0xffff;
	[tilespmem:s17+$0x1A6A0] =	vst v6;
	s30 =	sadd.s32 $0x10, s2;
	s31 =	sadd.s32 $0x30, s2;
	v8 =	vadd.f32 v9, v0  }
0x41d: {  	[tilespmem:s29+$0x1A6A0] =	vst v10;
	v6 =	vld.idx.msk [tilespmem:v11+s6+$0x0], $0xffff;
	s2 =	simm.s32 $0x19F90;
	s0 =	sor.u32 $0x300, s30;
	s10 =	sor.u32 $0x300, s31  }
.LBB2_50:
0x41e: {  	v9 =	vld [tilespmem:s2+$0x0];
	s25 =	sadd.s32 $0x4, s25;
	[tilespmem:s10+$0x1A6A0] =	vst v8  }
0x41f: {  	v4 =	vmul.f32 $1.732050900e+01, v4;
	p0 =	por !p0, !p0;
	s22 =	sadd.s32 $0x200, s22;
	v8 =	vld [tilespmem:s2+$0xFFFFFFD0];
	p1 =	slt.u32 s25, $0x3C  }
0x420: {  	s21 =	sadd.s32 $0x2, s21;
	s10 =	simm.s32 $0x1;
	s23 =	sadd.s32 $0x4, s23;
	v7 =	vmul.f32 $1.732050900e+01, v7;
	v10 =	vld [tilespmem:s2+$0xFFFFFFE0]  }
0x421: {  	s10 =	simm.s32 @!p0 $0x0;
	s17 =	sand.u32 $0x3, s21;
	s18 =	sand.u32 $0x7, s23;
	v12 =	vadd.f32 v4, v0;
	v5 =	vmul.f32 $1.732050900e+01, v5;
	v11 =	vld [tilespmem:s2+$0xFFFFFFF0]  }
.Ltmp28:
0x422: {  	s10 =	sshll.u32 s10, $0x6;
	s17 =	sshll.u32 s17, $0x5;
	v13 =	vadd.f32 v7, v0;
	v4 =	vld.idx.msk [tilespmem:v2+s6+$0x0], $0xffff;
	(pc) =	sbr.rel @p1 .LBB2_50-.Ltmp28, $4  }
0x423: {  	s24 =	sadd.s32 $0x200, s24;
	s18 =	sshll.u32 s18, $0x4;
	s17 =	sadd.s32 s17, s22;
	v14 =	vmul.f32 $1.732050900e+01, v6;
	v6 =	vadd.f32 v5, v0;
	v7 =	vld.idx.msk [tilespmem:v3+s6+$0x0], $0xffff;
	[tilespmem:s26+$0x1A6A0] =	vst v12  }
0x424: {  	s10 =	sadd.s32 s10, s24;
	s18 =	sadd.s32 s18, s24;
	v5 =	vld.idx.msk [tilespmem:v1+s6+$0x0], $0xffff;
	[tilespmem:s0+$0x1A6A0] =	vst v13;
	s0 =	sor.u32 $0x300, s17;
	v2 =	vmov v8  }
0x425: {  	s26 =	sor.u32 $0x300, s10;
	s10 =	sadd.s32 $0x10, s18;
	v8 =	vadd.f32 v14, v0;
	s17 =	sadd.s32 $0x30, s18;
	[tilespmem:s0+$0x1A6A0] =	vst v6;
	v3 =	vmov v10  }
0x426: {  	s2 =	sadd.s32 $0x40, s2;
	s0 =	sor.u32 $0x300, s10;
	s10 =	sor.u32 $0x300, s17;
	v6 =	vld.idx.msk [tilespmem:v9+s6+$0x0], $0xffff;
	v1 =	vmov v11  }
0x427: {  	_ =	sdelay $0x3  }
0x428: {  	v2 =	vld.idx.msk [tilespmem:v2+s6+$0x0], $0xffff  }
0x429: {  	v4 =	vmul.f32 $1.732050900e+01, v4;
	p0 =	por !p0, !p0;
	s2 =	sadd.s32 $0x200, s22;
	s17 =	simm.s32 $0x1;
	v3 =	vld.idx.msk [tilespmem:v3+s6+$0x0], $0xffff  }
0x42a: {  	s18 =	sadd.s32 $0x2, s21;
	s23 =	sadd.s32 $0x4, s23;
	v1 =	vld.idx.msk [tilespmem:v1+s6+$0x0], $0xffff;
	s29 =	sadd.s32 $0x200, s24;
	v7 =	vmul.f32 $1.732050900e+01, v7  }
0x42b: {  	s17 =	simm.s32 @!p0 $0x0;
	s25 =	sand.u32 $0x3, s18;
	s21 =	sand.u32 $0x7, s23;
	v4 =	vadd.f32 v4, v0;
	v5 =	vmul.f32 $1.732050900e+01, v5  }
0x42c: {  	[tilespmem:s10+$0x1A6A0] =	vst v8;
	s18 =	sadd.s32 $0x2, s18;
	s28 =	sshll.u32 s25, $0x5;
	s21 =	sshll.u32 s21, $0x4;
	v7 =	vadd.f32 v7, v0;
	v6 =	vmul.f32 $1.732050900e+01, v6  }
0x42d: {  	s17 =	sshll.u32 s17, $0x6;
	s10 =	sadd.s32 s28, s2;
	s21 =	sadd.s32 s21, s29;
	[tilespmem:s26+$0x1A6A0] =	vst v4;
	v4 =	vadd.f32 v5, v0;
	v2 =	vmul.f32 $1.732050900e+01, v2  }
0x42e: {  	s23 =	sand.u32 $0x3, s18;
	s30 =	sor.u32 $0x300, s10;
	s31 =	sadd.s32 $0x30, s21;
	[tilespmem:s0+$0x1A6A0] =	vst v7;
	v3 =	vmul.f32 $1.732050900e+01, v3;
	v5 =	vadd.f32 v6, v0  }
0x42f: {  	s25 =	sadd.s32 $0x200, s2;
	s17 =	sadd.s32 s17, s29;
	s22 =	sor.u32 $0x300, s31;
	v1 =	vmul.f32 $1.732050900e+01, v1;
	[tilespmem:s30+$0x1A6A0] =	vst v4;
	v2 =	vadd.f32 v2, v0  }
0x430: {  	s17 =	sor.u32 $0x300, s17;
	s24 =	sadd.s32 $0x10, s21;
	s26 =	sshll.u32 s23, $0x5;
	v3 =	vadd.f32 v3, v0;
	[tilespmem:s22+$0x1A6A0] =	vst v5  }
0x431: {  	s28 =	sor.u32 $0x300, s24;
	s0 =	sadd.s32 s26, s25;
	v0 =	vadd.f32 v1, v0;
	[tilespmem:s17+$0x1A6A0] =	vst v2  }
0x432: {  	s0 =	sor.u32 $0x300, s0;
	[tilespmem:s28+$0x1A6A0] =	vst v3  }
0x433: {  	s29 =	simm.s32 $0x1A2D0;
	[tilespmem:s0+$0x1A6A0] =	vst v0  }
0x434: {  	v1 =	vld [tilespmem:s29+$0x0];
	_ =	sdelay $0x3  }
0x435: {  	v3 =	vld [tilespmem:s29+$0xFFFFFFD0]  }
0x436: {  	v5 =	vld [tilespmem:s29+$0xFFFFFFE0]  }
0x437: {  	s30 =	simm.s32 $0x1A310;
	v6 =	vld [tilespmem:s29+$0xFFFFFFF0]  }
0x438: {  	v9 =	vld [tilespmem:s30+$0x0]  }
0x439: {  	v8 =	vld.idx.msk [tilespmem:v1+s6+$0x0], $0xffff  }
0x43a: {  	v0 =	vld [tilespmem:$0x1F310]  }
0x43b: {  	v2 =	vld [tilespmem:s30+$0xFFFFFFF0]  }
0x43c: {  	v7 =	vld [tilespmem:s30+$0xFFFFFFD0]  }
0x43d: {  	v1 =	vld [tilespmem:s30+$0xFFFFFFE0]  }
0x43e: {  	v4 =	vld.idx.msk [tilespmem:v3+s6+$0x0], $0xffff;
	v8 =	vmul.f32 $1.732050900e+01, v8  }
0x43f: {  	s2 =	simm.s32 $0x1A350;
	s21 =	simm.s32 $0x0;
	s22 =	simm.s32 $0x30;
	v5 =	vld.idx.msk [tilespmem:v5+s6+$0x0], $0xffff  }
0x440: {  	s23 =	simm.s32 $0x10;
	s24 =	simm.s32 $0x0;
	s31 =	sor.u32 s22, s21;
	v3 =	vld.idx.msk [tilespmem:v6+s6+$0x0], $0xffff;
	v8 =	vadd.f32 v8, v0  }
0x441: {  	s25 =	simm.s32 $0x20;
	s0 =	simm.s32 $0x4;
	s10 =	sor.u32 $0x380, s31;
	v6 =	vld.idx.msk [tilespmem:v9+s6+$0x0], $0xffff  }
.LBB2_52:
0x442: {  	v9 =	vld [tilespmem:s2+$0x0];
	s0 =	sadd.s32 $0x4, s0;
	s17 =	sor.u32 s24, s21;
	s18 =	sor.u32 s23, s21;
	[tilespmem:s10+$0x1A6A0] =	vst v8  }
0x443: {  	v4 =	vmul.f32 $1.732050900e+01, v4;
	v8 =	vld [tilespmem:s2+$0xFFFFFFE0];
	p0 =	slt.u32 s0, $0x3C;
	s10 =	sor.u32 $0x380, s17;
	s17 =	sor.u32 s25, s21  }
0x444: {  	v5 =	vmul.f32 $1.732050900e+01, v5;
	s18 =	sor.u32 $0x380, s18;
	v10 =	vld [tilespmem:s2+$0xFFFFFFF0];
	s17 =	sor.u32 $0x380, s17  }
0x445: {  	v12 =	vadd.f32 v4, v0;
	v3 =	vmul.f32 $1.732050900e+01, v3;
	v11 =	vld [tilespmem:s2+$0xFFFFFFD0]  }
.Ltmp29:
0x446: {  	v4 =	vld.idx.msk [tilespmem:v7+s6+$0x0], $0xffff;
	v7 =	vadd.f32 v5, v0;
	(pc) =	sbr.rel @p0 .LBB2_52-.Ltmp29, $4  }
0x447: {  	v6 =	vmul.f32 $1.732050900e+01, v6;
	v5 =	vld.idx.msk [tilespmem:v1+s6+$0x0], $0xffff;
	[tilespmem:s10+$0x1A6A0] =	vst v12;
	v12 =	vadd.f32 v3, v0  }
0x448: {  	s22 =	sadd.s32 $0x40, s22;
	s21 =	sadd.s32 $0x200, s21;
	v3 =	vld.idx.msk [tilespmem:v2+s6+$0x0], $0xffff;
	[tilespmem:s18+$0x1A6A0] =	vst v7;
	v1 =	vmov v8  }
0x449: {  	s24 =	sadd.s32 $0xFFFFFFD0, s22;
	s23 =	sadd.s32 $0xFFFFFFE0, s22;
	s10 =	sor.u32 s22, s21;
	v8 =	vadd.f32 v6, v0;
	[tilespmem:s17+$0x1A6A0] =	vst v12;
	v2 =	vmov v10  }
0x44a: {  	s25 =	sadd.s32 $0xFFFFFFF0, s22;
	s2 =	sadd.s32 $0x40, s2;
	s10 =	sor.u32 $0x380, s10;
	v6 =	vld.idx.msk [tilespmem:v9+s6+$0x0], $0xffff;
	v7 =	vmov v11  }
0x44b: {  	_ =	sdelay $0x3  }
0x44c: {  	v7 =	vld.idx.msk [tilespmem:v7+s6+$0x0], $0xffff  }
0x44d: {  	v4 =	vmul.f32 $1.732050900e+01, v4;
	v1 =	vld.idx.msk [tilespmem:v1+s6+$0x0], $0xffff  }
0x44e: {  	v2 =	vld.idx.msk [tilespmem:v2+s6+$0x0], $0xffff;
	v5 =	vmul.f32 $1.732050900e+01, v5  }
0x44f: {  	s0 =	sor.u32 s24, s21;
	s2 =	sor.u32 s23, s21;
	v4 =	vadd.f32 v4, v0;
	v3 =	vmul.f32 $1.732050900e+01, v3  }
0x450: {  	[tilespmem:s10+$0x1A6A0] =	vst v8;
	s24 =	sor.u32 s25, s21;
	s25 =	sadd.s32 $0x40, s22;
	s0 =	sor.u32 $0x380, s0;
	v5 =	vadd.f32 v5, v0;
	v6 =	vmul.f32 $1.732050900e+01, v6  }
0x451: {  	s17 =	sadd.s32 $0x200, s21;
	s2 =	sor.u32 $0x380, s2;
	s10 =	sor.u32 $0x380, s24;
	[tilespmem:s0+$0x1A6A0] =	vst v4;
	v3 =	vadd.f32 v3, v0;
	v60 =	vmul.f32 $1.732050900e+01, v7  }
0x452: {  	s26 =	sadd.s32 $0xFFFFFFD0, s25;
	s18 =	sor.u32 s25, s17;
	s28 =	sadd.s32 $0xFFFFFFE0, s25;
	[tilespmem:s2+$0x1A6A0] =	vst v5;
	v1 =	vmul.f32 $1.732050900e+01, v1;
	v61 =	vadd.f32 v6, v0  }
0x453: {  	s29 =	sor.u32 $0x380, s18;
	s30 =	sor.u32 s28, s17;
	s2 =	sor.u32 s26, s17;
	v2 =	vmul.f32 $1.732050900e+01, v2;
	[tilespmem:s10+$0x1A6A0] =	vst v3;
	v62 =	vadd.f32 v60, v0  }
.Ltmp30:
0x454: {  	s0 =	sadd.s32 $0xFFFFFFF0, s25;
	s2 =	sor.u32 $0x380, s2;
	v1 =	vadd.f32 v1, v0;
	[tilespmem:s29+$0x1A6A0] =	vst v61;
	(pc) =	sbr.rel .LBB2_54-.Ltmp30, $4  }
0x455: {  	s31 =	sor.u32 $0x380, s30;
	s0 =	sor.u32 s0, s17;
	v63 =	vadd.f32 v2, v0;
	[tilespmem:s2+$0x1A6A0] =	vst v62  }
0x456: {  	s0 =	sor.u32 $0x380, s0;
	[tilespmem:s31+$0x1A6A0] =	vst v1  }
0x457: {  	[tilespmem:s0+$0x1A6A0] =	vst v63  }
0x458: {  	[hbm4b:s20+s6] =	stream.linear.scatter [tilespmem:s15], [sflag:$0x1], $0x2000, $0x38;
	[tilespmem:$0x1F320] =	vst v63  }
.LBB2_56:
0x459: {  	_ =	sfence.sel $0x180000  }
0x45a: {  	[bflag:$0x0] =	sbarrier.arrive $0xFFFF  }
0x45b: {  	_ =	strace $0x90000047  }
0x45c: {  	s0 =	stileid.u32;
	[bflag:$0x2] =	sbarrier.arrive $0xFFFF  }
0x45d: {  	p0 =	sne.s32 s0, $0x0;
	s0 =	rddreg [dreg:$0x4]  }
0x45e: {  	s0 =	sadd.s32 @!p0 $0x100000, s0  }
0x45f: {  	[sflag:s0] =	ssyncadd.tile.s32 @!p0 $0x1;
	_ =	shalt  }
.Lfunc_end2:
_tile_overlayer_lowered:
.L_overlay_start_2:
0x460: {  	(tag) =	ssettag $0x2  }
0x461: {  	s0 =	rddreg [dreg:$0x0];
	s2 =	stileid.u32  }
0x462: {  	s1 =	rddreg [dreg:$0x1];
	p0 =	sne.s32 s2, $0x0  }
0x463: {  	s3 =	rddreg [dreg:$0x2];
	[bflag:$0x3] =	sbarrier.arrive $0xFFFF;
	s2 =	simm.s32 @!p0 $0x1C03  }
0x464: {  	[timem:s3], [sflag:s2] =	dma.local @!p0 [hbm:s0], s1  }
0x465: {  	s0 =	simm.s32 @!p0 $0x3  }
0x466: {  	_ =	swait.ge @!p0 [sflag:s0], s1  }
0x467: {  	s1 =	ssub.s32 @!p0 $0x0, s1;
	[sflag:s0] =	ssyncset.done @!p0 $0x0  }
0x468: {  	[sflag:s0] =	ssyncadd.s32 @!p0 s1  }
0x469: {  	[bflag:$0x3] =	sbarrier.arrive $0xFFFF  }
0x46a: {  	_ =	shalt  }

</sc_bundles>
